<compile_context>
chip_gen: v7x
topology: tpu7x:2x2x1
jax: 0.10.2.dev20260603
libtpu: 0.0.44.dev20260713+nightly
codegen_flags: <defaults>
</compile_context>

<pallas_src>
import functools

import jax
import jax.numpy as jnp
from jax import lax
from jax.experimental import pallas as pl
from jax.experimental.pallas import tpu as pltpu
from jax.experimental.pallas import tpu_sc as plsc

NN = 10000
NE = 320000
DH = 128
DO = 64
NG = 64

NC = 2
NS = 16
NW = NC * NS
EPT = NE // NW
CH = 100
NCH = EPT // CH
SCH = 125
SEGC = 8
NSEG = EPT // (SEGC * SCH)
SLAB = 624
TAILO = SLAB * NS
TAILN = NN - TAILO
DEGW = 128

_MESH = plsc.VectorSubcoreMesh(
    core_axis_name="c", subcore_axis_name="s", num_cores=NC, num_subcores=NS)



@functools.partial(
    pl.kernel,
    out_type=jax.ShapeDtypeStruct((NC, NN, DEGW), jnp.float32),
    mesh=_MESH,
    scratch_types=[
        pltpu.VMEM((NCH, CH), jnp.int32),
        pltpu.VMEM((CH, DEGW), jnp.float32),
        pltpu.SemaphoreType.DMA,
        pltpu.VMEM_SHARED((NN, DEGW), jnp.float32),
    ],
)
def _deg_kernel(dst_hbm, ones_hbm, zer_hbm, out_hbm, idx_v, ones_v, sem,
                deg_sh):
    cid = lax.axis_index("c")
    sid = lax.axis_index("s")
    wid = cid * NS + sid
    pltpu.sync_copy(zer_hbm.at[pl.ds(0, SLAB)],
                    deg_sh.at[pl.ds(sid * SLAB, SLAB)])

    @pl.when(sid == NS - 1)
    def _init_tail():
        pltpu.sync_copy(zer_hbm.at[pl.ds(0, TAILN)],
                        deg_sh.at[pl.ds(TAILO, TAILN)])

    pltpu.sync_copy(dst_hbm.at[wid], idx_v)
    pltpu.sync_copy(ones_hbm, ones_v)
    plsc.subcore_barrier()

    def body(q, carry):
        for u in range(4):
            pltpu.async_copy(ones_v, deg_sh.at[idx_v.at[4 * q + u]], sem,
                             add=True)
        for u in range(4):
            pltpu.make_async_copy(ones_v, deg_sh.at[idx_v.at[4 * q + u]],
                                  sem).wait()
        return carry

    lax.fori_loop(0, NCH // 4, body, 0)
    plsc.subcore_barrier()
    pltpu.sync_copy(deg_sh.at[pl.ds(sid * SLAB, SLAB)],
                    out_hbm.at[cid, pl.ds(sid * SLAB, SLAB)])

    @pl.when(sid == NS - 1)
    def _out_tail():
        pltpu.sync_copy(deg_sh.at[pl.ds(TAILO, TAILN)],
                        out_hbm.at[cid, pl.ds(TAILO, TAILN)])


@functools.partial(
    pl.kernel,
    out_type=jax.ShapeDtypeStruct((NC, NN, DH), jnp.float32),
    mesh=_MESH,
    scratch_types=[
        pltpu.VMEM((2, SEGC, SCH), jnp.int32),
        pltpu.VMEM((2, SEGC, SCH), jnp.int32),
        pltpu.VMEM((SCH, DH), jnp.float32),
        pltpu.VMEM((SCH, DH), jnp.float32),
        pltpu.SemaphoreType.DMA,
        pltpu.SemaphoreType.DMA,
        pltpu.SemaphoreType.DMA,
        pltpu.SemaphoreType.DMA,
        pltpu.VMEM_SHARED((NN, DH), jnp.float32),
    ],
)
def _scatter_kernel(g_hbm, idx_hbm, zer_hbm, out_hbm,
                    sega, segb, rows0, rows1, sem0, sem1, semia, semib, s_sh):
    cid = lax.axis_index("c")
    sid = lax.axis_index("s")
    wid = cid * NS + sid
    pltpu.sync_copy(zer_hbm.at[pl.ds(0, SLAB)],
                    s_sh.at[pl.ds(sid * SLAB, SLAB)])

    @pl.when(sid == NS - 1)
    def _init_tail():
        pltpu.sync_copy(zer_hbm.at[pl.ds(0, TAILN)],
                        s_sh.at[pl.ds(TAILO, TAILN)])

    plsc.subcore_barrier()

    def run_seg(seg):
        pltpu.async_copy(g_hbm.at[seg.at[0, 0]], rows0, sem0)
        for j in range(SEGC):
            rows, sem = (rows0, sem0) if j % 2 == 0 else (rows1, sem1)
            if j + 1 < SEGC:
                nrows, nsem = (rows1, sem1) if j % 2 == 0 else (rows0, sem0)
                pltpu.async_copy(g_hbm.at[seg.at[0, j + 1]], nrows, nsem)
            pltpu.make_async_copy(g_hbm.at[seg.at[0, j]], rows, sem).wait()
            pltpu.sync_copy(rows, s_sh.at[seg.at[1, j]], add=True)

    pltpu.sync_copy(idx_hbm.at[wid, 0], sega)

    def seg_pair(t, carry):
        c0 = 2 * t
        pltpu.async_copy(idx_hbm.at[wid, c0 + 1], segb, semib)
        run_seg(sega)

        @pl.when(c0 + 2 < NSEG)
        def _pf():
            pltpu.async_copy(idx_hbm.at[wid, c0 + 2], sega, semia)

        pltpu.make_async_copy(idx_hbm.at[wid, c0 + 1], segb, semib).wait()
        run_seg(segb)

        @pl.when(c0 + 2 < NSEG)
        def _wf():
            pltpu.make_async_copy(idx_hbm.at[wid, c0 + 2], sega, semia).wait()

        return carry

    lax.fori_loop(0, NSEG // 2, seg_pair, 0)
    plsc.subcore_barrier()
    pltpu.sync_copy(s_sh.at[pl.ds(sid * SLAB, SLAB)],
                    out_hbm.at[cid, pl.ds(sid * SLAB, SLAB)])

    @pl.when(sid == NS - 1)
    def _out_tail():
        pltpu.sync_copy(s_sh.at[pl.ds(TAILO, TAILN)],
                        out_hbm.at[cid, pl.ds(TAILO, TAILN)])



_RB = 2000
_NB = NN // _RB


def _mm_scale_body(dega_ref, degb_ref, x_ref, w_ref, g_ref, dinv_ref):
    deg = dega_ref[:, 0:1] + degb_ref[:, 0:1] + 1.0
    di = lax.rsqrt(deg)
    g_ref[...] = jnp.dot(x_ref[...], w_ref[...],
                         preferred_element_type=jnp.float32) * di
    dinv_ref[...] = di


def _mm_scale(dega, degb, x, w):
    return pl.pallas_call(
        _mm_scale_body,
        grid=(_NB,),
        in_specs=[
            pl.BlockSpec((_RB, 8), lambda i: (i, 0)),
            pl.BlockSpec((_RB, 8), lambda i: (i, 0)),
            pl.BlockSpec((_RB, DH), lambda i: (i, 0)),
            pl.BlockSpec((DH, DH), lambda i: (0, 0)),
        ],
        out_specs=[
            pl.BlockSpec((_RB, DH), lambda i: (i, 0)),
            pl.BlockSpec((_RB, 1), lambda i: (i, 0)),
        ],
        out_shape=[
            jax.ShapeDtypeStruct((NN, DH), jnp.float32),
            jax.ShapeDtypeStruct((NN, 1), jnp.float32),
        ],
    )(dega, degb, x, w)


def _mid_body(s0_ref, s1_ref, g1_ref, dinv_ref, b_ref, w_ref, g2_ref):
    di = dinv_ref[...]
    h1 = jnp.maximum(
        di * (s0_ref[...] + s1_ref[...] + g1_ref[...]) + b_ref[...], 0.0)
    g2_ref[...] = jnp.dot(h1, w_ref[...],
                          preferred_element_type=jnp.float32) * di


def _mid(s0, s1, g1, dinv, b, w):
    return pl.pallas_call(
        _mid_body,
        grid=(_NB,),
        in_specs=[
            pl.BlockSpec((_RB, DH), lambda i: (i, 0)),
            pl.BlockSpec((_RB, DH), lambda i: (i, 0)),
            pl.BlockSpec((_RB, DH), lambda i: (i, 0)),
            pl.BlockSpec((_RB, 1), lambda i: (i, 0)),
            pl.BlockSpec((1, DH), lambda i: (0, 0)),
            pl.BlockSpec((DH, DH), lambda i: (0, 0)),
        ],
        out_specs=pl.BlockSpec((_RB, DH), lambda i: (i, 0)),
        out_shape=jax.ShapeDtypeStruct((NN, DH), jnp.float32),
    )(s0, s1, g1, dinv, b, w)


def _final_body(s0_ref, s1_ref, g2_ref, dinv_ref, b_ref, batch_ref,
                wout_ref, bout_ref, out_ref, acc, cnt):
    i = pl.program_id(0)

    @pl.when(i == 0)
    def _init():
        acc[...] = jnp.zeros_like(acc)
        cnt[...] = jnp.zeros_like(cnt)

    h2 = jnp.maximum(
        dinv_ref[...] * (s0_ref[...] + s1_ref[...] + g2_ref[...])
        + b_ref[...], 0.0)
    bt = batch_ref[0]
    m = (bt == lax.broadcasted_iota(jnp.int32, (NG, _RB), 0)
         ).astype(jnp.float32)
    acc[...] += jnp.dot(m, h2, preferred_element_type=jnp.float32)
    cnt[...] += jnp.sum(m, axis=1, keepdims=True)

    @pl.when(i == _NB - 1)
    def _fin():
        pooled = acc[...] / jnp.maximum(cnt[...], 1.0)
        out_ref[...] = jnp.dot(pooled, wout_ref[...],
                               preferred_element_type=jnp.float32) + bout_ref[...]


def _final(s0, s1, g2, dinv, b, batch3, wout, bout):
    return pl.pallas_call(
        _final_body,
        grid=(_NB,),
        in_specs=[
            pl.BlockSpec((_RB, DH), lambda i: (i, 0)),
            pl.BlockSpec((_RB, DH), lambda i: (i, 0)),
            pl.BlockSpec((_RB, DH), lambda i: (i, 0)),
            pl.BlockSpec((_RB, 1), lambda i: (i, 0)),
            pl.BlockSpec((1, DH), lambda i: (0, 0)),
            pl.BlockSpec((1, 1, _RB), lambda i: (i, 0, 0)),
            pl.BlockSpec((DH, DO), lambda i: (0, 0)),
            pl.BlockSpec((1, DO), lambda i: (0, 0)),
        ],
        out_specs=pl.BlockSpec((NG, DO), lambda i: (0, 0)),
        out_shape=jax.ShapeDtypeStruct((NG, DO), jnp.float32),
        scratch_shapes=[
            pltpu.VMEM((NG, DH), jnp.float32),
            pltpu.VMEM((NG, 1), jnp.float32),
        ],
    )(s0, s1, g2, dinv, b, batch3, wout, bout)



def kernel(x, edge_index, batch, W_in, b_in, W_h0, b_h0, W_out, b_out):
    idx5 = jnp.transpose(edge_index.reshape(2, NW, NSEG, SEGC, SCH),
                         (1, 2, 0, 3, 4))
    dst3 = edge_index[1].reshape(NW, NCH, CH)
    ones_deg = jnp.ones((CH, DEGW), jnp.float32)
    zer_deg = jnp.zeros((SLAB, DEGW), jnp.float32)
    zer_s = jnp.zeros((SLAB, DH), jnp.float32)

    deg2 = _deg_kernel(dst3, ones_deg, zer_deg)
    g1, dinv = _mm_scale(deg2[0, :, :8], deg2[1, :, :8], x, W_in)
    s1 = _scatter_kernel(g1, idx5, zer_s)
    g2 = _mid(s1[0], s1[1], g1, dinv, b_in.reshape(1, DH), W_h0)
    s2 = _scatter_kernel(g2, idx5, zer_s)
    return _final(s2[0], s2[1], g2, dinv, b_h0.reshape(1, DH),
                  batch.reshape(_NB, 1, _RB), W_out, b_out.reshape(1, DO))

# --- scband reference (transcript-rebuilt; emitter-appended) ---
"""Pipeline reference for scband-gnn-24730421690787 (READ-ONLY COPY).

The authoritative reference and input builder live on the scoring server;
editing this copy changes nothing except your own understanding.
"""

import jax, jax.numpy as jnp
import numpy as np

N_NODES = 10000
N_EDGES = 320000
D_IN = 128
D_H = 128
D_OUT = 64
N_GRAPHS = 64


def gcn_conv(x, edge_index, W, b):
    # PyG GCNConv: x' = D^{-1/2} (A + I) D^{-1/2} (x W) + b
    N = x.shape[0]
    loop = jnp.arange(N, dtype=edge_index.dtype)
    src = jnp.concatenate([edge_index[0], loop])
    dst = jnp.concatenate([edge_index[1], loop])
    h = x @ W
    deg = jnp.zeros((N,), dtype=h.dtype).at[dst].add(1.0)
    dinv = jnp.where(deg > 0, jax.lax.rsqrt(deg), 0.0)
    norm = dinv[src] * dinv[dst]
    msg = h[src] * norm[:, None]
    out = jnp.zeros_like(h).at[dst].add(msg)
    return out + b


def setup_inputs(seed: int = 0) -> dict:
    key = jax.random.key(seed)
    ks = jax.random.split(key, 10)
    x = jax.random.normal(ks[0], (N_NODES, D_IN), dtype=jnp.float32)
    edge_index = jax.random.randint(ks[1], (2, N_EDGES), 0, N_NODES, dtype=jnp.int32)
    batch = jnp.sort(jax.random.randint(ks[2], (N_NODES,), 0, N_GRAPHS, dtype=jnp.int32))
    s_in = 1.0 / np.sqrt(D_IN)
    s_h = 1.0 / np.sqrt(D_H)
    W_in = jax.random.uniform(ks[3], (D_IN, D_H), dtype=jnp.float32, minval=-s_in, maxval=s_in)
    b_in = jax.random.uniform(ks[4], (D_H,), dtype=jnp.float32, minval=-s_in, maxval=s_in)
    W_h0 = jax.random.uniform(ks[5], (D_H, D_H), dtype=jnp.float32, minval=-s_h, maxval=s_h)
    b_h0 = jax.random.uniform(ks[6], (D_H,), dtype=jnp.float32, minval=-s_h, maxval=s_h)
    W_out = jax.random.uniform(ks[7], (D_H, D_OUT), dtype=jnp.float32, minval=-s_h, maxval=s_h)
    b_out = jax.random.uniform(ks[8], (D_OUT,), dtype=jnp.float32, minval=-s_h, maxval=s_h)
    return {"x": x, "edge_index": edge_index, "batch": batch, "W_in": W_in, "b_in": b_in, "W_h0": W_h0, "b_h0": b_h0, "W_out": W_out, "b_out": b_out}


def reference(x, edge_index, batch, W_in, b_in, W_h0, b_h0, W_out, b_out):
    # GconvIN + relu (norm=None, dropout=0.0)
    h = jax.nn.relu(gcn_conv(x, edge_index, W_in, b_in))
    # one hidden gcnBlock (h_size=[128,128]) + relu
    h = jax.nn.relu(gcn_conv(h, edge_index, W_h0, b_h0))
    # global_mean_pool over batch assignment
    sums = jax.ops.segment_sum(h, batch, num_segments=N_GRAPHS)
    counts = jax.ops.segment_sum(jnp.ones((h.shape[0],), h.dtype), batch, num_segments=N_GRAPHS)
    pooled = sums / jnp.maximum(counts, 1.0)[:, None]
    # fcOUT
    return pooled @ W_out + b_out

if __name__ == "__main__":
    import jax
    _d = setup_inputs()
    print(jax.jit(kernel)(*tuple(_d.values())))

</pallas_src>

<mosaic_0001>
#map = affine_map<(d0, d1) -> (0, 0)>
#map1 = affine_map<(d0, d1) -> (0, 0, 0, 0, 0)>
#map2 = affine_map<(d0, d1) -> (0, 0, 0)>
module attributes {stable_mosaic.version = 14 : i64} {
  func.func @_scatter_kernel(%arg0: i32, %arg1: i32, %arg2: memref<10000x128xf32, #tpu.memory_space<hbm>>, %arg3: memref<32x10x2x8x125xi32, #tpu.memory_space<hbm>>, %arg4: memref<624x128xf32, #tpu.memory_space<hbm>>, %arg5: memref<2x10000x128xf32, #tpu.memory_space<hbm>>, %arg6: memref<2x8x125xi32, #tpu.memory_space<vmem>>, %arg7: memref<2x8x125xi32, #tpu.memory_space<vmem>>, %arg8: memref<125x128xf32, #tpu.memory_space<vmem>>, %arg9: memref<125x128xf32, #tpu.memory_space<vmem>>, %arg10: memref<!tpu.dma_semaphore, #tpu.memory_space<semaphore_mem>>, %arg11: memref<!tpu.dma_semaphore, #tpu.memory_space<semaphore_mem>>, %arg12: memref<!tpu.dma_semaphore, #tpu.memory_space<semaphore_mem>>, %arg13: memref<!tpu.dma_semaphore, #tpu.memory_space<semaphore_mem>>, %arg14: memref<10000x128xf32, #tpu.memory_space<vmem_shared>>) attributes {dimension_semantics = [#tpu.dimension_semantics<core_parallel>, #tpu.dimension_semantics<subcore_parallel>], iteration_bounds = array<i64: 2, 16>, scalar_prefetch = 0 : i64, scratch_operands = 9 : i64, tpu.core_type = #tpu.core_type<sc_vector_subcore>, window_params = [{transform_indices = #map}, {transform_indices = #map1}, {transform_indices = #map}, {transform_indices = #map2}]} {
    %mul3A = arith.constant 16 : i32
    %mul3A_0 = arith.muli %arg0, %mul3A : i32
    %add3A = arith.addi %mul3A_0, %arg1 : i32
    %mul3A_1 = arith.constant 624 : i32
    %mul3A_2 = arith.muli %arg1, %mul3A_1 : i32
    "tpu.region"() ({
      %run_scoped3A_20 = tpu.sem_alloc : memref<!tpu.dma_semaphore, #tpu.memory_space<semaphore_mem>>
      %dma_start3A = arith.constant 0 : i32
      %dma_start3A_21 = tpu.memref_slice %arg14[%mul3A_2, %dma_start3A] : memref<10000x128xf32, #tpu.memory_space<vmem_shared>> -> memref<624x128xf32, #tpu.memory_space<vmem_shared>>
      %dma_start3A_22 = arith.constant 0 : i32
      %dma_start3A_23 = arith.constant 0 : i32
      %dma_start3A_24 = tpu.memref_slice %arg4[%dma_start3A_22, %dma_start3A_23] : memref<624x128xf32, #tpu.memory_space<hbm>> -> memref<624x128xf32, #tpu.memory_space<hbm>>
      tpu.enqueue_dma source(%dma_start3A_24 : memref<624x128xf32, #tpu.memory_space<hbm>>) target(%dma_start3A_21 : memref<624x128xf32, #tpu.memory_space<vmem_shared>>) target_semaphore(%run_scoped3A_20 : memref<!tpu.dma_semaphore, #tpu.memory_space<semaphore_mem>>)
      %dma_wait3A = arith.constant 0 : i32
      %dma_wait3A_25 = tpu.memref_slice %arg14[%mul3A_2, %dma_wait3A] : memref<10000x128xf32, #tpu.memory_space<vmem_shared>> -> memref<624x128xf32, #tpu.memory_space<vmem_shared>>
      %dma_wait3A_26 = arith.constant 0 : i32
      %dma_wait3A_27 = arith.constant 0 : i32
      %dma_wait3A_28 = tpu.memref_slice %arg4[%dma_wait3A_26, %dma_wait3A_27] : memref<624x128xf32, #tpu.memory_space<hbm>> -> memref<624x128xf32, #tpu.memory_space<hbm>>
      tpu.wait_dma2 semaphore(%run_scoped3A_20 : memref<!tpu.dma_semaphore, #tpu.memory_space<semaphore_mem>>) src(%dma_wait3A_28 : memref<624x128xf32, #tpu.memory_space<hbm>>) dst(%dma_wait3A_25 : memref<624x128xf32, #tpu.memory_space<vmem_shared>>)
      tpu.yield
    }) : () -> ()
    %eq3A = arith.constant 15 : i32
    %eq3A_3 = arith.cmpi eq, %arg1, %eq3A : i32
    %convert_element_type3A = arith.extui %eq3A_3 : i1 to i32
    %cond3A = arith.constant 0 : i32
    %cond3A_4 = arith.cmpi ne, %convert_element_type3A, %cond3A : i32
    scf.if %cond3A_4 {
      "tpu.region"() ({
        %run_scoped3A_20 = tpu.sem_alloc : memref<!tpu.dma_semaphore, #tpu.memory_space<semaphore_mem>>
        %dma_start3A = arith.constant 9984 : i32
        %dma_start3A_21 = arith.constant 0 : i32
        %dma_start3A_22 = tpu.memref_slice %arg14[%dma_start3A, %dma_start3A_21] : memref<10000x128xf32, #tpu.memory_space<vmem_shared>> -> memref<16x128xf32, #tpu.memory_space<vmem_shared>>
        %dma_start3A_23 = arith.constant 0 : i32
        %dma_start3A_24 = arith.constant 0 : i32
        %dma_start3A_25 = tpu.memref_slice %arg4[%dma_start3A_23, %dma_start3A_24] : memref<624x128xf32, #tpu.memory_space<hbm>> -> memref<16x128xf32, #tpu.memory_space<hbm>>
        tpu.enqueue_dma source(%dma_start3A_25 : memref<16x128xf32, #tpu.memory_space<hbm>>) target(%dma_start3A_22 : memref<16x128xf32, #tpu.memory_space<vmem_shared>>) target_semaphore(%run_scoped3A_20 : memref<!tpu.dma_semaphore, #tpu.memory_space<semaphore_mem>>)
        %dma_wait3A = arith.constant 9984 : i32
        %dma_wait3A_26 = arith.constant 0 : i32
        %dma_wait3A_27 = tpu.memref_slice %arg14[%dma_wait3A, %dma_wait3A_26] : memref<10000x128xf32, #tpu.memory_space<vmem_shared>> -> memref<16x128xf32, #tpu.memory_space<vmem_shared>>
        %dma_wait3A_28 = arith.constant 0 : i32
        %dma_wait3A_29 = arith.constant 0 : i32
        %dma_wait3A_30 = tpu.memref_slice %arg4[%dma_wait3A_28, %dma_wait3A_29] : memref<624x128xf32, #tpu.memory_space<hbm>> -> memref<16x128xf32, #tpu.memory_space<hbm>>
        tpu.wait_dma2 semaphore(%run_scoped3A_20 : memref<!tpu.dma_semaphore, #tpu.memory_space<semaphore_mem>>) src(%dma_wait3A_30 : memref<16x128xf32, #tpu.memory_space<hbm>>) dst(%dma_wait3A_27 : memref<16x128xf32, #tpu.memory_space<vmem_shared>>)
        tpu.yield
      }) : () -> ()
    } else {
    }
    %barrier3A = arith.constant 0 : index
    tpu.barrier barrier_id(%barrier3A)
    %run_scoped3A = arith.constant 0 : i32
    "tpu.region"() ({
      %run_scoped3A_20 = tpu.sem_alloc : memref<!tpu.dma_semaphore, #tpu.memory_space<semaphore_mem>>
      %dma_start3A = arith.constant 0 : i32
      %dma_start3A_21 = arith.constant 0 : i32
      %dma_start3A_22 = arith.constant 0 : i32
      %dma_start3A_23 = tpu.memref_slice %arg3[%add3A, %run_scoped3A, %dma_start3A, %dma_start3A_21, %dma_start3A_22] : memref<32x10x2x8x125xi32, #tpu.memory_space<hbm>> -> memref<1x1x2x8x125xi32, #tpu.memory_space<hbm>>
      %dma_start3A_24 = tpu.memref_squeeze %dma_start3A_23 : memref<1x1x2x8x125xi32, #tpu.memory_space<hbm>> -> memref<2x8x125xi32, #tpu.memory_space<hbm>>
      %dma_start3A_25 = arith.constant 0 : i32
      %dma_start3A_26 = arith.constant 0 : i32
      %dma_start3A_27 = arith.constant 0 : i32
      %dma_start3A_28 = tpu.memref_slice %arg3[%add3A, %run_scoped3A, %dma_start3A_25, %dma_start3A_26, %dma_start3A_27] : memref<32x10x2x8x125xi32, #tpu.memory_space<hbm>> -> memref<1x1x2x8x125xi32, #tpu.memory_space<hbm>>
      %dma_start3A_29 = tpu.memref_squeeze %dma_start3A_28 : memref<1x1x2x8x125xi32, #tpu.memory_space<hbm>> -> memref<2x8x125xi32, #tpu.memory_space<hbm>>
      tpu.enqueue_dma source(%dma_start3A_29 : memref<2x8x125xi32, #tpu.memory_space<hbm>>) target(%arg6 : memref<2x8x125xi32, #tpu.memory_space<vmem>>) target_semaphore(%run_scoped3A_20 : memref<!tpu.dma_semaphore, #tpu.memory_space<semaphore_mem>>)
      %dma_wait3A = arith.constant 0 : i32
      %dma_wait3A_30 = arith.constant 0 : i32
      %dma_wait3A_31 = arith.constant 0 : i32
      %dma_wait3A_32 = tpu.memref_slice %arg3[%add3A, %run_scoped3A, %dma_wait3A, %dma_wait3A_30, %dma_wait3A_31] : memref<32x10x2x8x125xi32, #tpu.memory_space<hbm>> -> memref<1x1x2x8x125xi32, #tpu.memory_space<hbm>>
      %dma_wait3A_33 = tpu.memref_squeeze %dma_wait3A_32 : memref<1x1x2x8x125xi32, #tpu.memory_space<hbm>> -> memref<2x8x125xi32, #tpu.memory_space<hbm>>
      %dma_wait3A_34 = arith.constant 0 : i32
      %dma_wait3A_35 = arith.constant 0 : i32
      %dma_wait3A_36 = arith.constant 0 : i32
      %dma_wait3A_37 = tpu.memref_slice %arg3[%add3A, %run_scoped3A, %dma_wait3A_34, %dma_wait3A_35, %dma_wait3A_36] : memref<32x10x2x8x125xi32, #tpu.memory_space<hbm>> -> memref<1x1x2x8x125xi32, #tpu.memory_space<hbm>>
      %dma_wait3A_38 = tpu.memref_squeeze %dma_wait3A_37 : memref<1x1x2x8x125xi32, #tpu.memory_space<hbm>> -> memref<2x8x125xi32, #tpu.memory_space<hbm>>
      tpu.wait_dma2 semaphore(%run_scoped3A_20 : memref<!tpu.dma_semaphore, #tpu.memory_space<semaphore_mem>>) src(%dma_wait3A_38 : memref<2x8x125xi32, #tpu.memory_space<hbm>>) dst(%arg6 : memref<2x8x125xi32, #tpu.memory_space<vmem>>)
      tpu.yield
    }) : () -> ()
    %scan3A = arith.constant 0 : i32
    %scan3A_5 = arith.constant 0 : i32
    %scan3A_6 = arith.constant 5 : i32
    %scan3A_7 = arith.addi %scan3A_5, %scan3A_6 : i32
    %scan3A_8 = arith.constant 1 : i32
    scf.for %scan3A_20 = %scan3A_5 to %scan3A_7 step %scan3A_8  : i32 {
      %mul3A_21 = arith.constant 2 : i32
      %mul3A_22 = arith.muli %mul3A_21, %scan3A_20 : i32
      %add3A_23 = arith.constant 1 : i32
      %add3A_24 = arith.addi %mul3A_22, %add3A_23 : i32
      %dma_start3A = arith.constant 0 : i32
      %dma_start3A_25 = arith.constant 0 : i32
      %dma_start3A_26 = arith.constant 0 : i32
      %dma_start3A_27 = tpu.memref_slice %arg3[%add3A, %add3A_24, %dma_start3A, %dma_start3A_25, %dma_start3A_26] : memref<32x10x2x8x125xi32, #tpu.memory_space<hbm>> -> memref<1x1x2x8x125xi32, #tpu.memory_space<hbm>>
      %dma_start3A_28 = tpu.memref_squeeze %dma_start3A_27 : memref<1x1x2x8x125xi32, #tpu.memory_space<hbm>> -> memref<2x8x125xi32, #tpu.memory_space<hbm>>
      %dma_start3A_29 = arith.constant 0 : i32
      %dma_start3A_30 = arith.constant 0 : i32
      %dma_start3A_31 = arith.constant 0 : i32
      %dma_start3A_32 = tpu.memref_slice %arg3[%add3A, %add3A_24, %dma_start3A_29, %dma_start3A_30, %dma_start3A_31] : memref<32x10x2x8x125xi32, #tpu.memory_space<hbm>> -> memref<1x1x2x8x125xi32, #tpu.memory_space<hbm>>
      %dma_start3A_33 = tpu.memref_squeeze %dma_start3A_32 : memref<1x1x2x8x125xi32, #tpu.memory_space<hbm>> -> memref<2x8x125xi32, #tpu.memory_space<hbm>>
      tpu.enqueue_dma source(%dma_start3A_33 : memref<2x8x125xi32, #tpu.memory_space<hbm>>) target(%arg7 : memref<2x8x125xi32, #tpu.memory_space<vmem>>) target_semaphore(%arg13 : memref<!tpu.dma_semaphore, #tpu.memory_space<semaphore_mem>>)
      %dma_start3A_34 = arith.constant 0 : i32
      %dma_start3A_35 = arith.constant 0 : i32
      %dma_start3A_36 = arith.constant 0 : i32
      %dma_start3A_37 = tpu.memref_slice %arg6[%dma_start3A_34, %dma_start3A_35, %dma_start3A_36] : memref<2x8x125xi32, #tpu.memory_space<vmem>> -> memref<1x1x125xi32, #tpu.memory_space<vmem>>
      %dma_start3A_38 = tpu.memref_squeeze %dma_start3A_37 : memref<1x1x125xi32, #tpu.memory_space<vmem>> -> memref<125xi32, #tpu.memory_space<vmem>>
      %dma_start3A_39 = arith.constant 0 : i32
      %dma_start3A_40 = arith.constant 0 : i32
      %dma_start3A_41 = tpu.memref_slice %arg2[%dma_start3A_39, %dma_start3A_40] : memref<10000x128xf32, #tpu.memory_space<hbm>> -> memref<10000x128xf32, #tpu.memory_space<hbm>>
      tpu.enqueue_indirect_dma source(%dma_start3A_41 : memref<10000x128xf32, #tpu.memory_space<hbm>>) target(%arg8 : memref<125x128xf32, #tpu.memory_space<vmem>>) offsets(%dma_start3A_38 : memref<125xi32, #tpu.memory_space<vmem>>) semaphore(%arg10 : memref<!tpu.dma_semaphore, #tpu.memory_space<semaphore_mem>>)
      %dma_start3A_42 = arith.constant 0 : i32
      %dma_start3A_43 = arith.constant 1 : i32
      %dma_start3A_44 = arith.constant 0 : i32
      %dma_start3A_45 = tpu.memref_slice %arg6[%dma_start3A_42, %dma_start3A_43, %dma_start3A_44] : memref<2x8x125xi32, #tpu.memory_space<vmem>> -> memref<1x1x125xi32, #tpu.memory_space<vmem>>
      %dma_start3A_46 = tpu.memref_squeeze %dma_start3A_45 : memref<1x1x125xi32, #tpu.memory_space<vmem>> -> memref<125xi32, #tpu.memory_space<vmem>>
      %dma_start3A_47 = arith.constant 0 : i32
      %dma_start3A_48 = arith.constant 0 : i32
      %dma_start3A_49 = tpu.memref_slice %arg2[%dma_start3A_47, %dma_start3A_48] : memref<10000x128xf32, #tpu.memory_space<hbm>> -> memref<10000x128xf32, #tpu.memory_space<hbm>>
      tpu.enqueue_indirect_dma source(%dma_start3A_49 : memref<10000x128xf32, #tpu.memory_space<hbm>>) target(%arg9 : memref<125x128xf32, #tpu.memory_space<vmem>>) offsets(%dma_start3A_46 : memref<125xi32, #tpu.memory_space<vmem>>) semaphore(%arg11 : memref<!tpu.dma_semaphore, #tpu.memory_space<semaphore_mem>>)
      %dma_wait3A = arith.constant 0 : i32
      %dma_wait3A_50 = arith.constant 0 : i32
      %dma_wait3A_51 = arith.constant 0 : i32
      %dma_wait3A_52 = tpu.memref_slice %arg6[%dma_wait3A, %dma_wait3A_50, %dma_wait3A_51] : memref<2x8x125xi32, #tpu.memory_space<vmem>> -> memref<1x1x125xi32, #tpu.memory_space<vmem>>
      %dma_wait3A_53 = tpu.memref_squeeze %dma_wait3A_52 : memref<1x1x125xi32, #tpu.memory_space<vmem>> -> memref<125xi32, #tpu.memory_space<vmem>>
      %dma_wait3A_54 = arith.constant 0 : i32
      %dma_wait3A_55 = arith.constant 0 : i32
      %dma_wait3A_56 = tpu.memref_slice %arg2[%dma_wait3A_54, %dma_wait3A_55] : memref<10000x128xf32, #tpu.memory_space<hbm>> -> memref<10000x128xf32, #tpu.memory_space<hbm>>
      tpu.wait_indirect_dma semaphore(%arg10 : memref<!tpu.dma_semaphore, #tpu.memory_space<semaphore_mem>>) src(%dma_wait3A_56 : memref<10000x128xf32, #tpu.memory_space<hbm>>) dst(%arg8 : memref<125x128xf32, #tpu.memory_space<vmem>>)
      %run_scoped3A_57 = arith.constant 1 : i32
      %run_scoped3A_58 = arith.constant 0 : i32
      "tpu.region"() ({
        %run_scoped3A_346 = tpu.sem_alloc : memref<!tpu.dma_semaphore, #tpu.memory_space<semaphore_mem>>
        %dma_start3A_347 = arith.constant 0 : i32
        %dma_start3A_348 = tpu.memref_slice %arg6[%run_scoped3A_57, %run_scoped3A_58, %dma_start3A_347] : memref<2x8x125xi32, #tpu.memory_space<vmem>> -> memref<1x1x125xi32, #tpu.memory_space<vmem>>
        %dma_start3A_349 = tpu.memref_squeeze %dma_start3A_348 : memref<1x1x125xi32, #tpu.memory_space<vmem>> -> memref<125xi32, #tpu.memory_space<vmem>>
        %dma_start3A_350 = arith.constant 0 : i32
        %dma_start3A_351 = arith.constant 0 : i32
        %dma_start3A_352 = tpu.memref_slice %arg14[%dma_start3A_350, %dma_start3A_351] : memref<10000x128xf32, #tpu.memory_space<vmem_shared>> -> memref<10000x128xf32, #tpu.memory_space<vmem_shared>>
        tpu.enqueue_indirect_dma source(%arg8 : memref<125x128xf32, #tpu.memory_space<vmem>>) target(%dma_start3A_352 : memref<10000x128xf32, #tpu.memory_space<vmem_shared>>) offsets(%dma_start3A_349 : memref<125xi32, #tpu.memory_space<vmem>>) semaphore(%run_scoped3A_346 : memref<!tpu.dma_semaphore, #tpu.memory_space<semaphore_mem>>) {add = true}
        %dma_wait3A_353 = arith.constant 0 : i32
        %dma_wait3A_354 = tpu.memref_slice %arg6[%run_scoped3A_57, %run_scoped3A_58, %dma_wait3A_353] : memref<2x8x125xi32, #tpu.memory_space<vmem>> -> memref<1x1x125xi32, #tpu.memory_space<vmem>>
        %dma_wait3A_355 = tpu.memref_squeeze %dma_wait3A_354 : memref<1x1x125xi32, #tpu.memory_space<vmem>> -> memref<125xi32, #tpu.memory_space<vmem>>
        %dma_wait3A_356 = arith.constant 0 : i32
        %dma_wait3A_357 = arith.constant 0 : i32
        %dma_wait3A_358 = tpu.memref_slice %arg14[%dma_wait3A_356, %dma_wait3A_357] : memref<10000x128xf32, #tpu.memory_space<vmem_shared>> -> memref<10000x128xf32, #tpu.memory_space<vmem_shared>>
        tpu.wait_indirect_dma semaphore(%run_scoped3A_346 : memref<!tpu.dma_semaphore, #tpu.memory_space<semaphore_mem>>) src(%arg8 : memref<125x128xf32, #tpu.memory_space<vmem>>) dst(%dma_wait3A_358 : memref<10000x128xf32, #tpu.memory_space<vmem_shared>>)
        tpu.yield
      }) : () -> ()
      %dma_start3A_59 = arith.constant 0 : i32
      %dma_start3A_60 = arith.constant 2 : i32
      %dma_start3A_61 = arith.constant 0 : i32
      %dma_start3A_62 = tpu.memref_slice %arg6[%dma_start3A_59, %dma_start3A_60, %dma_start3A_61] : memref<2x8x125xi32, #tpu.memory_space<vmem>> -> memref<1x1x125xi32, #tpu.memory_space<vmem>>
      %dma_start3A_63 = tpu.memref_squeeze %dma_start3A_62 : memref<1x1x125xi32, #tpu.memory_space<vmem>> -> memref<125xi32, #tpu.memory_space<vmem>>
      %dma_start3A_64 = arith.constant 0 : i32
      %dma_start3A_65 = arith.constant 0 : i32
      %dma_start3A_66 = tpu.memref_slice %arg2[%dma_start3A_64, %dma_start3A_65] : memref<10000x128xf32, #tpu.memory_space<hbm>> -> memref<10000x128xf32, #tpu.memory_space<hbm>>
      tpu.enqueue_indirect_dma source(%dma_start3A_66 : memref<10000x128xf32, #tpu.memory_space<hbm>>) target(%arg8 : memref<125x128xf32, #tpu.memory_space<vmem>>) offsets(%dma_start3A_63 : memref<125xi32, #tpu.memory_space<vmem>>) semaphore(%arg10 : memref<!tpu.dma_semaphore, #tpu.memory_space<semaphore_mem>>)
      %dma_wait3A_67 = arith.constant 0 : i32
      %dma_wait3A_68 = arith.constant 1 : i32
      %dma_wait3A_69 = arith.constant 0 : i32
      %dma_wait3A_70 = tpu.memref_slice %arg6[%dma_wait3A_67, %dma_wait3A_68, %dma_wait3A_69] : memref<2x8x125xi32, #tpu.memory_space<vmem>> -> memref<1x1x125xi32, #tpu.memory_space<vmem>>
      %dma_wait3A_71 = tpu.memref_squeeze %dma_wait3A_70 : memref<1x1x125xi32, #tpu.memory_space<vmem>> -> memref<125xi32, #tpu.memory_space<vmem>>
      %dma_wait3A_72 = arith.constant 0 : i32
      %dma_wait3A_73 = arith.constant 0 : i32
      %dma_wait3A_74 = tpu.memref_slice %arg2[%dma_wait3A_72, %dma_wait3A_73] : memref<10000x128xf32, #tpu.memory_space<hbm>> -> memref<10000x128xf32, #tpu.memory_space<hbm>>
      tpu.wait_indirect_dma semaphore(%arg11 : memref<!tpu.dma_semaphore, #tpu.memory_space<semaphore_mem>>) src(%dma_wait3A_74 : memref<10000x128xf32, #tpu.memory_space<hbm>>) dst(%arg9 : memref<125x128xf32, #tpu.memory_space<vmem>>)
      %run_scoped3A_75 = arith.constant 1 : i32
      %run_scoped3A_76 = arith.constant 1 : i32
      "tpu.region"() ({
        %run_scoped3A_346 = tpu.sem_alloc : memref<!tpu.dma_semaphore, #tpu.memory_space<semaphore_mem>>
        %dma_start3A_347 = arith.constant 0 : i32
        %dma_start3A_348 = tpu.memref_slice %arg6[%run_scoped3A_75, %run_scoped3A_76, %dma_start3A_347] : memref<2x8x125xi32, #tpu.memory_space<vmem>> -> memref<1x1x125xi32, #tpu.memory_space<vmem>>
        %dma_start3A_349 = tpu.memref_squeeze %dma_start3A_348 : memref<1x1x125xi32, #tpu.memory_space<vmem>> -> memref<125xi32, #tpu.memory_space<vmem>>
        %dma_start3A_350 = arith.constant 0 : i32
        %dma_start3A_351 = arith.constant 0 : i32
        %dma_start3A_352 = tpu.memref_slice %arg14[%dma_start3A_350, %dma_start3A_351] : memref<10000x128xf32, #tpu.memory_space<vmem_shared>> -> memref<10000x128xf32, #tpu.memory_space<vmem_shared>>
        tpu.enqueue_indirect_dma source(%arg9 : memref<125x128xf32, #tpu.memory_space<vmem>>) target(%dma_start3A_352 : memref<10000x128xf32, #tpu.memory_space<vmem_shared>>) offsets(%dma_start3A_349 : memref<125xi32, #tpu.memory_space<vmem>>) semaphore(%run_scoped3A_346 : memref<!tpu.dma_semaphore, #tpu.memory_space<semaphore_mem>>) {add = true}
        %dma_wait3A_353 = arith.constant 0 : i32
        %dma_wait3A_354 = tpu.memref_slice %arg6[%run_scoped3A_75, %run_scoped3A_76, %dma_wait3A_353] : memref<2x8x125xi32, #tpu.memory_space<vmem>> -> memref<1x1x125xi32, #tpu.memory_space<vmem>>
        %dma_wait3A_355 = tpu.memref_squeeze %dma_wait3A_354 : memref<1x1x125xi32, #tpu.memory_space<vmem>> -> memref<125xi32, #tpu.memory_space<vmem>>
        %dma_wait3A_356 = arith.constant 0 : i32
        %dma_wait3A_357 = arith.constant 0 : i32
        %dma_wait3A_358 = tpu.memref_slice %arg14[%dma_wait3A_356, %dma_wait3A_357] : memref<10000x128xf32, #tpu.memory_space<vmem_shared>> -> memref<10000x128xf32, #tpu.memory_space<vmem_shared>>
        tpu.wait_indirect_dma semaphore(%run_scoped3A_346 : memref<!tpu.dma_semaphore, #tpu.memory_space<semaphore_mem>>) src(%arg9 : memref<125x128xf32, #tpu.memory_space<vmem>>) dst(%dma_wait3A_358 : memref<10000x128xf32, #tpu.memory_space<vmem_shared>>)
        tpu.yield
      }) : () -> ()
      %dma_start3A_77 = arith.constant 0 : i32
      %dma_start3A_78 = arith.constant 3 : i32
      %dma_start3A_79 = arith.constant 0 : i32
      %dma_start3A_80 = tpu.memref_slice %arg6[%dma_start3A_77, %dma_start3A_78, %dma_start3A_79] : memref<2x8x125xi32, #tpu.memory_space<vmem>> -> memref<1x1x125xi32, #tpu.memory_space<vmem>>
      %dma_start3A_81 = tpu.memref_squeeze %dma_start3A_80 : memref<1x1x125xi32, #tpu.memory_space<vmem>> -> memref<125xi32, #tpu.memory_space<vmem>>
      %dma_start3A_82 = arith.constant 0 : i32
      %dma_start3A_83 = arith.constant 0 : i32
      %dma_start3A_84 = tpu.memref_slice %arg2[%dma_start3A_82, %dma_start3A_83] : memref<10000x128xf32, #tpu.memory_space<hbm>> -> memref<10000x128xf32, #tpu.memory_space<hbm>>
      tpu.enqueue_indirect_dma source(%dma_start3A_84 : memref<10000x128xf32, #tpu.memory_space<hbm>>) target(%arg9 : memref<125x128xf32, #tpu.memory_space<vmem>>) offsets(%dma_start3A_81 : memref<125xi32, #tpu.memory_space<vmem>>) semaphore(%arg11 : memref<!tpu.dma_semaphore, #tpu.memory_space<semaphore_mem>>)
      %dma_wait3A_85 = arith.constant 0 : i32
      %dma_wait3A_86 = arith.constant 2 : i32
      %dma_wait3A_87 = arith.constant 0 : i32
      %dma_wait3A_88 = tpu.memref_slice %arg6[%dma_wait3A_85, %dma_wait3A_86, %dma_wait3A_87] : memref<2x8x125xi32, #tpu.memory_space<vmem>> -> memref<1x1x125xi32, #tpu.memory_space<vmem>>
      %dma_wait3A_89 = tpu.memref_squeeze %dma_wait3A_88 : memref<1x1x125xi32, #tpu.memory_space<vmem>> -> memref<125xi32, #tpu.memory_space<vmem>>
      %dma_wait3A_90 = arith.constant 0 : i32
      %dma_wait3A_91 = arith.constant 0 : i32
      %dma_wait3A_92 = tpu.memref_slice %arg2[%dma_wait3A_90, %dma_wait3A_91] : memref<10000x128xf32, #tpu.memory_space<hbm>> -> memref<10000x128xf32, #tpu.memory_space<hbm>>
      tpu.wait_indirect_dma semaphore(%arg10 : memref<!tpu.dma_semaphore, #tpu.memory_space<semaphore_mem>>) src(%dma_wait3A_92 : memref<10000x128xf32, #tpu.memory_space<hbm>>) dst(%arg8 : memref<125x128xf32, #tpu.memory_space<vmem>>)
      %run_scoped3A_93 = arith.constant 1 : i32
      %run_scoped3A_94 = arith.constant 2 : i32
      "tpu.region"() ({
        %run_scoped3A_346 = tpu.sem_alloc : memref<!tpu.dma_semaphore, #tpu.memory_space<semaphore_mem>>
        %dma_start3A_347 = arith.constant 0 : i32
        %dma_start3A_348 = tpu.memref_slice %arg6[%run_scoped3A_93, %run_scoped3A_94, %dma_start3A_347] : memref<2x8x125xi32, #tpu.memory_space<vmem>> -> memref<1x1x125xi32, #tpu.memory_space<vmem>>
        %dma_start3A_349 = tpu.memref_squeeze %dma_start3A_348 : memref<1x1x125xi32, #tpu.memory_space<vmem>> -> memref<125xi32, #tpu.memory_space<vmem>>
        %dma_start3A_350 = arith.constant 0 : i32
        %dma_start3A_351 = arith.constant 0 : i32
        %dma_start3A_352 = tpu.memref_slice %arg14[%dma_start3A_350, %dma_start3A_351] : memref<10000x128xf32, #tpu.memory_space<vmem_shared>> -> memref<10000x128xf32, #tpu.memory_space<vmem_shared>>
        tpu.enqueue_indirect_dma source(%arg8 : memref<125x128xf32, #tpu.memory_space<vmem>>) target(%dma_start3A_352 : memref<10000x128xf32, #tpu.memory_space<vmem_shared>>) offsets(%dma_start3A_349 : memref<125xi32, #tpu.memory_space<vmem>>) semaphore(%run_scoped3A_346 : memref<!tpu.dma_semaphore, #tpu.memory_space<semaphore_mem>>) {add = true}
        %dma_wait3A_353 = arith.constant 0 : i32
        %dma_wait3A_354 = tpu.memref_slice %arg6[%run_scoped3A_93, %run_scoped3A_94, %dma_wait3A_353] : memref<2x8x125xi32, #tpu.memory_space<vmem>> -> memref<1x1x125xi32, #tpu.memory_space<vmem>>
        %dma_wait3A_355 = tpu.memref_squeeze %dma_wait3A_354 : memref<1x1x125xi32, #tpu.memory_space<vmem>> -> memref<125xi32, #tpu.memory_space<vmem>>
        %dma_wait3A_356 = arith.constant 0 : i32
        %dma_wait3A_357 = arith.constant 0 : i32
        %dma_wait3A_358 = tpu.memref_slice %arg14[%dma_wait3A_356, %dma_wait3A_357] : memref<10000x128xf32, #tpu.memory_space<vmem_shared>> -> memref<10000x128xf32, #tpu.memory_space<vmem_shared>>
        tpu.wait_indirect_dma semaphore(%run_scoped3A_346 : memref<!tpu.dma_semaphore, #tpu.memory_space<semaphore_mem>>) src(%arg8 : memref<125x128xf32, #tpu.memory_space<vmem>>) dst(%dma_wait3A_358 : memref<10000x128xf32, #tpu.memory_space<vmem_shared>>)
        tpu.yield
      }) : () -> ()
      %dma_start3A_95 = arith.constant 0 : i32
      %dma_start3A_96 = arith.constant 4 : i32
      %dma_start3A_97 = arith.constant 0 : i32
      %dma_start3A_98 = tpu.memref_slice %arg6[%dma_start3A_95, %dma_start3A_96, %dma_start3A_97] : memref<2x8x125xi32, #tpu.memory_space<vmem>> -> memref<1x1x125xi32, #tpu.memory_space<vmem>>
      %dma_start3A_99 = tpu.memref_squeeze %dma_start3A_98 : memref<1x1x125xi32, #tpu.memory_space<vmem>> -> memref<125xi32, #tpu.memory_space<vmem>>
      %dma_start3A_100 = arith.constant 0 : i32
      %dma_start3A_101 = arith.constant 0 : i32
      %dma_start3A_102 = tpu.memref_slice %arg2[%dma_start3A_100, %dma_start3A_101] : memref<10000x128xf32, #tpu.memory_space<hbm>> -> memref<10000x128xf32, #tpu.memory_space<hbm>>
      tpu.enqueue_indirect_dma source(%dma_start3A_102 : memref<10000x128xf32, #tpu.memory_space<hbm>>) target(%arg8 : memref<125x128xf32, #tpu.memory_space<vmem>>) offsets(%dma_start3A_99 : memref<125xi32, #tpu.memory_space<vmem>>) semaphore(%arg10 : memref<!tpu.dma_semaphore, #tpu.memory_space<semaphore_mem>>)
      %dma_wait3A_103 = arith.constant 0 : i32
      %dma_wait3A_104 = arith.constant 3 : i32
      %dma_wait3A_105 = arith.constant 0 : i32
      %dma_wait3A_106 = tpu.memref_slice %arg6[%dma_wait3A_103, %dma_wait3A_104, %dma_wait3A_105] : memref<2x8x125xi32, #tpu.memory_space<vmem>> -> memref<1x1x125xi32, #tpu.memory_space<vmem>>
      %dma_wait3A_107 = tpu.memref_squeeze %dma_wait3A_106 : memref<1x1x125xi32, #tpu.memory_space<vmem>> -> memref<125xi32, #tpu.memory_space<vmem>>
      %dma_wait3A_108 = arith.constant 0 : i32
      %dma_wait3A_109 = arith.constant 0 : i32
      %dma_wait3A_110 = tpu.memref_slice %arg2[%dma_wait3A_108, %dma_wait3A_109] : memref<10000x128xf32, #tpu.memory_space<hbm>> -> memref<10000x128xf32, #tpu.memory_space<hbm>>
      tpu.wait_indirect_dma semaphore(%arg11 : memref<!tpu.dma_semaphore, #tpu.memory_space<semaphore_mem>>) src(%dma_wait3A_110 : memref<10000x128xf32, #tpu.memory_space<hbm>>) dst(%arg9 : memref<125x128xf32, #tpu.memory_space<vmem>>)
      %run_scoped3A_111 = arith.constant 1 : i32
      %run_scoped3A_112 = arith.constant 3 : i32
      "tpu.region"() ({
        %run_scoped3A_346 = tpu.sem_alloc : memref<!tpu.dma_semaphore, #tpu.memory_space<semaphore_mem>>
        %dma_start3A_347 = arith.constant 0 : i32
        %dma_start3A_348 = tpu.memref_slice %arg6[%run_scoped3A_111, %run_scoped3A_112, %dma_start3A_347] : memref<2x8x125xi32, #tpu.memory_space<vmem>> -> memref<1x1x125xi32, #tpu.memory_space<vmem>>
        %dma_start3A_349 = tpu.memref_squeeze %dma_start3A_348 : memref<1x1x125xi32, #tpu.memory_space<vmem>> -> memref<125xi32, #tpu.memory_space<vmem>>
        %dma_start3A_350 = arith.constant 0 : i32
        %dma_start3A_351 = arith.constant 0 : i32
        %dma_start3A_352 = tpu.memref_slice %arg14[%dma_start3A_350, %dma_start3A_351] : memref<10000x128xf32, #tpu.memory_space<vmem_shared>> -> memref<10000x128xf32, #tpu.memory_space<vmem_shared>>
        tpu.enqueue_indirect_dma source(%arg9 : memref<125x128xf32, #tpu.memory_space<vmem>>) target(%dma_start3A_352 : memref<10000x128xf32, #tpu.memory_space<vmem_shared>>) offsets(%dma_start3A_349 : memref<125xi32, #tpu.memory_space<vmem>>) semaphore(%run_scoped3A_346 : memref<!tpu.dma_semaphore, #tpu.memory_space<semaphore_mem>>) {add = true}
        %dma_wait3A_353 = arith.constant 0 : i32
        %dma_wait3A_354 = tpu.memref_slice %arg6[%run_scoped3A_111, %run_scoped3A_112, %dma_wait3A_353] : memref<2x8x125xi32, #tpu.memory_space<vmem>> -> memref<1x1x125xi32, #tpu.memory_space<vmem>>
        %dma_wait3A_355 = tpu.memref_squeeze %dma_wait3A_354 : memref<1x1x125xi32, #tpu.memory_space<vmem>> -> memref<125xi32, #tpu.memory_space<vmem>>
        %dma_wait3A_356 = arith.constant 0 : i32
        %dma_wait3A_357 = arith.constant 0 : i32
        %dma_wait3A_358 = tpu.memref_slice %arg14[%dma_wait3A_356, %dma_wait3A_357] : memref<10000x128xf32, #tpu.memory_space<vmem_shared>> -> memref<10000x128xf32, #tpu.memory_space<vmem_shared>>
        tpu.wait_indirect_dma semaphore(%run_scoped3A_346 : memref<!tpu.dma_semaphore, #tpu.memory_space<semaphore_mem>>) src(%arg9 : memref<125x128xf32, #tpu.memory_space<vmem>>) dst(%dma_wait3A_358 : memref<10000x128xf32, #tpu.memory_space<vmem_shared>>)
        tpu.yield
      }) : () -> ()
      %dma_start3A_113 = arith.constant 0 : i32
      %dma_start3A_114 = arith.constant 5 : i32
      %dma_start3A_115 = arith.constant 0 : i32
      %dma_start3A_116 = tpu.memref_slice %arg6[%dma_start3A_113, %dma_start3A_114, %dma_start3A_115] : memref<2x8x125xi32, #tpu.memory_space<vmem>> -> memref<1x1x125xi32, #tpu.memory_space<vmem>>
      %dma_start3A_117 = tpu.memref_squeeze %dma_start3A_116 : memref<1x1x125xi32, #tpu.memory_space<vmem>> -> memref<125xi32, #tpu.memory_space<vmem>>
      %dma_start3A_118 = arith.constant 0 : i32
      %dma_start3A_119 = arith.constant 0 : i32
      %dma_start3A_120 = tpu.memref_slice %arg2[%dma_start3A_118, %dma_start3A_119] : memref<10000x128xf32, #tpu.memory_space<hbm>> -> memref<10000x128xf32, #tpu.memory_space<hbm>>
      tpu.enqueue_indirect_dma source(%dma_start3A_120 : memref<10000x128xf32, #tpu.memory_space<hbm>>) target(%arg9 : memref<125x128xf32, #tpu.memory_space<vmem>>) offsets(%dma_start3A_117 : memref<125xi32, #tpu.memory_space<vmem>>) semaphore(%arg11 : memref<!tpu.dma_semaphore, #tpu.memory_space<semaphore_mem>>)
      %dma_wait3A_121 = arith.constant 0 : i32
      %dma_wait3A_122 = arith.constant 4 : i32
      %dma_wait3A_123 = arith.constant 0 : i32
      %dma_wait3A_124 = tpu.memref_slice %arg6[%dma_wait3A_121, %dma_wait3A_122, %dma_wait3A_123] : memref<2x8x125xi32, #tpu.memory_space<vmem>> -> memref<1x1x125xi32, #tpu.memory_space<vmem>>
      %dma_wait3A_125 = tpu.memref_squeeze %dma_wait3A_124 : memref<1x1x125xi32, #tpu.memory_space<vmem>> -> memref<125xi32, #tpu.memory_space<vmem>>
      %dma_wait3A_126 = arith.constant 0 : i32
      %dma_wait3A_127 = arith.constant 0 : i32
      %dma_wait3A_128 = tpu.memref_slice %arg2[%dma_wait3A_126, %dma_wait3A_127] : memref<10000x128xf32, #tpu.memory_space<hbm>> -> memref<10000x128xf32, #tpu.memory_space<hbm>>
      tpu.wait_indirect_dma semaphore(%arg10 : memref<!tpu.dma_semaphore, #tpu.memory_space<semaphore_mem>>) src(%dma_wait3A_128 : memref<10000x128xf32, #tpu.memory_space<hbm>>) dst(%arg8 : memref<125x128xf32, #tpu.memory_space<vmem>>)
      %run_scoped3A_129 = arith.constant 1 : i32
      %run_scoped3A_130 = arith.constant 4 : i32
      "tpu.region"() ({
        %run_scoped3A_346 = tpu.sem_alloc : memref<!tpu.dma_semaphore, #tpu.memory_space<semaphore_mem>>
        %dma_start3A_347 = arith.constant 0 : i32
        %dma_start3A_348 = tpu.memref_slice %arg6[%run_scoped3A_129, %run_scoped3A_130, %dma_start3A_347] : memref<2x8x125xi32, #tpu.memory_space<vmem>> -> memref<1x1x125xi32, #tpu.memory_space<vmem>>
        %dma_start3A_349 = tpu.memref_squeeze %dma_start3A_348 : memref<1x1x125xi32, #tpu.memory_space<vmem>> -> memref<125xi32, #tpu.memory_space<vmem>>
        %dma_start3A_350 = arith.constant 0 : i32
        %dma_start3A_351 = arith.constant 0 : i32
        %dma_start3A_352 = tpu.memref_slice %arg14[%dma_start3A_350, %dma_start3A_351] : memref<10000x128xf32, #tpu.memory_space<vmem_shared>> -> memref<10000x128xf32, #tpu.memory_space<vmem_shared>>
        tpu.enqueue_indirect_dma source(%arg8 : memref<125x128xf32, #tpu.memory_space<vmem>>) target(%dma_start3A_352 : memref<10000x128xf32, #tpu.memory_space<vmem_shared>>) offsets(%dma_start3A_349 : memref<125xi32, #tpu.memory_space<vmem>>) semaphore(%run_scoped3A_346 : memref<!tpu.dma_semaphore, #tpu.memory_space<semaphore_mem>>) {add = true}
        %dma_wait3A_353 = arith.constant 0 : i32
        %dma_wait3A_354 = tpu.memref_slice %arg6[%run_scoped3A_129, %run_scoped3A_130, %dma_wait3A_353] : memref<2x8x125xi32, #tpu.memory_space<vmem>> -> memref<1x1x125xi32, #tpu.memory_space<vmem>>
        %dma_wait3A_355 = tpu.memref_squeeze %dma_wait3A_354 : memref<1x1x125xi32, #tpu.memory_space<vmem>> -> memref<125xi32, #tpu.memory_space<vmem>>
        %dma_wait3A_356 = arith.constant 0 : i32
        %dma_wait3A_357 = arith.constant 0 : i32
        %dma_wait3A_358 = tpu.memref_slice %arg14[%dma_wait3A_356, %dma_wait3A_357] : memref<10000x128xf32, #tpu.memory_space<vmem_shared>> -> memref<10000x128xf32, #tpu.memory_space<vmem_shared>>
        tpu.wait_indirect_dma semaphore(%run_scoped3A_346 : memref<!tpu.dma_semaphore, #tpu.memory_space<semaphore_mem>>) src(%arg8 : memref<125x128xf32, #tpu.memory_space<vmem>>) dst(%dma_wait3A_358 : memref<10000x128xf32, #tpu.memory_space<vmem_shared>>)
        tpu.yield
      }) : () -> ()
      %dma_start3A_131 = arith.constant 0 : i32
      %dma_start3A_132 = arith.constant 6 : i32
      %dma_start3A_133 = arith.constant 0 : i32
      %dma_start3A_134 = tpu.memref_slice %arg6[%dma_start3A_131, %dma_start3A_132, %dma_start3A_133] : memref<2x8x125xi32, #tpu.memory_space<vmem>> -> memref<1x1x125xi32, #tpu.memory_space<vmem>>
      %dma_start3A_135 = tpu.memref_squeeze %dma_start3A_134 : memref<1x1x125xi32, #tpu.memory_space<vmem>> -> memref<125xi32, #tpu.memory_space<vmem>>
      %dma_start3A_136 = arith.constant 0 : i32
      %dma_start3A_137 = arith.constant 0 : i32
      %dma_start3A_138 = tpu.memref_slice %arg2[%dma_start3A_136, %dma_start3A_137] : memref<10000x128xf32, #tpu.memory_space<hbm>> -> memref<10000x128xf32, #tpu.memory_space<hbm>>
      tpu.enqueue_indirect_dma source(%dma_start3A_138 : memref<10000x128xf32, #tpu.memory_space<hbm>>) target(%arg8 : memref<125x128xf32, #tpu.memory_space<vmem>>) offsets(%dma_start3A_135 : memref<125xi32, #tpu.memory_space<vmem>>) semaphore(%arg10 : memref<!tpu.dma_semaphore, #tpu.memory_space<semaphore_mem>>)
      %dma_wait3A_139 = arith.constant 0 : i32
      %dma_wait3A_140 = arith.constant 5 : i32
      %dma_wait3A_141 = arith.constant 0 : i32
      %dma_wait3A_142 = tpu.memref_slice %arg6[%dma_wait3A_139, %dma_wait3A_140, %dma_wait3A_141] : memref<2x8x125xi32, #tpu.memory_space<vmem>> -> memref<1x1x125xi32, #tpu.memory_space<vmem>>
      %dma_wait3A_143 = tpu.memref_squeeze %dma_wait3A_142 : memref<1x1x125xi32, #tpu.memory_space<vmem>> -> memref<125xi32, #tpu.memory_space<vmem>>
      %dma_wait3A_144 = arith.constant 0 : i32
      %dma_wait3A_145 = arith.constant 0 : i32
      %dma_wait3A_146 = tpu.memref_slice %arg2[%dma_wait3A_144, %dma_wait3A_145] : memref<10000x128xf32, #tpu.memory_space<hbm>> -> memref<10000x128xf32, #tpu.memory_space<hbm>>
      tpu.wait_indirect_dma semaphore(%arg11 : memref<!tpu.dma_semaphore, #tpu.memory_space<semaphore_mem>>) src(%dma_wait3A_146 : memref<10000x128xf32, #tpu.memory_space<hbm>>) dst(%arg9 : memref<125x128xf32, #tpu.memory_space<vmem>>)
      %run_scoped3A_147 = arith.constant 1 : i32
      %run_scoped3A_148 = arith.constant 5 : i32
      "tpu.region"() ({
        %run_scoped3A_346 = tpu.sem_alloc : memref<!tpu.dma_semaphore, #tpu.memory_space<semaphore_mem>>
        %dma_start3A_347 = arith.constant 0 : i32
        %dma_start3A_348 = tpu.memref_slice %arg6[%run_scoped3A_147, %run_scoped3A_148, %dma_start3A_347] : memref<2x8x125xi32, #tpu.memory_space<vmem>> -> memref<1x1x125xi32, #tpu.memory_space<vmem>>
        %dma_start3A_349 = tpu.memref_squeeze %dma_start3A_348 : memref<1x1x125xi32, #tpu.memory_space<vmem>> -> memref<125xi32, #tpu.memory_space<vmem>>
        %dma_start3A_350 = arith.constant 0 : i32
        %dma_start3A_351 = arith.constant 0 : i32
        %dma_start3A_352 = tpu.memref_slice %arg14[%dma_start3A_350, %dma_start3A_351] : memref<10000x128xf32, #tpu.memory_space<vmem_shared>> -> memref<10000x128xf32, #tpu.memory_space<vmem_shared>>
        tpu.enqueue_indirect_dma source(%arg9 : memref<125x128xf32, #tpu.memory_space<vmem>>) target(%dma_start3A_352 : memref<10000x128xf32, #tpu.memory_space<vmem_shared>>) offsets(%dma_start3A_349 : memref<125xi32, #tpu.memory_space<vmem>>) semaphore(%run_scoped3A_346 : memref<!tpu.dma_semaphore, #tpu.memory_space<semaphore_mem>>) {add = true}
        %dma_wait3A_353 = arith.constant 0 : i32
        %dma_wait3A_354 = tpu.memref_slice %arg6[%run_scoped3A_147, %run_scoped3A_148, %dma_wait3A_353] : memref<2x8x125xi32, #tpu.memory_space<vmem>> -> memref<1x1x125xi32, #tpu.memory_space<vmem>>
        %dma_wait3A_355 = tpu.memref_squeeze %dma_wait3A_354 : memref<1x1x125xi32, #tpu.memory_space<vmem>> -> memref<125xi32, #tpu.memory_space<vmem>>
        %dma_wait3A_356 = arith.constant 0 : i32
        %dma_wait3A_357 = arith.constant 0 : i32
        %dma_wait3A_358 = tpu.memref_slice %arg14[%dma_wait3A_356, %dma_wait3A_357] : memref<10000x128xf32, #tpu.memory_space<vmem_shared>> -> memref<10000x128xf32, #tpu.memory_space<vmem_shared>>
        tpu.wait_indirect_dma semaphore(%run_scoped3A_346 : memref<!tpu.dma_semaphore, #tpu.memory_space<semaphore_mem>>) src(%arg9 : memref<125x128xf32, #tpu.memory_space<vmem>>) dst(%dma_wait3A_358 : memref<10000x128xf32, #tpu.memory_space<vmem_shared>>)
        tpu.yield
      }) : () -> ()
      %dma_start3A_149 = arith.constant 0 : i32
      %dma_start3A_150 = arith.constant 7 : i32
      %dma_start3A_151 = arith.constant 0 : i32
      %dma_start3A_152 = tpu.memref_slice %arg6[%dma_start3A_149, %dma_start3A_150, %dma_start3A_151] : memref<2x8x125xi32, #tpu.memory_space<vmem>> -> memref<1x1x125xi32, #tpu.memory_space<vmem>>
      %dma_start3A_153 = tpu.memref_squeeze %dma_start3A_152 : memref<1x1x125xi32, #tpu.memory_space<vmem>> -> memref<125xi32, #tpu.memory_space<vmem>>
      %dma_start3A_154 = arith.constant 0 : i32
      %dma_start3A_155 = arith.constant 0 : i32
      %dma_start3A_156 = tpu.memref_slice %arg2[%dma_start3A_154, %dma_start3A_155] : memref<10000x128xf32, #tpu.memory_space<hbm>> -> memref<10000x128xf32, #tpu.memory_space<hbm>>
      tpu.enqueue_indirect_dma source(%dma_start3A_156 : memref<10000x128xf32, #tpu.memory_space<hbm>>) target(%arg9 : memref<125x128xf32, #tpu.memory_space<vmem>>) offsets(%dma_start3A_153 : memref<125xi32, #tpu.memory_space<vmem>>) semaphore(%arg11 : memref<!tpu.dma_semaphore, #tpu.memory_space<semaphore_mem>>)
      %dma_wait3A_157 = arith.constant 0 : i32
      %dma_wait3A_158 = arith.constant 6 : i32
      %dma_wait3A_159 = arith.constant 0 : i32
      %dma_wait3A_160 = tpu.memref_slice %arg6[%dma_wait3A_157, %dma_wait3A_158, %dma_wait3A_159] : memref<2x8x125xi32, #tpu.memory_space<vmem>> -> memref<1x1x125xi32, #tpu.memory_space<vmem>>
      %dma_wait3A_161 = tpu.memref_squeeze %dma_wait3A_160 : memref<1x1x125xi32, #tpu.memory_space<vmem>> -> memref<125xi32, #tpu.memory_space<vmem>>
      %dma_wait3A_162 = arith.constant 0 : i32
      %dma_wait3A_163 = arith.constant 0 : i32
      %dma_wait3A_164 = tpu.memref_slice %arg2[%dma_wait3A_162, %dma_wait3A_163] : memref<10000x128xf32, #tpu.memory_space<hbm>> -> memref<10000x128xf32, #tpu.memory_space<hbm>>
      tpu.wait_indirect_dma semaphore(%arg10 : memref<!tpu.dma_semaphore, #tpu.memory_space<semaphore_mem>>) src(%dma_wait3A_164 : memref<10000x128xf32, #tpu.memory_space<hbm>>) dst(%arg8 : memref<125x128xf32, #tpu.memory_space<vmem>>)
      %run_scoped3A_165 = arith.constant 1 : i32
      %run_scoped3A_166 = arith.constant 6 : i32
      "tpu.region"() ({
        %run_scoped3A_346 = tpu.sem_alloc : memref<!tpu.dma_semaphore, #tpu.memory_space<semaphore_mem>>
        %dma_start3A_347 = arith.constant 0 : i32
        %dma_start3A_348 = tpu.memref_slice %arg6[%run_scoped3A_165, %run_scoped3A_166, %dma_start3A_347] : memref<2x8x125xi32, #tpu.memory_space<vmem>> -> memref<1x1x125xi32, #tpu.memory_space<vmem>>
        %dma_start3A_349 = tpu.memref_squeeze %dma_start3A_348 : memref<1x1x125xi32, #tpu.memory_space<vmem>> -> memref<125xi32, #tpu.memory_space<vmem>>
        %dma_start3A_350 = arith.constant 0 : i32
        %dma_start3A_351 = arith.constant 0 : i32
        %dma_start3A_352 = tpu.memref_slice %arg14[%dma_start3A_350, %dma_start3A_351] : memref<10000x128xf32, #tpu.memory_space<vmem_shared>> -> memref<10000x128xf32, #tpu.memory_space<vmem_shared>>
        tpu.enqueue_indirect_dma source(%arg8 : memref<125x128xf32, #tpu.memory_space<vmem>>) target(%dma_start3A_352 : memref<10000x128xf32, #tpu.memory_space<vmem_shared>>) offsets(%dma_start3A_349 : memref<125xi32, #tpu.memory_space<vmem>>) semaphore(%run_scoped3A_346 : memref<!tpu.dma_semaphore, #tpu.memory_space<semaphore_mem>>) {add = true}
        %dma_wait3A_353 = arith.constant 0 : i32
        %dma_wait3A_354 = tpu.memref_slice %arg6[%run_scoped3A_165, %run_scoped3A_166, %dma_wait3A_353] : memref<2x8x125xi32, #tpu.memory_space<vmem>> -> memref<1x1x125xi32, #tpu.memory_space<vmem>>
        %dma_wait3A_355 = tpu.memref_squeeze %dma_wait3A_354 : memref<1x1x125xi32, #tpu.memory_space<vmem>> -> memref<125xi32, #tpu.memory_space<vmem>>
        %dma_wait3A_356 = arith.constant 0 : i32
        %dma_wait3A_357 = arith.constant 0 : i32
        %dma_wait3A_358 = tpu.memref_slice %arg14[%dma_wait3A_356, %dma_wait3A_357] : memref<10000x128xf32, #tpu.memory_space<vmem_shared>> -> memref<10000x128xf32, #tpu.memory_space<vmem_shared>>
        tpu.wait_indirect_dma semaphore(%run_scoped3A_346 : memref<!tpu.dma_semaphore, #tpu.memory_space<semaphore_mem>>) src(%arg8 : memref<125x128xf32, #tpu.memory_space<vmem>>) dst(%dma_wait3A_358 : memref<10000x128xf32, #tpu.memory_space<vmem_shared>>)
        tpu.yield
      }) : () -> ()
      %dma_wait3A_167 = arith.constant 0 : i32
      %dma_wait3A_168 = arith.constant 7 : i32
      %dma_wait3A_169 = arith.constant 0 : i32
      %dma_wait3A_170 = tpu.memref_slice %arg6[%dma_wait3A_167, %dma_wait3A_168, %dma_wait3A_169] : memref<2x8x125xi32, #tpu.memory_space<vmem>> -> memref<1x1x125xi32, #tpu.memory_space<vmem>>
      %dma_wait3A_171 = tpu.memref_squeeze %dma_wait3A_170 : memref<1x1x125xi32, #tpu.memory_space<vmem>> -> memref<125xi32, #tpu.memory_space<vmem>>
      %dma_wait3A_172 = arith.constant 0 : i32
      %dma_wait3A_173 = arith.constant 0 : i32
      %dma_wait3A_174 = tpu.memref_slice %arg2[%dma_wait3A_172, %dma_wait3A_173] : memref<10000x128xf32, #tpu.memory_space<hbm>> -> memref<10000x128xf32, #tpu.memory_space<hbm>>
      tpu.wait_indirect_dma semaphore(%arg11 : memref<!tpu.dma_semaphore, #tpu.memory_space<semaphore_mem>>) src(%dma_wait3A_174 : memref<10000x128xf32, #tpu.memory_space<hbm>>) dst(%arg9 : memref<125x128xf32, #tpu.memory_space<vmem>>)
      %run_scoped3A_175 = arith.constant 1 : i32
      %run_scoped3A_176 = arith.constant 7 : i32
      "tpu.region"() ({
        %run_scoped3A_346 = tpu.sem_alloc : memref<!tpu.dma_semaphore, #tpu.memory_space<semaphore_mem>>
        %dma_start3A_347 = arith.constant 0 : i32
        %dma_start3A_348 = tpu.memref_slice %arg6[%run_scoped3A_175, %run_scoped3A_176, %dma_start3A_347] : memref<2x8x125xi32, #tpu.memory_space<vmem>> -> memref<1x1x125xi32, #tpu.memory_space<vmem>>
        %dma_start3A_349 = tpu.memref_squeeze %dma_start3A_348 : memref<1x1x125xi32, #tpu.memory_space<vmem>> -> memref<125xi32, #tpu.memory_space<vmem>>
        %dma_start3A_350 = arith.constant 0 : i32
        %dma_start3A_351 = arith.constant 0 : i32
        %dma_start3A_352 = tpu.memref_slice %arg14[%dma_start3A_350, %dma_start3A_351] : memref<10000x128xf32, #tpu.memory_space<vmem_shared>> -> memref<10000x128xf32, #tpu.memory_space<vmem_shared>>
        tpu.enqueue_indirect_dma source(%arg9 : memref<125x128xf32, #tpu.memory_space<vmem>>) target(%dma_start3A_352 : memref<10000x128xf32, #tpu.memory_space<vmem_shared>>) offsets(%dma_start3A_349 : memref<125xi32, #tpu.memory_space<vmem>>) semaphore(%run_scoped3A_346 : memref<!tpu.dma_semaphore, #tpu.memory_space<semaphore_mem>>) {add = true}
        %dma_wait3A_353 = arith.constant 0 : i32
        %dma_wait3A_354 = tpu.memref_slice %arg6[%run_scoped3A_175, %run_scoped3A_176, %dma_wait3A_353] : memref<2x8x125xi32, #tpu.memory_space<vmem>> -> memref<1x1x125xi32, #tpu.memory_space<vmem>>
        %dma_wait3A_355 = tpu.memref_squeeze %dma_wait3A_354 : memref<1x1x125xi32, #tpu.memory_space<vmem>> -> memref<125xi32, #tpu.memory_space<vmem>>
        %dma_wait3A_356 = arith.constant 0 : i32
        %dma_wait3A_357 = arith.constant 0 : i32
        %dma_wait3A_358 = tpu.memref_slice %arg14[%dma_wait3A_356, %dma_wait3A_357] : memref<10000x128xf32, #tpu.memory_space<vmem_shared>> -> memref<10000x128xf32, #tpu.memory_space<vmem_shared>>
        tpu.wait_indirect_dma semaphore(%run_scoped3A_346 : memref<!tpu.dma_semaphore, #tpu.memory_space<semaphore_mem>>) src(%arg9 : memref<125x128xf32, #tpu.memory_space<vmem>>) dst(%dma_wait3A_358 : memref<10000x128xf32, #tpu.memory_space<vmem_shared>>)
        tpu.yield
      }) : () -> ()
      %add3A_177 = arith.constant 2 : i32
      %add3A_178 = arith.addi %mul3A_22, %add3A_177 : i32
      %lt3A = arith.constant 10 : i32
      %lt3A_179 = arith.cmpi slt, %add3A_178, %lt3A : i32
      %convert_element_type3A_180 = arith.extui %lt3A_179 : i1 to i32
      %cond3A_181 = arith.constant 0 : i32
      %cond3A_182 = arith.cmpi ne, %convert_element_type3A_180, %cond3A_181 : i32
      scf.if %cond3A_182 {
        %add3A_346 = arith.constant 2 : i32
        %add3A_347 = arith.addi %mul3A_22, %add3A_346 : i32
        %dma_start3A_348 = arith.constant 0 : i32
        %dma_start3A_349 = arith.constant 0 : i32
        %dma_start3A_350 = arith.constant 0 : i32
        %dma_start3A_351 = tpu.memref_slice %arg3[%add3A, %add3A_347, %dma_start3A_348, %dma_start3A_349, %dma_start3A_350] : memref<32x10x2x8x125xi32, #tpu.memory_space<hbm>> -> memref<1x1x2x8x125xi32, #tpu.memory_space<hbm>>
        %dma_start3A_352 = tpu.memref_squeeze %dma_start3A_351 : memref<1x1x2x8x125xi32, #tpu.memory_space<hbm>> -> memref<2x8x125xi32, #tpu.memory_space<hbm>>
        %dma_start3A_353 = arith.constant 0 : i32
        %dma_start3A_354 = arith.constant 0 : i32
        %dma_start3A_355 = arith.constant 0 : i32
        %dma_start3A_356 = tpu.memref_slice %arg3[%add3A, %add3A_347, %dma_start3A_353, %dma_start3A_354, %dma_start3A_355] : memref<32x10x2x8x125xi32, #tpu.memory_space<hbm>> -> memref<1x1x2x8x125xi32, #tpu.memory_space<hbm>>
        %dma_start3A_357 = tpu.memref_squeeze %dma_start3A_356 : memref<1x1x2x8x125xi32, #tpu.memory_space<hbm>> -> memref<2x8x125xi32, #tpu.memory_space<hbm>>
        tpu.enqueue_dma source(%dma_start3A_357 : memref<2x8x125xi32, #tpu.memory_space<hbm>>) target(%arg6 : memref<2x8x125xi32, #tpu.memory_space<vmem>>) target_semaphore(%arg12 : memref<!tpu.dma_semaphore, #tpu.memory_space<semaphore_mem>>)
      } else {
      }
      %add3A_183 = arith.constant 1 : i32
      %add3A_184 = arith.addi %mul3A_22, %add3A_183 : i32
      %dma_wait3A_185 = arith.constant 0 : i32
      %dma_wait3A_186 = arith.constant 0 : i32
      %dma_wait3A_187 = arith.constant 0 : i32
      %dma_wait3A_188 = tpu.memref_slice %arg3[%add3A, %add3A_184, %dma_wait3A_185, %dma_wait3A_186, %dma_wait3A_187] : memref<32x10x2x8x125xi32, #tpu.memory_space<hbm>> -> memref<1x1x2x8x125xi32, #tpu.memory_space<hbm>>
      %dma_wait3A_189 = tpu.memref_squeeze %dma_wait3A_188 : memref<1x1x2x8x125xi32, #tpu.memory_space<hbm>> -> memref<2x8x125xi32, #tpu.memory_space<hbm>>
      %dma_wait3A_190 = arith.constant 0 : i32
      %dma_wait3A_191 = arith.constant 0 : i32
      %dma_wait3A_192 = arith.constant 0 : i32
      %dma_wait3A_193 = tpu.memref_slice %arg3[%add3A, %add3A_184, %dma_wait3A_190, %dma_wait3A_191, %dma_wait3A_192] : memref<32x10x2x8x125xi32, #tpu.memory_space<hbm>> -> memref<1x1x2x8x125xi32, #tpu.memory_space<hbm>>
      %dma_wait3A_194 = tpu.memref_squeeze %dma_wait3A_193 : memref<1x1x2x8x125xi32, #tpu.memory_space<hbm>> -> memref<2x8x125xi32, #tpu.memory_space<hbm>>
      tpu.wait_dma2 semaphore(%arg13 : memref<!tpu.dma_semaphore, #tpu.memory_space<semaphore_mem>>) src(%dma_wait3A_194 : memref<2x8x125xi32, #tpu.memory_space<hbm>>) dst(%arg7 : memref<2x8x125xi32, #tpu.memory_space<vmem>>)
      %dma_start3A_195 = arith.constant 0 : i32
      %dma_start3A_196 = arith.constant 0 : i32
      %dma_start3A_197 = arith.constant 0 : i32
      %dma_start3A_198 = tpu.memref_slice %arg7[%dma_start3A_195, %dma_start3A_196, %dma_start3A_197] : memref<2x8x125xi32, #tpu.memory_space<vmem>> -> memref<1x1x125xi32, #tpu.memory_space<vmem>>
      %dma_start3A_199 = tpu.memref_squeeze %dma_start3A_198 : memref<1x1x125xi32, #tpu.memory_space<vmem>> -> memref<125xi32, #tpu.memory_space<vmem>>
      %dma_start3A_200 = arith.constant 0 : i32
      %dma_start3A_201 = arith.constant 0 : i32
      %dma_start3A_202 = tpu.memref_slice %arg2[%dma_start3A_200, %dma_start3A_201] : memref<10000x128xf32, #tpu.memory_space<hbm>> -> memref<10000x128xf32, #tpu.memory_space<hbm>>
      tpu.enqueue_indirect_dma source(%dma_start3A_202 : memref<10000x128xf32, #tpu.memory_space<hbm>>) target(%arg8 : memref<125x128xf32, #tpu.memory_space<vmem>>) offsets(%dma_start3A_199 : memref<125xi32, #tpu.memory_space<vmem>>) semaphore(%arg10 : memref<!tpu.dma_semaphore, #tpu.memory_space<semaphore_mem>>)
      %dma_start3A_203 = arith.constant 0 : i32
      %dma_start3A_204 = arith.constant 1 : i32
      %dma_start3A_205 = arith.constant 0 : i32
      %dma_start3A_206 = tpu.memref_slice %arg7[%dma_start3A_203, %dma_start3A_204, %dma_start3A_205] : memref<2x8x125xi32, #tpu.memory_space<vmem>> -> memref<1x1x125xi32, #tpu.memory_space<vmem>>
      %dma_start3A_207 = tpu.memref_squeeze %dma_start3A_206 : memref<1x1x125xi32, #tpu.memory_space<vmem>> -> memref<125xi32, #tpu.memory_space<vmem>>
      %dma_start3A_208 = arith.constant 0 : i32
      %dma_start3A_209 = arith.constant 0 : i32
      %dma_start3A_210 = tpu.memref_slice %arg2[%dma_start3A_208, %dma_start3A_209] : memref<10000x128xf32, #tpu.memory_space<hbm>> -> memref<10000x128xf32, #tpu.memory_space<hbm>>
      tpu.enqueue_indirect_dma source(%dma_start3A_210 : memref<10000x128xf32, #tpu.memory_space<hbm>>) target(%arg9 : memref<125x128xf32, #tpu.memory_space<vmem>>) offsets(%dma_start3A_207 : memref<125xi32, #tpu.memory_space<vmem>>) semaphore(%arg11 : memref<!tpu.dma_semaphore, #tpu.memory_space<semaphore_mem>>)
      %dma_wait3A_211 = arith.constant 0 : i32
      %dma_wait3A_212 = arith.constant 0 : i32
      %dma_wait3A_213 = arith.constant 0 : i32
      %dma_wait3A_214 = tpu.memref_slice %arg7[%dma_wait3A_211, %dma_wait3A_212, %dma_wait3A_213] : memref<2x8x125xi32, #tpu.memory_space<vmem>> -> memref<1x1x125xi32, #tpu.memory_space<vmem>>
      %dma_wait3A_215 = tpu.memref_squeeze %dma_wait3A_214 : memref<1x1x125xi32, #tpu.memory_space<vmem>> -> memref<125xi32, #tpu.memory_space<vmem>>
      %dma_wait3A_216 = arith.constant 0 : i32
      %dma_wait3A_217 = arith.constant 0 : i32
      %dma_wait3A_218 = tpu.memref_slice %arg2[%dma_wait3A_216, %dma_wait3A_217] : memref<10000x128xf32, #tpu.memory_space<hbm>> -> memref<10000x128xf32, #tpu.memory_space<hbm>>
      tpu.wait_indirect_dma semaphore(%arg10 : memref<!tpu.dma_semaphore, #tpu.memory_space<semaphore_mem>>) src(%dma_wait3A_218 : memref<10000x128xf32, #tpu.memory_space<hbm>>) dst(%arg8 : memref<125x128xf32, #tpu.memory_space<vmem>>)
      %run_scoped3A_219 = arith.constant 1 : i32
      %run_scoped3A_220 = arith.constant 0 : i32
      "tpu.region"() ({
        %run_scoped3A_346 = tpu.sem_alloc : memref<!tpu.dma_semaphore, #tpu.memory_space<semaphore_mem>>
        %dma_start3A_347 = arith.constant 0 : i32
        %dma_start3A_348 = tpu.memref_slice %arg7[%run_scoped3A_219, %run_scoped3A_220, %dma_start3A_347] : memref<2x8x125xi32, #tpu.memory_space<vmem>> -> memref<1x1x125xi32, #tpu.memory_space<vmem>>
        %dma_start3A_349 = tpu.memref_squeeze %dma_start3A_348 : memref<1x1x125xi32, #tpu.memory_space<vmem>> -> memref<125xi32, #tpu.memory_space<vmem>>
        %dma_start3A_350 = arith.constant 0 : i32
        %dma_start3A_351 = arith.constant 0 : i32
        %dma_start3A_352 = tpu.memref_slice %arg14[%dma_start3A_350, %dma_start3A_351] : memref<10000x128xf32, #tpu.memory_space<vmem_shared>> -> memref<10000x128xf32, #tpu.memory_space<vmem_shared>>
        tpu.enqueue_indirect_dma source(%arg8 : memref<125x128xf32, #tpu.memory_space<vmem>>) target(%dma_start3A_352 : memref<10000x128xf32, #tpu.memory_space<vmem_shared>>) offsets(%dma_start3A_349 : memref<125xi32, #tpu.memory_space<vmem>>) semaphore(%run_scoped3A_346 : memref<!tpu.dma_semaphore, #tpu.memory_space<semaphore_mem>>) {add = true}
        %dma_wait3A_353 = arith.constant 0 : i32
        %dma_wait3A_354 = tpu.memref_slice %arg7[%run_scoped3A_219, %run_scoped3A_220, %dma_wait3A_353] : memref<2x8x125xi32, #tpu.memory_space<vmem>> -> memref<1x1x125xi32, #tpu.memory_space<vmem>>
        %dma_wait3A_355 = tpu.memref_squeeze %dma_wait3A_354 : memref<1x1x125xi32, #tpu.memory_space<vmem>> -> memref<125xi32, #tpu.memory_space<vmem>>
        %dma_wait3A_356 = arith.constant 0 : i32
        %dma_wait3A_357 = arith.constant 0 : i32
        %dma_wait3A_358 = tpu.memref_slice %arg14[%dma_wait3A_356, %dma_wait3A_357] : memref<10000x128xf32, #tpu.memory_space<vmem_shared>> -> memref<10000x128xf32, #tpu.memory_space<vmem_shared>>
        tpu.wait_indirect_dma semaphore(%run_scoped3A_346 : memref<!tpu.dma_semaphore, #tpu.memory_space<semaphore_mem>>) src(%arg8 : memref<125x128xf32, #tpu.memory_space<vmem>>) dst(%dma_wait3A_358 : memref<10000x128xf32, #tpu.memory_space<vmem_shared>>)
        tpu.yield
      }) : () -> ()
      %dma_start3A_221 = arith.constant 0 : i32
      %dma_start3A_222 = arith.constant 2 : i32
      %dma_start3A_223 = arith.constant 0 : i32
      %dma_start3A_224 = tpu.memref_slice %arg7[%dma_start3A_221, %dma_start3A_222, %dma_start3A_223] : memref<2x8x125xi32, #tpu.memory_space<vmem>> -> memref<1x1x125xi32, #tpu.memory_space<vmem>>
      %dma_start3A_225 = tpu.memref_squeeze %dma_start3A_224 : memref<1x1x125xi32, #tpu.memory_space<vmem>> -> memref<125xi32, #tpu.memory_space<vmem>>
      %dma_start3A_226 = arith.constant 0 : i32
      %dma_start3A_227 = arith.constant 0 : i32
      %dma_start3A_228 = tpu.memref_slice %arg2[%dma_start3A_226, %dma_start3A_227] : memref<10000x128xf32, #tpu.memory_space<hbm>> -> memref<10000x128xf32, #tpu.memory_space<hbm>>
      tpu.enqueue_indirect_dma source(%dma_start3A_228 : memref<10000x128xf32, #tpu.memory_space<hbm>>) target(%arg8 : memref<125x128xf32, #tpu.memory_space<vmem>>) offsets(%dma_start3A_225 : memref<125xi32, #tpu.memory_space<vmem>>) semaphore(%arg10 : memref<!tpu.dma_semaphore, #tpu.memory_space<semaphore_mem>>)
      %dma_wait3A_229 = arith.constant 0 : i32
      %dma_wait3A_230 = arith.constant 1 : i32
      %dma_wait3A_231 = arith.constant 0 : i32
      %dma_wait3A_232 = tpu.memref_slice %arg7[%dma_wait3A_229, %dma_wait3A_230, %dma_wait3A_231] : memref<2x8x125xi32, #tpu.memory_space<vmem>> -> memref<1x1x125xi32, #tpu.memory_space<vmem>>
      %dma_wait3A_233 = tpu.memref_squeeze %dma_wait3A_232 : memref<1x1x125xi32, #tpu.memory_space<vmem>> -> memref<125xi32, #tpu.memory_space<vmem>>
      %dma_wait3A_234 = arith.constant 0 : i32
      %dma_wait3A_235 = arith.constant 0 : i32
      %dma_wait3A_236 = tpu.memref_slice %arg2[%dma_wait3A_234, %dma_wait3A_235] : memref<10000x128xf32, #tpu.memory_space<hbm>> -> memref<10000x128xf32, #tpu.memory_space<hbm>>
      tpu.wait_indirect_dma semaphore(%arg11 : memref<!tpu.dma_semaphore, #tpu.memory_space<semaphore_mem>>) src(%dma_wait3A_236 : memref<10000x128xf32, #tpu.memory_space<hbm>>) dst(%arg9 : memref<125x128xf32, #tpu.memory_space<vmem>>)
      %run_scoped3A_237 = arith.constant 1 : i32
      %run_scoped3A_238 = arith.constant 1 : i32
      "tpu.region"() ({
        %run_scoped3A_346 = tpu.sem_alloc : memref<!tpu.dma_semaphore, #tpu.memory_space<semaphore_mem>>
        %dma_start3A_347 = arith.constant 0 : i32
        %dma_start3A_348 = tpu.memref_slice %arg7[%run_scoped3A_237, %run_scoped3A_238, %dma_start3A_347] : memref<2x8x125xi32, #tpu.memory_space<vmem>> -> memref<1x1x125xi32, #tpu.memory_space<vmem>>
        %dma_start3A_349 = tpu.memref_squeeze %dma_start3A_348 : memref<1x1x125xi32, #tpu.memory_space<vmem>> -> memref<125xi32, #tpu.memory_space<vmem>>
        %dma_start3A_350 = arith.constant 0 : i32
        %dma_start3A_351 = arith.constant 0 : i32
        %dma_start3A_352 = tpu.memref_slice %arg14[%dma_start3A_350, %dma_start3A_351] : memref<10000x128xf32, #tpu.memory_space<vmem_shared>> -> memref<10000x128xf32, #tpu.memory_space<vmem_shared>>
        tpu.enqueue_indirect_dma source(%arg9 : memref<125x128xf32, #tpu.memory_space<vmem>>) target(%dma_start3A_352 : memref<10000x128xf32, #tpu.memory_space<vmem_shared>>) offsets(%dma_start3A_349 : memref<125xi32, #tpu.memory_space<vmem>>) semaphore(%run_scoped3A_346 : memref<!tpu.dma_semaphore, #tpu.memory_space<semaphore_mem>>) {add = true}
        %dma_wait3A_353 = arith.constant 0 : i32
        %dma_wait3A_354 = tpu.memref_slice %arg7[%run_scoped3A_237, %run_scoped3A_238, %dma_wait3A_353] : memref<2x8x125xi32, #tpu.memory_space<vmem>> -> memref<1x1x125xi32, #tpu.memory_space<vmem>>
        %dma_wait3A_355 = tpu.memref_squeeze %dma_wait3A_354 : memref<1x1x125xi32, #tpu.memory_space<vmem>> -> memref<125xi32, #tpu.memory_space<vmem>>
        %dma_wait3A_356 = arith.constant 0 : i32
        %dma_wait3A_357 = arith.constant 0 : i32
        %dma_wait3A_358 = tpu.memref_slice %arg14[%dma_wait3A_356, %dma_wait3A_357] : memref<10000x128xf32, #tpu.memory_space<vmem_shared>> -> memref<10000x128xf32, #tpu.memory_space<vmem_shared>>
        tpu.wait_indirect_dma semaphore(%run_scoped3A_346 : memref<!tpu.dma_semaphore, #tpu.memory_space<semaphore_mem>>) src(%arg9 : memref<125x128xf32, #tpu.memory_space<vmem>>) dst(%dma_wait3A_358 : memref<10000x128xf32, #tpu.memory_space<vmem_shared>>)
        tpu.yield
      }) : () -> ()
      %dma_start3A_239 = arith.constant 0 : i32
      %dma_start3A_240 = arith.constant 3 : i32
      %dma_start3A_241 = arith.constant 0 : i32
      %dma_start3A_242 = tpu.memref_slice %arg7[%dma_start3A_239, %dma_start3A_240, %dma_start3A_241] : memref<2x8x125xi32, #tpu.memory_space<vmem>> -> memref<1x1x125xi32, #tpu.memory_space<vmem>>
      %dma_start3A_243 = tpu.memref_squeeze %dma_start3A_242 : memref<1x1x125xi32, #tpu.memory_space<vmem>> -> memref<125xi32, #tpu.memory_space<vmem>>
      %dma_start3A_244 = arith.constant 0 : i32
      %dma_start3A_245 = arith.constant 0 : i32
      %dma_start3A_246 = tpu.memref_slice %arg2[%dma_start3A_244, %dma_start3A_245] : memref<10000x128xf32, #tpu.memory_space<hbm>> -> memref<10000x128xf32, #tpu.memory_space<hbm>>
      tpu.enqueue_indirect_dma source(%dma_start3A_246 : memref<10000x128xf32, #tpu.memory_space<hbm>>) target(%arg9 : memref<125x128xf32, #tpu.memory_space<vmem>>) offsets(%dma_start3A_243 : memref<125xi32, #tpu.memory_space<vmem>>) semaphore(%arg11 : memref<!tpu.dma_semaphore, #tpu.memory_space<semaphore_mem>>)
      %dma_wait3A_247 = arith.constant 0 : i32
      %dma_wait3A_248 = arith.constant 2 : i32
      %dma_wait3A_249 = arith.constant 0 : i32
      %dma_wait3A_250 = tpu.memref_slice %arg7[%dma_wait3A_247, %dma_wait3A_248, %dma_wait3A_249] : memref<2x8x125xi32, #tpu.memory_space<vmem>> -> memref<1x1x125xi32, #tpu.memory_space<vmem>>
      %dma_wait3A_251 = tpu.memref_squeeze %dma_wait3A_250 : memref<1x1x125xi32, #tpu.memory_space<vmem>> -> memref<125xi32, #tpu.memory_space<vmem>>
      %dma_wait3A_252 = arith.constant 0 : i32
      %dma_wait3A_253 = arith.constant 0 : i32
      %dma_wait3A_254 = tpu.memref_slice %arg2[%dma_wait3A_252, %dma_wait3A_253] : memref<10000x128xf32, #tpu.memory_space<hbm>> -> memref<10000x128xf32, #tpu.memory_space<hbm>>
      tpu.wait_indirect_dma semaphore(%arg10 : memref<!tpu.dma_semaphore, #tpu.memory_space<semaphore_mem>>) src(%dma_wait3A_254 : memref<10000x128xf32, #tpu.memory_space<hbm>>) dst(%arg8 : memref<125x128xf32, #tpu.memory_space<vmem>>)
      %run_scoped3A_255 = arith.constant 1 : i32
      %run_scoped3A_256 = arith.constant 2 : i32
      "tpu.region"() ({
        %run_scoped3A_346 = tpu.sem_alloc : memref<!tpu.dma_semaphore, #tpu.memory_space<semaphore_mem>>
        %dma_start3A_347 = arith.constant 0 : i32
        %dma_start3A_348 = tpu.memref_slice %arg7[%run_scoped3A_255, %run_scoped3A_256, %dma_start3A_347] : memref<2x8x125xi32, #tpu.memory_space<vmem>> -> memref<1x1x125xi32, #tpu.memory_space<vmem>>
        %dma_start3A_349 = tpu.memref_squeeze %dma_start3A_348 : memref<1x1x125xi32, #tpu.memory_space<vmem>> -> memref<125xi32, #tpu.memory_space<vmem>>
        %dma_start3A_350 = arith.constant 0 : i32
        %dma_start3A_351 = arith.constant 0 : i32
        %dma_start3A_352 = tpu.memref_slice %arg14[%dma_start3A_350, %dma_start3A_351] : memref<10000x128xf32, #tpu.memory_space<vmem_shared>> -> memref<10000x128xf32, #tpu.memory_space<vmem_shared>>
        tpu.enqueue_indirect_dma source(%arg8 : memref<125x128xf32, #tpu.memory_space<vmem>>) target(%dma_start3A_352 : memref<10000x128xf32, #tpu.memory_space<vmem_shared>>) offsets(%dma_start3A_349 : memref<125xi32, #tpu.memory_space<vmem>>) semaphore(%run_scoped3A_346 : memref<!tpu.dma_semaphore, #tpu.memory_space<semaphore_mem>>) {add = true}
        %dma_wait3A_353 = arith.constant 0 : i32
        %dma_wait3A_354 = tpu.memref_slice %arg7[%run_scoped3A_255, %run_scoped3A_256, %dma_wait3A_353] : memref<2x8x125xi32, #tpu.memory_space<vmem>> -> memref<1x1x125xi32, #tpu.memory_space<vmem>>
        %dma_wait3A_355 = tpu.memref_squeeze %dma_wait3A_354 : memref<1x1x125xi32, #tpu.memory_space<vmem>> -> memref<125xi32, #tpu.memory_space<vmem>>
        %dma_wait3A_356 = arith.constant 0 : i32
        %dma_wait3A_357 = arith.constant 0 : i32
        %dma_wait3A_358 = tpu.memref_slice %arg14[%dma_wait3A_356, %dma_wait3A_357] : memref<10000x128xf32, #tpu.memory_space<vmem_shared>> -> memref<10000x128xf32, #tpu.memory_space<vmem_shared>>
        tpu.wait_indirect_dma semaphore(%run_scoped3A_346 : memref<!tpu.dma_semaphore, #tpu.memory_space<semaphore_mem>>) src(%arg8 : memref<125x128xf32, #tpu.memory_space<vmem>>) dst(%dma_wait3A_358 : memref<10000x128xf32, #tpu.memory_space<vmem_shared>>)
        tpu.yield
      }) : () -> ()
      %dma_start3A_257 = arith.constant 0 : i32
      %dma_start3A_258 = arith.constant 4 : i32
      %dma_start3A_259 = arith.constant 0 : i32
      %dma_start3A_260 = tpu.memref_slice %arg7[%dma_start3A_257, %dma_start3A_258, %dma_start3A_259] : memref<2x8x125xi32, #tpu.memory_space<vmem>> -> memref<1x1x125xi32, #tpu.memory_space<vmem>>
      %dma_start3A_261 = tpu.memref_squeeze %dma_start3A_260 : memref<1x1x125xi32, #tpu.memory_space<vmem>> -> memref<125xi32, #tpu.memory_space<vmem>>
      %dma_start3A_262 = arith.constant 0 : i32
      %dma_start3A_263 = arith.constant 0 : i32
      %dma_start3A_264 = tpu.memref_slice %arg2[%dma_start3A_262, %dma_start3A_263] : memref<10000x128xf32, #tpu.memory_space<hbm>> -> memref<10000x128xf32, #tpu.memory_space<hbm>>
      tpu.enqueue_indirect_dma source(%dma_start3A_264 : memref<10000x128xf32, #tpu.memory_space<hbm>>) target(%arg8 : memref<125x128xf32, #tpu.memory_space<vmem>>) offsets(%dma_start3A_261 : memref<125xi32, #tpu.memory_space<vmem>>) semaphore(%arg10 : memref<!tpu.dma_semaphore, #tpu.memory_space<semaphore_mem>>)
      %dma_wait3A_265 = arith.constant 0 : i32
      %dma_wait3A_266 = arith.constant 3 : i32
      %dma_wait3A_267 = arith.constant 0 : i32
      %dma_wait3A_268 = tpu.memref_slice %arg7[%dma_wait3A_265, %dma_wait3A_266, %dma_wait3A_267] : memref<2x8x125xi32, #tpu.memory_space<vmem>> -> memref<1x1x125xi32, #tpu.memory_space<vmem>>
      %dma_wait3A_269 = tpu.memref_squeeze %dma_wait3A_268 : memref<1x1x125xi32, #tpu.memory_space<vmem>> -> memref<125xi32, #tpu.memory_space<vmem>>
      %dma_wait3A_270 = arith.constant 0 : i32
      %dma_wait3A_271 = arith.constant 0 : i32
      %dma_wait3A_272 = tpu.memref_slice %arg2[%dma_wait3A_270, %dma_wait3A_271] : memref<10000x128xf32, #tpu.memory_space<hbm>> -> memref<10000x128xf32, #tpu.memory_space<hbm>>
      tpu.wait_indirect_dma semaphore(%arg11 : memref<!tpu.dma_semaphore, #tpu.memory_space<semaphore_mem>>) src(%dma_wait3A_272 : memref<10000x128xf32, #tpu.memory_space<hbm>>) dst(%arg9 : memref<125x128xf32, #tpu.memory_space<vmem>>)
      %run_scoped3A_273 = arith.constant 1 : i32
      %run_scoped3A_274 = arith.constant 3 : i32
      "tpu.region"() ({
        %run_scoped3A_346 = tpu.sem_alloc : memref<!tpu.dma_semaphore, #tpu.memory_space<semaphore_mem>>
        %dma_start3A_347 = arith.constant 0 : i32
        %dma_start3A_348 = tpu.memref_slice %arg7[%run_scoped3A_273, %run_scoped3A_274, %dma_start3A_347] : memref<2x8x125xi32, #tpu.memory_space<vmem>> -> memref<1x1x125xi32, #tpu.memory_space<vmem>>
        %dma_start3A_349 = tpu.memref_squeeze %dma_start3A_348 : memref<1x1x125xi32, #tpu.memory_space<vmem>> -> memref<125xi32, #tpu.memory_space<vmem>>
        %dma_start3A_350 = arith.constant 0 : i32
        %dma_start3A_351 = arith.constant 0 : i32
        %dma_start3A_352 = tpu.memref_slice %arg14[%dma_start3A_350, %dma_start3A_351] : memref<10000x128xf32, #tpu.memory_space<vmem_shared>> -> memref<10000x128xf32, #tpu.memory_space<vmem_shared>>
        tpu.enqueue_indirect_dma source(%arg9 : memref<125x128xf32, #tpu.memory_space<vmem>>) target(%dma_start3A_352 : memref<10000x128xf32, #tpu.memory_space<vmem_shared>>) offsets(%dma_start3A_349 : memref<125xi32, #tpu.memory_space<vmem>>) semaphore(%run_scoped3A_346 : memref<!tpu.dma_semaphore, #tpu.memory_space<semaphore_mem>>) {add = true}
        %dma_wait3A_353 = arith.constant 0 : i32
        %dma_wait3A_354 = tpu.memref_slice %arg7[%run_scoped3A_273, %run_scoped3A_274, %dma_wait3A_353] : memref<2x8x125xi32, #tpu.memory_space<vmem>> -> memref<1x1x125xi32, #tpu.memory_space<vmem>>
        %dma_wait3A_355 = tpu.memref_squeeze %dma_wait3A_354 : memref<1x1x125xi32, #tpu.memory_space<vmem>> -> memref<125xi32, #tpu.memory_space<vmem>>
        %dma_wait3A_356 = arith.constant 0 : i32
        %dma_wait3A_357 = arith.constant 0 : i32
        %dma_wait3A_358 = tpu.memref_slice %arg14[%dma_wait3A_356, %dma_wait3A_357] : memref<10000x128xf32, #tpu.memory_space<vmem_shared>> -> memref<10000x128xf32, #tpu.memory_space<vmem_shared>>
        tpu.wait_indirect_dma semaphore(%run_scoped3A_346 : memref<!tpu.dma_semaphore, #tpu.memory_space<semaphore_mem>>) src(%arg9 : memref<125x128xf32, #tpu.memory_space<vmem>>) dst(%dma_wait3A_358 : memref<10000x128xf32, #tpu.memory_space<vmem_shared>>)
        tpu.yield
      }) : () -> ()
      %dma_start3A_275 = arith.constant 0 : i32
      %dma_start3A_276 = arith.constant 5 : i32
      %dma_start3A_277 = arith.constant 0 : i32
      %dma_start3A_278 = tpu.memref_slice %arg7[%dma_start3A_275, %dma_start3A_276, %dma_start3A_277] : memref<2x8x125xi32, #tpu.memory_space<vmem>> -> memref<1x1x125xi32, #tpu.memory_space<vmem>>
      %dma_start3A_279 = tpu.memref_squeeze %dma_start3A_278 : memref<1x1x125xi32, #tpu.memory_space<vmem>> -> memref<125xi32, #tpu.memory_space<vmem>>
      %dma_start3A_280 = arith.constant 0 : i32
      %dma_start3A_281 = arith.constant 0 : i32
      %dma_start3A_282 = tpu.memref_slice %arg2[%dma_start3A_280, %dma_start3A_281] : memref<10000x128xf32, #tpu.memory_space<hbm>> -> memref<10000x128xf32, #tpu.memory_space<hbm>>
      tpu.enqueue_indirect_dma source(%dma_start3A_282 : memref<10000x128xf32, #tpu.memory_space<hbm>>) target(%arg9 : memref<125x128xf32, #tpu.memory_space<vmem>>) offsets(%dma_start3A_279 : memref<125xi32, #tpu.memory_space<vmem>>) semaphore(%arg11 : memref<!tpu.dma_semaphore, #tpu.memory_space<semaphore_mem>>)
      %dma_wait3A_283 = arith.constant 0 : i32
      %dma_wait3A_284 = arith.constant 4 : i32
      %dma_wait3A_285 = arith.constant 0 : i32
      %dma_wait3A_286 = tpu.memref_slice %arg7[%dma_wait3A_283, %dma_wait3A_284, %dma_wait3A_285] : memref<2x8x125xi32, #tpu.memory_space<vmem>> -> memref<1x1x125xi32, #tpu.memory_space<vmem>>
      %dma_wait3A_287 = tpu.memref_squeeze %dma_wait3A_286 : memref<1x1x125xi32, #tpu.memory_space<vmem>> -> memref<125xi32, #tpu.memory_space<vmem>>
      %dma_wait3A_288 = arith.constant 0 : i32
      %dma_wait3A_289 = arith.constant 0 : i32
      %dma_wait3A_290 = tpu.memref_slice %arg2[%dma_wait3A_288, %dma_wait3A_289] : memref<10000x128xf32, #tpu.memory_space<hbm>> -> memref<10000x128xf32, #tpu.memory_space<hbm>>
      tpu.wait_indirect_dma semaphore(%arg10 : memref<!tpu.dma_semaphore, #tpu.memory_space<semaphore_mem>>) src(%dma_wait3A_290 : memref<10000x128xf32, #tpu.memory_space<hbm>>) dst(%arg8 : memref<125x128xf32, #tpu.memory_space<vmem>>)
      %run_scoped3A_291 = arith.constant 1 : i32
      %run_scoped3A_292 = arith.constant 4 : i32
      "tpu.region"() ({
        %run_scoped3A_346 = tpu.sem_alloc : memref<!tpu.dma_semaphore, #tpu.memory_space<semaphore_mem>>
        %dma_start3A_347 = arith.constant 0 : i32
        %dma_start3A_348 = tpu.memref_slice %arg7[%run_scoped3A_291, %run_scoped3A_292, %dma_start3A_347] : memref<2x8x125xi32, #tpu.memory_space<vmem>> -> memref<1x1x125xi32, #tpu.memory_space<vmem>>
        %dma_start3A_349 = tpu.memref_squeeze %dma_start3A_348 : memref<1x1x125xi32, #tpu.memory_space<vmem>> -> memref<125xi32, #tpu.memory_space<vmem>>
        %dma_start3A_350 = arith.constant 0 : i32
        %dma_start3A_351 = arith.constant 0 : i32
        %dma_start3A_352 = tpu.memref_slice %arg14[%dma_start3A_350, %dma_start3A_351] : memref<10000x128xf32, #tpu.memory_space<vmem_shared>> -> memref<10000x128xf32, #tpu.memory_space<vmem_shared>>
        tpu.enqueue_indirect_dma source(%arg8 : memref<125x128xf32, #tpu.memory_space<vmem>>) target(%dma_start3A_352 : memref<10000x128xf32, #tpu.memory_space<vmem_shared>>) offsets(%dma_start3A_349 : memref<125xi32, #tpu.memory_space<vmem>>) semaphore(%run_scoped3A_346 : memref<!tpu.dma_semaphore, #tpu.memory_space<semaphore_mem>>) {add = true}
        %dma_wait3A_353 = arith.constant 0 : i32
        %dma_wait3A_354 = tpu.memref_slice %arg7[%run_scoped3A_291, %run_scoped3A_292, %dma_wait3A_353] : memref<2x8x125xi32, #tpu.memory_space<vmem>> -> memref<1x1x125xi32, #tpu.memory_space<vmem>>
        %dma_wait3A_355 = tpu.memref_squeeze %dma_wait3A_354 : memref<1x1x125xi32, #tpu.memory_space<vmem>> -> memref<125xi32, #tpu.memory_space<vmem>>
        %dma_wait3A_356 = arith.constant 0 : i32
        %dma_wait3A_357 = arith.constant 0 : i32
        %dma_wait3A_358 = tpu.memref_slice %arg14[%dma_wait3A_356, %dma_wait3A_357] : memref<10000x128xf32, #tpu.memory_space<vmem_shared>> -> memref<10000x128xf32, #tpu.memory_space<vmem_shared>>
        tpu.wait_indirect_dma semaphore(%run_scoped3A_346 : memref<!tpu.dma_semaphore, #tpu.memory_space<semaphore_mem>>) src(%arg8 : memref<125x128xf32, #tpu.memory_space<vmem>>) dst(%dma_wait3A_358 : memref<10000x128xf32, #tpu.memory_space<vmem_shared>>)
        tpu.yield
      }) : () -> ()
      %dma_start3A_293 = arith.constant 0 : i32
      %dma_start3A_294 = arith.constant 6 : i32
      %dma_start3A_295 = arith.constant 0 : i32
      %dma_start3A_296 = tpu.memref_slice %arg7[%dma_start3A_293, %dma_start3A_294, %dma_start3A_295] : memref<2x8x125xi32, #tpu.memory_space<vmem>> -> memref<1x1x125xi32, #tpu.memory_space<vmem>>
      %dma_start3A_297 = tpu.memref_squeeze %dma_start3A_296 : memref<1x1x125xi32, #tpu.memory_space<vmem>> -> memref<125xi32, #tpu.memory_space<vmem>>
      %dma_start3A_298 = arith.constant 0 : i32
      %dma_start3A_299 = arith.constant 0 : i32
      %dma_start3A_300 = tpu.memref_slice %arg2[%dma_start3A_298, %dma_start3A_299] : memref<10000x128xf32, #tpu.memory_space<hbm>> -> memref<10000x128xf32, #tpu.memory_space<hbm>>
      tpu.enqueue_indirect_dma source(%dma_start3A_300 : memref<10000x128xf32, #tpu.memory_space<hbm>>) target(%arg8 : memref<125x128xf32, #tpu.memory_space<vmem>>) offsets(%dma_start3A_297 : memref<125xi32, #tpu.memory_space<vmem>>) semaphore(%arg10 : memref<!tpu.dma_semaphore, #tpu.memory_space<semaphore_mem>>)
      %dma_wait3A_301 = arith.constant 0 : i32
      %dma_wait3A_302 = arith.constant 5 : i32
      %dma_wait3A_303 = arith.constant 0 : i32
      %dma_wait3A_304 = tpu.memref_slice %arg7[%dma_wait3A_301, %dma_wait3A_302, %dma_wait3A_303] : memref<2x8x125xi32, #tpu.memory_space<vmem>> -> memref<1x1x125xi32, #tpu.memory_space<vmem>>
      %dma_wait3A_305 = tpu.memref_squeeze %dma_wait3A_304 : memref<1x1x125xi32, #tpu.memory_space<vmem>> -> memref<125xi32, #tpu.memory_space<vmem>>
      %dma_wait3A_306 = arith.constant 0 : i32
      %dma_wait3A_307 = arith.constant 0 : i32
      %dma_wait3A_308 = tpu.memref_slice %arg2[%dma_wait3A_306, %dma_wait3A_307] : memref<10000x128xf32, #tpu.memory_space<hbm>> -> memref<10000x128xf32, #tpu.memory_space<hbm>>
      tpu.wait_indirect_dma semaphore(%arg11 : memref<!tpu.dma_semaphore, #tpu.memory_space<semaphore_mem>>) src(%dma_wait3A_308 : memref<10000x128xf32, #tpu.memory_space<hbm>>) dst(%arg9 : memref<125x128xf32, #tpu.memory_space<vmem>>)
      %run_scoped3A_309 = arith.constant 1 : i32
      %run_scoped3A_310 = arith.constant 5 : i32
      "tpu.region"() ({
        %run_scoped3A_346 = tpu.sem_alloc : memref<!tpu.dma_semaphore, #tpu.memory_space<semaphore_mem>>
        %dma_start3A_347 = arith.constant 0 : i32
        %dma_start3A_348 = tpu.memref_slice %arg7[%run_scoped3A_309, %run_scoped3A_310, %dma_start3A_347] : memref<2x8x125xi32, #tpu.memory_space<vmem>> -> memref<1x1x125xi32, #tpu.memory_space<vmem>>
        %dma_start3A_349 = tpu.memref_squeeze %dma_start3A_348 : memref<1x1x125xi32, #tpu.memory_space<vmem>> -> memref<125xi32, #tpu.memory_space<vmem>>
        %dma_start3A_350 = arith.constant 0 : i32
        %dma_start3A_351 = arith.constant 0 : i32
        %dma_start3A_352 = tpu.memref_slice %arg14[%dma_start3A_350, %dma_start3A_351] : memref<10000x128xf32, #tpu.memory_space<vmem_shared>> -> memref<10000x128xf32, #tpu.memory_space<vmem_shared>>
        tpu.enqueue_indirect_dma source(%arg9 : memref<125x128xf32, #tpu.memory_space<vmem>>) target(%dma_start3A_352 : memref<10000x128xf32, #tpu.memory_space<vmem_shared>>) offsets(%dma_start3A_349 : memref<125xi32, #tpu.memory_space<vmem>>) semaphore(%run_scoped3A_346 : memref<!tpu.dma_semaphore, #tpu.memory_space<semaphore_mem>>) {add = true}
        %dma_wait3A_353 = arith.constant 0 : i32
        %dma_wait3A_354 = tpu.memref_slice %arg7[%run_scoped3A_309, %run_scoped3A_310, %dma_wait3A_353] : memref<2x8x125xi32, #tpu.memory_space<vmem>> -> memref<1x1x125xi32, #tpu.memory_space<vmem>>
        %dma_wait3A_355 = tpu.memref_squeeze %dma_wait3A_354 : memref<1x1x125xi32, #tpu.memory_space<vmem>> -> memref<125xi32, #tpu.memory_space<vmem>>
        %dma_wait3A_356 = arith.constant 0 : i32
        %dma_wait3A_357 = arith.constant 0 : i32
        %dma_wait3A_358 = tpu.memref_slice %arg14[%dma_wait3A_356, %dma_wait3A_357] : memref<10000x128xf32, #tpu.memory_space<vmem_shared>> -> memref<10000x128xf32, #tpu.memory_space<vmem_shared>>
        tpu.wait_indirect_dma semaphore(%run_scoped3A_346 : memref<!tpu.dma_semaphore, #tpu.memory_space<semaphore_mem>>) src(%arg9 : memref<125x128xf32, #tpu.memory_space<vmem>>) dst(%dma_wait3A_358 : memref<10000x128xf32, #tpu.memory_space<vmem_shared>>)
        tpu.yield
      }) : () -> ()
      %dma_start3A_311 = arith.constant 0 : i32
      %dma_start3A_312 = arith.constant 7 : i32
      %dma_start3A_313 = arith.constant 0 : i32
      %dma_start3A_314 = tpu.memref_slice %arg7[%dma_start3A_311, %dma_start3A_312, %dma_start3A_313] : memref<2x8x125xi32, #tpu.memory_space<vmem>> -> memref<1x1x125xi32, #tpu.memory_space<vmem>>
      %dma_start3A_315 = tpu.memref_squeeze %dma_start3A_314 : memref<1x1x125xi32, #tpu.memory_space<vmem>> -> memref<125xi32, #tpu.memory_space<vmem>>
      %dma_start3A_316 = arith.constant 0 : i32
      %dma_start3A_317 = arith.constant 0 : i32
      %dma_start3A_318 = tpu.memref_slice %arg2[%dma_start3A_316, %dma_start3A_317] : memref<10000x128xf32, #tpu.memory_space<hbm>> -> memref<10000x128xf32, #tpu.memory_space<hbm>>
      tpu.enqueue_indirect_dma source(%dma_start3A_318 : memref<10000x128xf32, #tpu.memory_space<hbm>>) target(%arg9 : memref<125x128xf32, #tpu.memory_space<vmem>>) offsets(%dma_start3A_315 : memref<125xi32, #tpu.memory_space<vmem>>) semaphore(%arg11 : memref<!tpu.dma_semaphore, #tpu.memory_space<semaphore_mem>>)
      %dma_wait3A_319 = arith.constant 0 : i32
      %dma_wait3A_320 = arith.constant 6 : i32
      %dma_wait3A_321 = arith.constant 0 : i32
      %dma_wait3A_322 = tpu.memref_slice %arg7[%dma_wait3A_319, %dma_wait3A_320, %dma_wait3A_321] : memref<2x8x125xi32, #tpu.memory_space<vmem>> -> memref<1x1x125xi32, #tpu.memory_space<vmem>>
      %dma_wait3A_323 = tpu.memref_squeeze %dma_wait3A_322 : memref<1x1x125xi32, #tpu.memory_space<vmem>> -> memref<125xi32, #tpu.memory_space<vmem>>
      %dma_wait3A_324 = arith.constant 0 : i32
      %dma_wait3A_325 = arith.constant 0 : i32
      %dma_wait3A_326 = tpu.memref_slice %arg2[%dma_wait3A_324, %dma_wait3A_325] : memref<10000x128xf32, #tpu.memory_space<hbm>> -> memref<10000x128xf32, #tpu.memory_space<hbm>>
      tpu.wait_indirect_dma semaphore(%arg10 : memref<!tpu.dma_semaphore, #tpu.memory_space<semaphore_mem>>) src(%dma_wait3A_326 : memref<10000x128xf32, #tpu.memory_space<hbm>>) dst(%arg8 : memref<125x128xf32, #tpu.memory_space<vmem>>)
      %run_scoped3A_327 = arith.constant 1 : i32
      %run_scoped3A_328 = arith.constant 6 : i32
      "tpu.region"() ({
        %run_scoped3A_346 = tpu.sem_alloc : memref<!tpu.dma_semaphore, #tpu.memory_space<semaphore_mem>>
        %dma_start3A_347 = arith.constant 0 : i32
        %dma_start3A_348 = tpu.memref_slice %arg7[%run_scoped3A_327, %run_scoped3A_328, %dma_start3A_347] : memref<2x8x125xi32, #tpu.memory_space<vmem>> -> memref<1x1x125xi32, #tpu.memory_space<vmem>>
        %dma_start3A_349 = tpu.memref_squeeze %dma_start3A_348 : memref<1x1x125xi32, #tpu.memory_space<vmem>> -> memref<125xi32, #tpu.memory_space<vmem>>
        %dma_start3A_350 = arith.constant 0 : i32
        %dma_start3A_351 = arith.constant 0 : i32
        %dma_start3A_352 = tpu.memref_slice %arg14[%dma_start3A_350, %dma_start3A_351] : memref<10000x128xf32, #tpu.memory_space<vmem_shared>> -> memref<10000x128xf32, #tpu.memory_space<vmem_shared>>
        tpu.enqueue_indirect_dma source(%arg8 : memref<125x128xf32, #tpu.memory_space<vmem>>) target(%dma_start3A_352 : memref<10000x128xf32, #tpu.memory_space<vmem_shared>>) offsets(%dma_start3A_349 : memref<125xi32, #tpu.memory_space<vmem>>) semaphore(%run_scoped3A_346 : memref<!tpu.dma_semaphore, #tpu.memory_space<semaphore_mem>>) {add = true}
        %dma_wait3A_353 = arith.constant 0 : i32
        %dma_wait3A_354 = tpu.memref_slice %arg7[%run_scoped3A_327, %run_scoped3A_328, %dma_wait3A_353] : memref<2x8x125xi32, #tpu.memory_space<vmem>> -> memref<1x1x125xi32, #tpu.memory_space<vmem>>
        %dma_wait3A_355 = tpu.memref_squeeze %dma_wait3A_354 : memref<1x1x125xi32, #tpu.memory_space<vmem>> -> memref<125xi32, #tpu.memory_space<vmem>>
        %dma_wait3A_356 = arith.constant 0 : i32
        %dma_wait3A_357 = arith.constant 0 : i32
        %dma_wait3A_358 = tpu.memref_slice %arg14[%dma_wait3A_356, %dma_wait3A_357] : memref<10000x128xf32, #tpu.memory_space<vmem_shared>> -> memref<10000x128xf32, #tpu.memory_space<vmem_shared>>
        tpu.wait_indirect_dma semaphore(%run_scoped3A_346 : memref<!tpu.dma_semaphore, #tpu.memory_space<semaphore_mem>>) src(%arg8 : memref<125x128xf32, #tpu.memory_space<vmem>>) dst(%dma_wait3A_358 : memref<10000x128xf32, #tpu.memory_space<vmem_shared>>)
        tpu.yield
      }) : () -> ()
      %dma_wait3A_329 = arith.constant 0 : i32
      %dma_wait3A_330 = arith.constant 7 : i32
      %dma_wait3A_331 = arith.constant 0 : i32
      %dma_wait3A_332 = tpu.memref_slice %arg7[%dma_wait3A_329, %dma_wait3A_330, %dma_wait3A_331] : memref<2x8x125xi32, #tpu.memory_space<vmem>> -> memref<1x1x125xi32, #tpu.memory_space<vmem>>
      %dma_wait3A_333 = tpu.memref_squeeze %dma_wait3A_332 : memref<1x1x125xi32, #tpu.memory_space<vmem>> -> memref<125xi32, #tpu.memory_space<vmem>>
      %dma_wait3A_334 = arith.constant 0 : i32
      %dma_wait3A_335 = arith.constant 0 : i32
      %dma_wait3A_336 = tpu.memref_slice %arg2[%dma_wait3A_334, %dma_wait3A_335] : memref<10000x128xf32, #tpu.memory_space<hbm>> -> memref<10000x128xf32, #tpu.memory_space<hbm>>
      tpu.wait_indirect_dma semaphore(%arg11 : memref<!tpu.dma_semaphore, #tpu.memory_space<semaphore_mem>>) src(%dma_wait3A_336 : memref<10000x128xf32, #tpu.memory_space<hbm>>) dst(%arg9 : memref<125x128xf32, #tpu.memory_space<vmem>>)
      %run_scoped3A_337 = arith.constant 1 : i32
      %run_scoped3A_338 = arith.constant 7 : i32
      "tpu.region"() ({
        %run_scoped3A_346 = tpu.sem_alloc : memref<!tpu.dma_semaphore, #tpu.memory_space<semaphore_mem>>
        %dma_start3A_347 = arith.constant 0 : i32
        %dma_start3A_348 = tpu.memref_slice %arg7[%run_scoped3A_337, %run_scoped3A_338, %dma_start3A_347] : memref<2x8x125xi32, #tpu.memory_space<vmem>> -> memref<1x1x125xi32, #tpu.memory_space<vmem>>
        %dma_start3A_349 = tpu.memref_squeeze %dma_start3A_348 : memref<1x1x125xi32, #tpu.memory_space<vmem>> -> memref<125xi32, #tpu.memory_space<vmem>>
        %dma_start3A_350 = arith.constant 0 : i32
        %dma_start3A_351 = arith.constant 0 : i32
        %dma_start3A_352 = tpu.memref_slice %arg14[%dma_start3A_350, %dma_start3A_351] : memref<10000x128xf32, #tpu.memory_space<vmem_shared>> -> memref<10000x128xf32, #tpu.memory_space<vmem_shared>>
        tpu.enqueue_indirect_dma source(%arg9 : memref<125x128xf32, #tpu.memory_space<vmem>>) target(%dma_start3A_352 : memref<10000x128xf32, #tpu.memory_space<vmem_shared>>) offsets(%dma_start3A_349 : memref<125xi32, #tpu.memory_space<vmem>>) semaphore(%run_scoped3A_346 : memref<!tpu.dma_semaphore, #tpu.memory_space<semaphore_mem>>) {add = true}
        %dma_wait3A_353 = arith.constant 0 : i32
        %dma_wait3A_354 = tpu.memref_slice %arg7[%run_scoped3A_337, %run_scoped3A_338, %dma_wait3A_353] : memref<2x8x125xi32, #tpu.memory_space<vmem>> -> memref<1x1x125xi32, #tpu.memory_space<vmem>>
        %dma_wait3A_355 = tpu.memref_squeeze %dma_wait3A_354 : memref<1x1x125xi32, #tpu.memory_space<vmem>> -> memref<125xi32, #tpu.memory_space<vmem>>
        %dma_wait3A_356 = arith.constant 0 : i32
        %dma_wait3A_357 = arith.constant 0 : i32
        %dma_wait3A_358 = tpu.memref_slice %arg14[%dma_wait3A_356, %dma_wait3A_357] : memref<10000x128xf32, #tpu.memory_space<vmem_shared>> -> memref<10000x128xf32, #tpu.memory_space<vmem_shared>>
        tpu.wait_indirect_dma semaphore(%run_scoped3A_346 : memref<!tpu.dma_semaphore, #tpu.memory_space<semaphore_mem>>) src(%arg9 : memref<125x128xf32, #tpu.memory_space<vmem>>) dst(%dma_wait3A_358 : memref<10000x128xf32, #tpu.memory_space<vmem_shared>>)
        tpu.yield
      }) : () -> ()
      %add3A_339 = arith.constant 2 : i32
      %add3A_340 = arith.addi %mul3A_22, %add3A_339 : i32
      %lt3A_341 = arith.constant 10 : i32
      %lt3A_342 = arith.cmpi slt, %add3A_340, %lt3A_341 : i32
      %convert_element_type3A_343 = arith.extui %lt3A_342 : i1 to i32
      %cond3A_344 = arith.constant 0 : i32
      %cond3A_345 = arith.cmpi ne, %convert_element_type3A_343, %cond3A_344 : i32
      scf.if %cond3A_345 {
        %add3A_346 = arith.constant 2 : i32
        %add3A_347 = arith.addi %mul3A_22, %add3A_346 : i32
        %dma_wait3A_348 = arith.constant 0 : i32
        %dma_wait3A_349 = arith.constant 0 : i32
        %dma_wait3A_350 = arith.constant 0 : i32
        %dma_wait3A_351 = tpu.memref_slice %arg3[%add3A, %add3A_347, %dma_wait3A_348, %dma_wait3A_349, %dma_wait3A_350] : memref<32x10x2x8x125xi32, #tpu.memory_space<hbm>> -> memref<1x1x2x8x125xi32, #tpu.memory_space<hbm>>
        %dma_wait3A_352 = tpu.memref_squeeze %dma_wait3A_351 : memref<1x1x2x8x125xi32, #tpu.memory_space<hbm>> -> memref<2x8x125xi32, #tpu.memory_space<hbm>>
        %dma_wait3A_353 = arith.constant 0 : i32
        %dma_wait3A_354 = arith.constant 0 : i32
        %dma_wait3A_355 = arith.constant 0 : i32
        %dma_wait3A_356 = tpu.memref_slice %arg3[%add3A, %add3A_347, %dma_wait3A_353, %dma_wait3A_354, %dma_wait3A_355] : memref<32x10x2x8x125xi32, #tpu.memory_space<hbm>> -> memref<1x1x2x8x125xi32, #tpu.memory_space<hbm>>
        %dma_wait3A_357 = tpu.memref_squeeze %dma_wait3A_356 : memref<1x1x2x8x125xi32, #tpu.memory_space<hbm>> -> memref<2x8x125xi32, #tpu.memory_space<hbm>>
        tpu.wait_dma2 semaphore(%arg12 : memref<!tpu.dma_semaphore, #tpu.memory_space<semaphore_mem>>) src(%dma_wait3A_357 : memref<2x8x125xi32, #tpu.memory_space<hbm>>) dst(%arg6 : memref<2x8x125xi32, #tpu.memory_space<vmem>>)
      } else {
      }
    }
    %scan3A_9 = arith.constant 5 : i32
    %barrier3A_10 = arith.constant 0 : index
    tpu.barrier barrier_id(%barrier3A_10)
    %mul3A_11 = arith.constant 624 : i32
    %mul3A_12 = arith.muli %arg1, %mul3A_11 : i32
    %mul3A_13 = arith.constant 624 : i32
    %mul3A_14 = arith.muli %arg1, %mul3A_13 : i32
    "tpu.region"() ({
      %run_scoped3A_20 = tpu.sem_alloc : memref<!tpu.dma_semaphore, #tpu.memory_space<semaphore_mem>>
      %dma_start3A = arith.constant 0 : i32
      %dma_start3A_21 = tpu.memref_slice %arg5[%arg0, %mul3A_14, %dma_start3A] : memref<2x10000x128xf32, #tpu.memory_space<hbm>> -> memref<1x624x128xf32, #tpu.memory_space<hbm>>
      %dma_start3A_22 = tpu.memref_squeeze %dma_start3A_21 : memref<1x624x128xf32, #tpu.memory_space<hbm>> -> memref<624x128xf32, #tpu.memory_space<hbm>>
      %dma_start3A_23 = arith.constant 0 : i32
      %dma_start3A_24 = tpu.memref_slice %arg14[%mul3A_12, %dma_start3A_23] : memref<10000x128xf32, #tpu.memory_space<vmem_shared>> -> memref<624x128xf32, #tpu.memory_space<vmem_shared>>
      tpu.enqueue_dma source(%dma_start3A_24 : memref<624x128xf32, #tpu.memory_space<vmem_shared>>) target(%dma_start3A_22 : memref<624x128xf32, #tpu.memory_space<hbm>>) target_semaphore(%run_scoped3A_20 : memref<!tpu.dma_semaphore, #tpu.memory_space<semaphore_mem>>)
      %dma_wait3A = arith.constant 0 : i32
      %dma_wait3A_25 = tpu.memref_slice %arg5[%arg0, %mul3A_14, %dma_wait3A] : memref<2x10000x128xf32, #tpu.memory_space<hbm>> -> memref<1x624x128xf32, #tpu.memory_space<hbm>>
      %dma_wait3A_26 = tpu.memref_squeeze %dma_wait3A_25 : memref<1x624x128xf32, #tpu.memory_space<hbm>> -> memref<624x128xf32, #tpu.memory_space<hbm>>
      %dma_wait3A_27 = arith.constant 0 : i32
      %dma_wait3A_28 = tpu.memref_slice %arg14[%mul3A_12, %dma_wait3A_27] : memref<10000x128xf32, #tpu.memory_space<vmem_shared>> -> memref<624x128xf32, #tpu.memory_space<vmem_shared>>
      tpu.wait_dma2 semaphore(%run_scoped3A_20 : memref<!tpu.dma_semaphore, #tpu.memory_space<semaphore_mem>>) src(%dma_wait3A_28 : memref<624x128xf32, #tpu.memory_space<vmem_shared>>) dst(%dma_wait3A_26 : memref<624x128xf32, #tpu.memory_space<hbm>>)
      tpu.yield
    }) : () -> ()
    %eq3A_15 = arith.constant 15 : i32
    %eq3A_16 = arith.cmpi eq, %arg1, %eq3A_15 : i32
    %convert_element_type3A_17 = arith.extui %eq3A_16 : i1 to i32
    %cond3A_18 = arith.constant 0 : i32
    %cond3A_19 = arith.cmpi ne, %convert_element_type3A_17, %cond3A_18 : i32
    scf.if %cond3A_19 {
      "tpu.region"() ({
        %run_scoped3A_20 = tpu.sem_alloc : memref<!tpu.dma_semaphore, #tpu.memory_space<semaphore_mem>>
        %dma_start3A = arith.constant 9984 : i32
        %dma_start3A_21 = arith.constant 0 : i32
        %dma_start3A_22 = tpu.memref_slice %arg5[%arg0, %dma_start3A, %dma_start3A_21] : memref<2x10000x128xf32, #tpu.memory_space<hbm>> -> memref<1x16x128xf32, #tpu.memory_space<hbm>>
        %dma_start3A_23 = tpu.memref_squeeze %dma_start3A_22 : memref<1x16x128xf32, #tpu.memory_space<hbm>> -> memref<16x128xf32, #tpu.memory_space<hbm>>
        %dma_start3A_24 = arith.constant 9984 : i32
        %dma_start3A_25 = arith.constant 0 : i32
        %dma_start3A_26 = tpu.memref_slice %arg14[%dma_start3A_24, %dma_start3A_25] : memref<10000x128xf32, #tpu.memory_space<vmem_shared>> -> memref<16x128xf32, #tpu.memory_space<vmem_shared>>
        tpu.enqueue_dma source(%dma_start3A_26 : memref<16x128xf32, #tpu.memory_space<vmem_shared>>) target(%dma_start3A_23 : memref<16x128xf32, #tpu.memory_space<hbm>>) target_semaphore(%run_scoped3A_20 : memref<!tpu.dma_semaphore, #tpu.memory_space<semaphore_mem>>)
        %dma_wait3A = arith.constant 9984 : i32
        %dma_wait3A_27 = arith.constant 0 : i32
        %dma_wait3A_28 = tpu.memref_slice %arg5[%arg0, %dma_wait3A, %dma_wait3A_27] : memref<2x10000x128xf32, #tpu.memory_space<hbm>> -> memref<1x16x128xf32, #tpu.memory_space<hbm>>
        %dma_wait3A_29 = tpu.memref_squeeze %dma_wait3A_28 : memref<1x16x128xf32, #tpu.memory_space<hbm>> -> memref<16x128xf32, #tpu.memory_space<hbm>>
        %dma_wait3A_30 = arith.constant 9984 : i32
        %dma_wait3A_31 = arith.constant 0 : i32
        %dma_wait3A_32 = tpu.memref_slice %arg14[%dma_wait3A_30, %dma_wait3A_31] : memref<10000x128xf32, #tpu.memory_space<vmem_shared>> -> memref<16x128xf32, #tpu.memory_space<vmem_shared>>
        tpu.wait_dma2 semaphore(%run_scoped3A_20 : memref<!tpu.dma_semaphore, #tpu.memory_space<semaphore_mem>>) src(%dma_wait3A_32 : memref<16x128xf32, #tpu.memory_space<vmem_shared>>) dst(%dma_wait3A_29 : memref<16x128xf32, #tpu.memory_space<hbm>>)
        tpu.yield
      }) : () -> ()
    } else {
    }
    return
  }
}

#map = affine_map<(d0, d1) -> (0, 0, 0)>
#map1 = affine_map<(d0, d1) -> (0, 0)>
module attributes {stable_mosaic.version = 14 : i64} {
  func.func @_deg_kernel(%arg0: i32, %arg1: i32, %arg2: memref<32x100x100xi32, #tpu.memory_space<hbm>>, %arg3: memref<100x128xf32, #tpu.memory_space<hbm>>, %arg4: memref<624x128xf32, #tpu.memory_space<hbm>>, %arg5: memref<2x10000x128xf32, #tpu.memory_space<hbm>>, %arg6: memref<100x100xi32, #tpu.memory_space<vmem>>, %arg7: memref<100x128xf32, #tpu.memory_space<vmem>>, %arg8: memref<!tpu.dma_semaphore, #tpu.memory_space<semaphore_mem>>, %arg9: memref<10000x128xf32, #tpu.memory_space<vmem_shared>>) attributes {dimension_semantics = [#tpu.dimension_semantics<core_parallel>, #tpu.dimension_semantics<subcore_parallel>], iteration_bounds = array<i64: 2, 16>, scalar_prefetch = 0 : i64, scratch_operands = 4 : i64, tpu.core_type = #tpu.core_type<sc_vector_subcore>, window_params = [{transform_indices = #map}, {transform_indices = #map1}, {transform_indices = #map1}, {transform_indices = #map}]} {
    %mul3A = arith.constant 16 : i32
    %mul3A_0 = arith.muli %arg0, %mul3A : i32
    %add3A = arith.addi %mul3A_0, %arg1 : i32
    %mul3A_1 = arith.constant 624 : i32
    %mul3A_2 = arith.muli %arg1, %mul3A_1 : i32
    "tpu.region"() ({
      %run_scoped3A = tpu.sem_alloc : memref<!tpu.dma_semaphore, #tpu.memory_space<semaphore_mem>>
      %dma_start3A = arith.constant 0 : i32
      %dma_start3A_20 = tpu.memref_slice %arg9[%mul3A_2, %dma_start3A] : memref<10000x128xf32, #tpu.memory_space<vmem_shared>> -> memref<624x128xf32, #tpu.memory_space<vmem_shared>>
      %dma_start3A_21 = arith.constant 0 : i32
      %dma_start3A_22 = arith.constant 0 : i32
      %dma_start3A_23 = tpu.memref_slice %arg4[%dma_start3A_21, %dma_start3A_22] : memref<624x128xf32, #tpu.memory_space<hbm>> -> memref<624x128xf32, #tpu.memory_space<hbm>>
      tpu.enqueue_dma source(%dma_start3A_23 : memref<624x128xf32, #tpu.memory_space<hbm>>) target(%dma_start3A_20 : memref<624x128xf32, #tpu.memory_space<vmem_shared>>) target_semaphore(%run_scoped3A : memref<!tpu.dma_semaphore, #tpu.memory_space<semaphore_mem>>)
      %dma_wait3A = arith.constant 0 : i32
      %dma_wait3A_24 = tpu.memref_slice %arg9[%mul3A_2, %dma_wait3A] : memref<10000x128xf32, #tpu.memory_space<vmem_shared>> -> memref<624x128xf32, #tpu.memory_space<vmem_shared>>
      %dma_wait3A_25 = arith.constant 0 : i32
      %dma_wait3A_26 = arith.constant 0 : i32
      %dma_wait3A_27 = tpu.memref_slice %arg4[%dma_wait3A_25, %dma_wait3A_26] : memref<624x128xf32, #tpu.memory_space<hbm>> -> memref<624x128xf32, #tpu.memory_space<hbm>>
      tpu.wait_dma2 semaphore(%run_scoped3A : memref<!tpu.dma_semaphore, #tpu.memory_space<semaphore_mem>>) src(%dma_wait3A_27 : memref<624x128xf32, #tpu.memory_space<hbm>>) dst(%dma_wait3A_24 : memref<624x128xf32, #tpu.memory_space<vmem_shared>>)
      tpu.yield
    }) : () -> ()
    %eq3A = arith.constant 15 : i32
    %eq3A_3 = arith.cmpi eq, %arg1, %eq3A : i32
    %convert_element_type3A = arith.extui %eq3A_3 : i1 to i32
    %cond3A = arith.constant 0 : i32
    %cond3A_4 = arith.cmpi ne, %convert_element_type3A, %cond3A : i32
    scf.if %cond3A_4 {
      "tpu.region"() ({
        %run_scoped3A = tpu.sem_alloc : memref<!tpu.dma_semaphore, #tpu.memory_space<semaphore_mem>>
        %dma_start3A = arith.constant 9984 : i32
        %dma_start3A_20 = arith.constant 0 : i32
        %dma_start3A_21 = tpu.memref_slice %arg9[%dma_start3A, %dma_start3A_20] : memref<10000x128xf32, #tpu.memory_space<vmem_shared>> -> memref<16x128xf32, #tpu.memory_space<vmem_shared>>
        %dma_start3A_22 = arith.constant 0 : i32
        %dma_start3A_23 = arith.constant 0 : i32
        %dma_start3A_24 = tpu.memref_slice %arg4[%dma_start3A_22, %dma_start3A_23] : memref<624x128xf32, #tpu.memory_space<hbm>> -> memref<16x128xf32, #tpu.memory_space<hbm>>
        tpu.enqueue_dma source(%dma_start3A_24 : memref<16x128xf32, #tpu.memory_space<hbm>>) target(%dma_start3A_21 : memref<16x128xf32, #tpu.memory_space<vmem_shared>>) target_semaphore(%run_scoped3A : memref<!tpu.dma_semaphore, #tpu.memory_space<semaphore_mem>>)
        %dma_wait3A = arith.constant 9984 : i32
        %dma_wait3A_25 = arith.constant 0 : i32
        %dma_wait3A_26 = tpu.memref_slice %arg9[%dma_wait3A, %dma_wait3A_25] : memref<10000x128xf32, #tpu.memory_space<vmem_shared>> -> memref<16x128xf32, #tpu.memory_space<vmem_shared>>
        %dma_wait3A_27 = arith.constant 0 : i32
        %dma_wait3A_28 = arith.constant 0 : i32
        %dma_wait3A_29 = tpu.memref_slice %arg4[%dma_wait3A_27, %dma_wait3A_28] : memref<624x128xf32, #tpu.memory_space<hbm>> -> memref<16x128xf32, #tpu.memory_space<hbm>>
        tpu.wait_dma2 semaphore(%run_scoped3A : memref<!tpu.dma_semaphore, #tpu.memory_space<semaphore_mem>>) src(%dma_wait3A_29 : memref<16x128xf32, #tpu.memory_space<hbm>>) dst(%dma_wait3A_26 : memref<16x128xf32, #tpu.memory_space<vmem_shared>>)
        tpu.yield
      }) : () -> ()
    } else {
    }
    "tpu.region"() ({
      %run_scoped3A = tpu.sem_alloc : memref<!tpu.dma_semaphore, #tpu.memory_space<semaphore_mem>>
      %dma_start3A = arith.constant 0 : i32
      %dma_start3A_20 = arith.constant 0 : i32
      %dma_start3A_21 = tpu.memref_slice %arg2[%add3A, %dma_start3A, %dma_start3A_20] : memref<32x100x100xi32, #tpu.memory_space<hbm>> -> memref<1x100x100xi32, #tpu.memory_space<hbm>>
      %dma_start3A_22 = tpu.memref_squeeze %dma_start3A_21 : memref<1x100x100xi32, #tpu.memory_space<hbm>> -> memref<100x100xi32, #tpu.memory_space<hbm>>
      %dma_start3A_23 = arith.constant 0 : i32
      %dma_start3A_24 = arith.constant 0 : i32
      %dma_start3A_25 = tpu.memref_slice %arg2[%add3A, %dma_start3A_23, %dma_start3A_24] : memref<32x100x100xi32, #tpu.memory_space<hbm>> -> memref<1x100x100xi32, #tpu.memory_space<hbm>>
      %dma_start3A_26 = tpu.memref_squeeze %dma_start3A_25 : memref<1x100x100xi32, #tpu.memory_space<hbm>> -> memref<100x100xi32, #tpu.memory_space<hbm>>
      tpu.enqueue_dma source(%dma_start3A_26 : memref<100x100xi32, #tpu.memory_space<hbm>>) target(%arg6 : memref<100x100xi32, #tpu.memory_space<vmem>>) target_semaphore(%run_scoped3A : memref<!tpu.dma_semaphore, #tpu.memory_space<semaphore_mem>>)
      %dma_wait3A = arith.constant 0 : i32
      %dma_wait3A_27 = arith.constant 0 : i32
      %dma_wait3A_28 = tpu.memref_slice %arg2[%add3A, %dma_wait3A, %dma_wait3A_27] : memref<32x100x100xi32, #tpu.memory_space<hbm>> -> memref<1x100x100xi32, #tpu.memory_space<hbm>>
      %dma_wait3A_29 = tpu.memref_squeeze %dma_wait3A_28 : memref<1x100x100xi32, #tpu.memory_space<hbm>> -> memref<100x100xi32, #tpu.memory_space<hbm>>
      %dma_wait3A_30 = arith.constant 0 : i32
      %dma_wait3A_31 = arith.constant 0 : i32
      %dma_wait3A_32 = tpu.memref_slice %arg2[%add3A, %dma_wait3A_30, %dma_wait3A_31] : memref<32x100x100xi32, #tpu.memory_space<hbm>> -> memref<1x100x100xi32, #tpu.memory_space<hbm>>
      %dma_wait3A_33 = tpu.memref_squeeze %dma_wait3A_32 : memref<1x100x100xi32, #tpu.memory_space<hbm>> -> memref<100x100xi32, #tpu.memory_space<hbm>>
      tpu.wait_dma2 semaphore(%run_scoped3A : memref<!tpu.dma_semaphore, #tpu.memory_space<semaphore_mem>>) src(%dma_wait3A_33 : memref<100x100xi32, #tpu.memory_space<hbm>>) dst(%arg6 : memref<100x100xi32, #tpu.memory_space<vmem>>)
      tpu.yield
    }) : () -> ()
    "tpu.region"() ({
      %run_scoped3A = tpu.sem_alloc : memref<!tpu.dma_semaphore, #tpu.memory_space<semaphore_mem>>
      tpu.enqueue_dma source(%arg3 : memref<100x128xf32, #tpu.memory_space<hbm>>) target(%arg7 : memref<100x128xf32, #tpu.memory_space<vmem>>) target_semaphore(%run_scoped3A : memref<!tpu.dma_semaphore, #tpu.memory_space<semaphore_mem>>)
      tpu.wait_dma2 semaphore(%run_scoped3A : memref<!tpu.dma_semaphore, #tpu.memory_space<semaphore_mem>>) src(%arg3 : memref<100x128xf32, #tpu.memory_space<hbm>>) dst(%arg7 : memref<100x128xf32, #tpu.memory_space<vmem>>)
      tpu.yield
    }) : () -> ()
    %barrier3A = arith.constant 0 : index
    tpu.barrier barrier_id(%barrier3A)
    %scan3A = arith.constant 0 : i32
    %scan3A_5 = arith.constant 0 : i32
    %scan3A_6 = arith.constant 25 : i32
    %scan3A_7 = arith.addi %scan3A_5, %scan3A_6 : i32
    %scan3A_8 = arith.constant 1 : i32
    scf.for %scan3A_20 = %scan3A_5 to %scan3A_7 step %scan3A_8  : i32 {
      %mul3A_21 = arith.constant 4 : i32
      %mul3A_22 = arith.muli %mul3A_21, %scan3A_20 : i32
      %add3A_23 = arith.constant 0 : i32
      %add3A_24 = arith.addi %mul3A_22, %add3A_23 : i32
      %dma_start3A = arith.constant 0 : i32
      %dma_start3A_25 = tpu.memref_slice %arg6[%add3A_24, %dma_start3A] : memref<100x100xi32, #tpu.memory_space<vmem>> -> memref<1x100xi32, #tpu.memory_space<vmem>>
      %dma_start3A_26 = tpu.memref_squeeze %dma_start3A_25 : memref<1x100xi32, #tpu.memory_space<vmem>> -> memref<100xi32, #tpu.memory_space<vmem>>
      %dma_start3A_27 = arith.constant 0 : i32
      %dma_start3A_28 = arith.constant 0 : i32
      %dma_start3A_29 = tpu.memref_slice %arg9[%dma_start3A_27, %dma_start3A_28] : memref<10000x128xf32, #tpu.memory_space<vmem_shared>> -> memref<10000x128xf32, #tpu.memory_space<vmem_shared>>
      tpu.enqueue_indirect_dma source(%arg7 : memref<100x128xf32, #tpu.memory_space<vmem>>) target(%dma_start3A_29 : memref<10000x128xf32, #tpu.memory_space<vmem_shared>>) offsets(%dma_start3A_26 : memref<100xi32, #tpu.memory_space<vmem>>) semaphore(%arg8 : memref<!tpu.dma_semaphore, #tpu.memory_space<semaphore_mem>>) {add = true}
      %mul3A_30 = arith.constant 4 : i32
      %mul3A_31 = arith.muli %mul3A_30, %scan3A_20 : i32
      %add3A_32 = arith.constant 1 : i32
      %add3A_33 = arith.addi %mul3A_31, %add3A_32 : i32
      %dma_start3A_34 = arith.constant 0 : i32
      %dma_start3A_35 = tpu.memref_slice %arg6[%add3A_33, %dma_start3A_34] : memref<100x100xi32, #tpu.memory_space<vmem>> -> memref<1x100xi32, #tpu.memory_space<vmem>>
      %dma_start3A_36 = tpu.memref_squeeze %dma_start3A_35 : memref<1x100xi32, #tpu.memory_space<vmem>> -> memref<100xi32, #tpu.memory_space<vmem>>
      %dma_start3A_37 = arith.constant 0 : i32
      %dma_start3A_38 = arith.constant 0 : i32
      %dma_start3A_39 = tpu.memref_slice %arg9[%dma_start3A_37, %dma_start3A_38] : memref<10000x128xf32, #tpu.memory_space<vmem_shared>> -> memref<10000x128xf32, #tpu.memory_space<vmem_shared>>
      tpu.enqueue_indirect_dma source(%arg7 : memref<100x128xf32, #tpu.memory_space<vmem>>) target(%dma_start3A_39 : memref<10000x128xf32, #tpu.memory_space<vmem_shared>>) offsets(%dma_start3A_36 : memref<100xi32, #tpu.memory_space<vmem>>) semaphore(%arg8 : memref<!tpu.dma_semaphore, #tpu.memory_space<semaphore_mem>>) {add = true}
      %mul3A_40 = arith.constant 4 : i32
      %mul3A_41 = arith.muli %mul3A_40, %scan3A_20 : i32
      %add3A_42 = arith.constant 2 : i32
      %add3A_43 = arith.addi %mul3A_41, %add3A_42 : i32
      %dma_start3A_44 = arith.constant 0 : i32
      %dma_start3A_45 = tpu.memref_slice %arg6[%add3A_43, %dma_start3A_44] : memref<100x100xi32, #tpu.memory_space<vmem>> -> memref<1x100xi32, #tpu.memory_space<vmem>>
      %dma_start3A_46 = tpu.memref_squeeze %dma_start3A_45 : memref<1x100xi32, #tpu.memory_space<vmem>> -> memref<100xi32, #tpu.memory_space<vmem>>
      %dma_start3A_47 = arith.constant 0 : i32
      %dma_start3A_48 = arith.constant 0 : i32
      %dma_start3A_49 = tpu.memref_slice %arg9[%dma_start3A_47, %dma_start3A_48] : memref<10000x128xf32, #tpu.memory_space<vmem_shared>> -> memref<10000x128xf32, #tpu.memory_space<vmem_shared>>
      tpu.enqueue_indirect_dma source(%arg7 : memref<100x128xf32, #tpu.memory_space<vmem>>) target(%dma_start3A_49 : memref<10000x128xf32, #tpu.memory_space<vmem_shared>>) offsets(%dma_start3A_46 : memref<100xi32, #tpu.memory_space<vmem>>) semaphore(%arg8 : memref<!tpu.dma_semaphore, #tpu.memory_space<semaphore_mem>>) {add = true}
      %mul3A_50 = arith.constant 4 : i32
      %mul3A_51 = arith.muli %mul3A_50, %scan3A_20 : i32
      %add3A_52 = arith.constant 3 : i32
      %add3A_53 = arith.addi %mul3A_51, %add3A_52 : i32
      %dma_start3A_54 = arith.constant 0 : i32
      %dma_start3A_55 = tpu.memref_slice %arg6[%add3A_53, %dma_start3A_54] : memref<100x100xi32, #tpu.memory_space<vmem>> -> memref<1x100xi32, #tpu.memory_space<vmem>>
      %dma_start3A_56 = tpu.memref_squeeze %dma_start3A_55 : memref<1x100xi32, #tpu.memory_space<vmem>> -> memref<100xi32, #tpu.memory_space<vmem>>
      %dma_start3A_57 = arith.constant 0 : i32
      %dma_start3A_58 = arith.constant 0 : i32
      %dma_start3A_59 = tpu.memref_slice %arg9[%dma_start3A_57, %dma_start3A_58] : memref<10000x128xf32, #tpu.memory_space<vmem_shared>> -> memref<10000x128xf32, #tpu.memory_space<vmem_shared>>
      tpu.enqueue_indirect_dma source(%arg7 : memref<100x128xf32, #tpu.memory_space<vmem>>) target(%dma_start3A_59 : memref<10000x128xf32, #tpu.memory_space<vmem_shared>>) offsets(%dma_start3A_56 : memref<100xi32, #tpu.memory_space<vmem>>) semaphore(%arg8 : memref<!tpu.dma_semaphore, #tpu.memory_space<semaphore_mem>>) {add = true}
      %mul3A_60 = arith.constant 4 : i32
      %mul3A_61 = arith.muli %mul3A_60, %scan3A_20 : i32
      %add3A_62 = arith.constant 0 : i32
      %add3A_63 = arith.addi %mul3A_61, %add3A_62 : i32
      %dma_wait3A = arith.constant 0 : i32
      %dma_wait3A_64 = tpu.memref_slice %arg6[%add3A_63, %dma_wait3A] : memref<100x100xi32, #tpu.memory_space<vmem>> -> memref<1x100xi32, #tpu.memory_space<vmem>>
      %dma_wait3A_65 = tpu.memref_squeeze %dma_wait3A_64 : memref<1x100xi32, #tpu.memory_space<vmem>> -> memref<100xi32, #tpu.memory_space<vmem>>
      %dma_wait3A_66 = arith.constant 0 : i32
      %dma_wait3A_67 = arith.constant 0 : i32
      %dma_wait3A_68 = tpu.memref_slice %arg9[%dma_wait3A_66, %dma_wait3A_67] : memref<10000x128xf32, #tpu.memory_space<vmem_shared>> -> memref<10000x128xf32, #tpu.memory_space<vmem_shared>>
      tpu.wait_indirect_dma semaphore(%arg8 : memref<!tpu.dma_semaphore, #tpu.memory_space<semaphore_mem>>) src(%arg7 : memref<100x128xf32, #tpu.memory_space<vmem>>) dst(%dma_wait3A_68 : memref<10000x128xf32, #tpu.memory_space<vmem_shared>>)
      %mul3A_69 = arith.constant 4 : i32
      %mul3A_70 = arith.muli %mul3A_69, %scan3A_20 : i32
      %add3A_71 = arith.constant 1 : i32
      %add3A_72 = arith.addi %mul3A_70, %add3A_71 : i32
      %dma_wait3A_73 = arith.constant 0 : i32
      %dma_wait3A_74 = tpu.memref_slice %arg6[%add3A_72, %dma_wait3A_73] : memref<100x100xi32, #tpu.memory_space<vmem>> -> memref<1x100xi32, #tpu.memory_space<vmem>>
      %dma_wait3A_75 = tpu.memref_squeeze %dma_wait3A_74 : memref<1x100xi32, #tpu.memory_space<vmem>> -> memref<100xi32, #tpu.memory_space<vmem>>
      %dma_wait3A_76 = arith.constant 0 : i32
      %dma_wait3A_77 = arith.constant 0 : i32
      %dma_wait3A_78 = tpu.memref_slice %arg9[%dma_wait3A_76, %dma_wait3A_77] : memref<10000x128xf32, #tpu.memory_space<vmem_shared>> -> memref<10000x128xf32, #tpu.memory_space<vmem_shared>>
      tpu.wait_indirect_dma semaphore(%arg8 : memref<!tpu.dma_semaphore, #tpu.memory_space<semaphore_mem>>) src(%arg7 : memref<100x128xf32, #tpu.memory_space<vmem>>) dst(%dma_wait3A_78 : memref<10000x128xf32, #tpu.memory_space<vmem_shared>>)
      %mul3A_79 = arith.constant 4 : i32
      %mul3A_80 = arith.muli %mul3A_79, %scan3A_20 : i32
      %add3A_81 = arith.constant 2 : i32
      %add3A_82 = arith.addi %mul3A_80, %add3A_81 : i32
      %dma_wait3A_83 = arith.constant 0 : i32
      %dma_wait3A_84 = tpu.memref_slice %arg6[%add3A_82, %dma_wait3A_83] : memref<100x100xi32, #tpu.memory_space<vmem>> -> memref<1x100xi32, #tpu.memory_space<vmem>>
      %dma_wait3A_85 = tpu.memref_squeeze %dma_wait3A_84 : memref<1x100xi32, #tpu.memory_space<vmem>> -> memref<100xi32, #tpu.memory_space<vmem>>
      %dma_wait3A_86 = arith.constant 0 : i32
      %dma_wait3A_87 = arith.constant 0 : i32
      %dma_wait3A_88 = tpu.memref_slice %arg9[%dma_wait3A_86, %dma_wait3A_87] : memref<10000x128xf32, #tpu.memory_space<vmem_shared>> -> memref<10000x128xf32, #tpu.memory_space<vmem_shared>>
      tpu.wait_indirect_dma semaphore(%arg8 : memref<!tpu.dma_semaphore, #tpu.memory_space<semaphore_mem>>) src(%arg7 : memref<100x128xf32, #tpu.memory_space<vmem>>) dst(%dma_wait3A_88 : memref<10000x128xf32, #tpu.memory_space<vmem_shared>>)
      %mul3A_89 = arith.constant 4 : i32
      %mul3A_90 = arith.muli %mul3A_89, %scan3A_20 : i32
      %add3A_91 = arith.constant 3 : i32
      %add3A_92 = arith.addi %mul3A_90, %add3A_91 : i32
      %dma_wait3A_93 = arith.constant 0 : i32
      %dma_wait3A_94 = tpu.memref_slice %arg6[%add3A_92, %dma_wait3A_93] : memref<100x100xi32, #tpu.memory_space<vmem>> -> memref<1x100xi32, #tpu.memory_space<vmem>>
      %dma_wait3A_95 = tpu.memref_squeeze %dma_wait3A_94 : memref<1x100xi32, #tpu.memory_space<vmem>> -> memref<100xi32, #tpu.memory_space<vmem>>
      %dma_wait3A_96 = arith.constant 0 : i32
      %dma_wait3A_97 = arith.constant 0 : i32
      %dma_wait3A_98 = tpu.memref_slice %arg9[%dma_wait3A_96, %dma_wait3A_97] : memref<10000x128xf32, #tpu.memory_space<vmem_shared>> -> memref<10000x128xf32, #tpu.memory_space<vmem_shared>>
      tpu.wait_indirect_dma semaphore(%arg8 : memref<!tpu.dma_semaphore, #tpu.memory_space<semaphore_mem>>) src(%arg7 : memref<100x128xf32, #tpu.memory_space<vmem>>) dst(%dma_wait3A_98 : memref<10000x128xf32, #tpu.memory_space<vmem_shared>>)
    }
    %scan3A_9 = arith.constant 25 : i32
    %barrier3A_10 = arith.constant 0 : index
    tpu.barrier barrier_id(%barrier3A_10)
    %mul3A_11 = arith.constant 624 : i32
    %mul3A_12 = arith.muli %arg1, %mul3A_11 : i32
    %mul3A_13 = arith.constant 624 : i32
    %mul3A_14 = arith.muli %arg1, %mul3A_13 : i32
    "tpu.region"() ({
      %run_scoped3A = tpu.sem_alloc : memref<!tpu.dma_semaphore, #tpu.memory_space<semaphore_mem>>
      %dma_start3A = arith.constant 0 : i32
      %dma_start3A_20 = tpu.memref_slice %arg5[%arg0, %mul3A_14, %dma_start3A] : memref<2x10000x128xf32, #tpu.memory_space<hbm>> -> memref<1x624x128xf32, #tpu.memory_space<hbm>>
      %dma_start3A_21 = tpu.memref_squeeze %dma_start3A_20 : memref<1x624x128xf32, #tpu.memory_space<hbm>> -> memref<624x128xf32, #tpu.memory_space<hbm>>
      %dma_start3A_22 = arith.constant 0 : i32
      %dma_start3A_23 = tpu.memref_slice %arg9[%mul3A_12, %dma_start3A_22] : memref<10000x128xf32, #tpu.memory_space<vmem_shared>> -> memref<624x128xf32, #tpu.memory_space<vmem_shared>>
      tpu.enqueue_dma source(%dma_start3A_23 : memref<624x128xf32, #tpu.memory_space<vmem_shared>>) target(%dma_start3A_21 : memref<624x128xf32, #tpu.memory_space<hbm>>) target_semaphore(%run_scoped3A : memref<!tpu.dma_semaphore, #tpu.memory_space<semaphore_mem>>)
      %dma_wait3A = arith.constant 0 : i32
      %dma_wait3A_24 = tpu.memref_slice %arg5[%arg0, %mul3A_14, %dma_wait3A] : memref<2x10000x128xf32, #tpu.memory_space<hbm>> -> memref<1x624x128xf32, #tpu.memory_space<hbm>>
      %dma_wait3A_25 = tpu.memref_squeeze %dma_wait3A_24 : memref<1x624x128xf32, #tpu.memory_space<hbm>> -> memref<624x128xf32, #tpu.memory_space<hbm>>
      %dma_wait3A_26 = arith.constant 0 : i32
      %dma_wait3A_27 = tpu.memref_slice %arg9[%mul3A_12, %dma_wait3A_26] : memref<10000x128xf32, #tpu.memory_space<vmem_shared>> -> memref<624x128xf32, #tpu.memory_space<vmem_shared>>
      tpu.wait_dma2 semaphore(%run_scoped3A : memref<!tpu.dma_semaphore, #tpu.memory_space<semaphore_mem>>) src(%dma_wait3A_27 : memref<624x128xf32, #tpu.memory_space<vmem_shared>>) dst(%dma_wait3A_25 : memref<624x128xf32, #tpu.memory_space<hbm>>)
      tpu.yield
    }) : () -> ()
    %eq3A_15 = arith.constant 15 : i32
    %eq3A_16 = arith.cmpi eq, %arg1, %eq3A_15 : i32
    %convert_element_type3A_17 = arith.extui %eq3A_16 : i1 to i32
    %cond3A_18 = arith.constant 0 : i32
    %cond3A_19 = arith.cmpi ne, %convert_element_type3A_17, %cond3A_18 : i32
    scf.if %cond3A_19 {
      "tpu.region"() ({
        %run_scoped3A = tpu.sem_alloc : memref<!tpu.dma_semaphore, #tpu.memory_space<semaphore_mem>>
        %dma_start3A = arith.constant 9984 : i32
        %dma_start3A_20 = arith.constant 0 : i32
        %dma_start3A_21 = tpu.memref_slice %arg5[%arg0, %dma_start3A, %dma_start3A_20] : memref<2x10000x128xf32, #tpu.memory_space<hbm>> -> memref<1x16x128xf32, #tpu.memory_space<hbm>>
        %dma_start3A_22 = tpu.memref_squeeze %dma_start3A_21 : memref<1x16x128xf32, #tpu.memory_space<hbm>> -> memref<16x128xf32, #tpu.memory_space<hbm>>
        %dma_start3A_23 = arith.constant 9984 : i32
        %dma_start3A_24 = arith.constant 0 : i32
        %dma_start3A_25 = tpu.memref_slice %arg9[%dma_start3A_23, %dma_start3A_24] : memref<10000x128xf32, #tpu.memory_space<vmem_shared>> -> memref<16x128xf32, #tpu.memory_space<vmem_shared>>
        tpu.enqueue_dma source(%dma_start3A_25 : memref<16x128xf32, #tpu.memory_space<vmem_shared>>) target(%dma_start3A_22 : memref<16x128xf32, #tpu.memory_space<hbm>>) target_semaphore(%run_scoped3A : memref<!tpu.dma_semaphore, #tpu.memory_space<semaphore_mem>>)
        %dma_wait3A = arith.constant 9984 : i32
        %dma_wait3A_26 = arith.constant 0 : i32
        %dma_wait3A_27 = tpu.memref_slice %arg5[%arg0, %dma_wait3A, %dma_wait3A_26] : memref<2x10000x128xf32, #tpu.memory_space<hbm>> -> memref<1x16x128xf32, #tpu.memory_space<hbm>>
        %dma_wait3A_28 = tpu.memref_squeeze %dma_wait3A_27 : memref<1x16x128xf32, #tpu.memory_space<hbm>> -> memref<16x128xf32, #tpu.memory_space<hbm>>
        %dma_wait3A_29 = arith.constant 9984 : i32
        %dma_wait3A_30 = arith.constant 0 : i32
        %dma_wait3A_31 = tpu.memref_slice %arg9[%dma_wait3A_29, %dma_wait3A_30] : memref<10000x128xf32, #tpu.memory_space<vmem_shared>> -> memref<16x128xf32, #tpu.memory_space<vmem_shared>>
        tpu.wait_dma2 semaphore(%run_scoped3A : memref<!tpu.dma_semaphore, #tpu.memory_space<semaphore_mem>>) src(%dma_wait3A_31 : memref<16x128xf32, #tpu.memory_space<vmem_shared>>) dst(%dma_wait3A_28 : memref<16x128xf32, #tpu.memory_space<hbm>>)
        tpu.yield
      }) : () -> ()
    } else {
    }
    return
  }
}

#map = affine_map<(d0, d1) -> (0, 0)>
#map1 = affine_map<(d0, d1) -> (0, 0, 0, 0, 0)>
#map2 = affine_map<(d0, d1) -> (0, 0, 0)>
module attributes {stable_mosaic.version = 14 : i64} {
  func.func @_scatter_kernel(%arg0: i32, %arg1: i32, %arg2: memref<10000x128xf32, #tpu.memory_space<hbm>>, %arg3: memref<32x10x2x8x125xi32, #tpu.memory_space<hbm>>, %arg4: memref<624x128xf32, #tpu.memory_space<hbm>>, %arg5: memref<2x10000x128xf32, #tpu.memory_space<hbm>>, %arg6: memref<2x8x125xi32, #tpu.memory_space<vmem>>, %arg7: memref<2x8x125xi32, #tpu.memory_space<vmem>>, %arg8: memref<125x128xf32, #tpu.memory_space<vmem>>, %arg9: memref<125x128xf32, #tpu.memory_space<vmem>>, %arg10: memref<!tpu.dma_semaphore, #tpu.memory_space<semaphore_mem>>, %arg11: memref<!tpu.dma_semaphore, #tpu.memory_space<semaphore_mem>>, %arg12: memref<!tpu.dma_semaphore, #tpu.memory_space<semaphore_mem>>, %arg13: memref<!tpu.dma_semaphore, #tpu.memory_space<semaphore_mem>>, %arg14: memref<10000x128xf32, #tpu.memory_space<vmem_shared>>) attributes {dimension_semantics = [#tpu.dimension_semantics<core_parallel>, #tpu.dimension_semantics<subcore_parallel>], iteration_bounds = array<i64: 2, 16>, scalar_prefetch = 0 : i64, scratch_operands = 9 : i64, tpu.core_type = #tpu.core_type<sc_vector_subcore>, window_params = [{transform_indices = #map}, {transform_indices = #map1}, {transform_indices = #map}, {transform_indices = #map2}]} {
    %mul3A = arith.constant 16 : i32
    %mul3A_0 = arith.muli %arg0, %mul3A : i32
    %add3A = arith.addi %mul3A_0, %arg1 : i32
    %mul3A_1 = arith.constant 624 : i32
    %mul3A_2 = arith.muli %arg1, %mul3A_1 : i32
    "tpu.region"() ({
      %run_scoped3A_20 = tpu.sem_alloc : memref<!tpu.dma_semaphore, #tpu.memory_space<semaphore_mem>>
      %dma_start3A = arith.constant 0 : i32
      %dma_start3A_21 = tpu.memref_slice %arg14[%mul3A_2, %dma_start3A] : memref<10000x128xf32, #tpu.memory_space<vmem_shared>> -> memref<624x128xf32, #tpu.memory_space<vmem_shared>>
      %dma_start3A_22 = arith.constant 0 : i32
      %dma_start3A_23 = arith.constant 0 : i32
      %dma_start3A_24 = tpu.memref_slice %arg4[%dma_start3A_22, %dma_start3A_23] : memref<624x128xf32, #tpu.memory_space<hbm>> -> memref<624x128xf32, #tpu.memory_space<hbm>>
      tpu.enqueue_dma source(%dma_start3A_24 : memref<624x128xf32, #tpu.memory_space<hbm>>) target(%dma_start3A_21 : memref<624x128xf32, #tpu.memory_space<vmem_shared>>) target_semaphore(%run_scoped3A_20 : memref<!tpu.dma_semaphore, #tpu.memory_space<semaphore_mem>>)
      %dma_wait3A = arith.constant 0 : i32
      %dma_wait3A_25 = tpu.memref_slice %arg14[%mul3A_2, %dma_wait3A] : memref<10000x128xf32, #tpu.memory_space<vmem_shared>> -> memref<624x128xf32, #tpu.memory_space<vmem_shared>>
      %dma_wait3A_26 = arith.constant 0 : i32
      %dma_wait3A_27 = arith.constant 0 : i32
      %dma_wait3A_28 = tpu.memref_slice %arg4[%dma_wait3A_26, %dma_wait3A_27] : memref<624x128xf32, #tpu.memory_space<hbm>> -> memref<624x128xf32, #tpu.memory_space<hbm>>
      tpu.wait_dma2 semaphore(%run_scoped3A_20 : memref<!tpu.dma_semaphore, #tpu.memory_space<semaphore_mem>>) src(%dma_wait3A_28 : memref<624x128xf32, #tpu.memory_space<hbm>>) dst(%dma_wait3A_25 : memref<624x128xf32, #tpu.memory_space<vmem_shared>>)
      tpu.yield
    }) : () -> ()
    %eq3A = arith.constant 15 : i32
    %eq3A_3 = arith.cmpi eq, %arg1, %eq3A : i32
    %convert_element_type3A = arith.extui %eq3A_3 : i1 to i32
    %cond3A = arith.constant 0 : i32
    %cond3A_4 = arith.cmpi ne, %convert_element_type3A, %cond3A : i32
    scf.if %cond3A_4 {
      "tpu.region"() ({
        %run_scoped3A_20 = tpu.sem_alloc : memref<!tpu.dma_semaphore, #tpu.memory_space<semaphore_mem>>
        %dma_start3A = arith.constant 9984 : i32
        %dma_start3A_21 = arith.constant 0 : i32
        %dma_start3A_22 = tpu.memref_slice %arg14[%dma_start3A, %dma_start3A_21] : memref<10000x128xf32, #tpu.memory_space<vmem_shared>> -> memref<16x128xf32, #tpu.memory_space<vmem_shared>>
        %dma_start3A_23 = arith.constant 0 : i32
        %dma_start3A_24 = arith.constant 0 : i32
        %dma_start3A_25 = tpu.memref_slice %arg4[%dma_start3A_23, %dma_start3A_24] : memref<624x128xf32, #tpu.memory_space<hbm>> -> memref<16x128xf32, #tpu.memory_space<hbm>>
        tpu.enqueue_dma source(%dma_start3A_25 : memref<16x128xf32, #tpu.memory_space<hbm>>) target(%dma_start3A_22 : memref<16x128xf32, #tpu.memory_space<vmem_shared>>) target_semaphore(%run_scoped3A_20 : memref<!tpu.dma_semaphore, #tpu.memory_space<semaphore_mem>>)
        %dma_wait3A = arith.constant 9984 : i32
        %dma_wait3A_26 = arith.constant 0 : i32
        %dma_wait3A_27 = tpu.memref_slice %arg14[%dma_wait3A, %dma_wait3A_26] : memref<10000x128xf32, #tpu.memory_space<vmem_shared>> -> memref<16x128xf32, #tpu.memory_space<vmem_shared>>
        %dma_wait3A_28 = arith.constant 0 : i32
        %dma_wait3A_29 = arith.constant 0 : i32
        %dma_wait3A_30 = tpu.memref_slice %arg4[%dma_wait3A_28, %dma_wait3A_29] : memref<624x128xf32, #tpu.memory_space<hbm>> -> memref<16x128xf32, #tpu.memory_space<hbm>>
        tpu.wait_dma2 semaphore(%run_scoped3A_20 : memref<!tpu.dma_semaphore, #tpu.memory_space<semaphore_mem>>) src(%dma_wait3A_30 : memref<16x128xf32, #tpu.memory_space<hbm>>) dst(%dma_wait3A_27 : memref<16x128xf32, #tpu.memory_space<vmem_shared>>)
        tpu.yield
      }) : () -> ()
    } else {
    }
    %barrier3A = arith.constant 0 : index
    tpu.barrier barrier_id(%barrier3A)
    %run_scoped3A = arith.constant 0 : i32
    "tpu.region"() ({
      %run_scoped3A_20 = tpu.sem_alloc : memref<!tpu.dma_semaphore, #tpu.memory_space<semaphore_mem>>
      %dma_start3A = arith.constant 0 : i32
      %dma_start3A_21 = arith.constant 0 : i32
      %dma_start3A_22 = arith.constant 0 : i32
      %dma_start3A_23 = tpu.memref_slice %arg3[%add3A, %run_scoped3A, %dma_start3A, %dma_start3A_21, %dma_start3A_22] : memref<32x10x2x8x125xi32, #tpu.memory_space<hbm>> -> memref<1x1x2x8x125xi32, #tpu.memory_space<hbm>>
      %dma_start3A_24 = tpu.memref_squeeze %dma_start3A_23 : memref<1x1x2x8x125xi32, #tpu.memory_space<hbm>> -> memref<2x8x125xi32, #tpu.memory_space<hbm>>
      %dma_start3A_25 = arith.constant 0 : i32
      %dma_start3A_26 = arith.constant 0 : i32
      %dma_start3A_27 = arith.constant 0 : i32
      %dma_start3A_28 = tpu.memref_slice %arg3[%add3A, %run_scoped3A, %dma_start3A_25, %dma_start3A_26, %dma_start3A_27] : memref<32x10x2x8x125xi32, #tpu.memory_space<hbm>> -> memref<1x1x2x8x125xi32, #tpu.memory_space<hbm>>
      %dma_start3A_29 = tpu.memref_squeeze %dma_start3A_28 : memref<1x1x2x8x125xi32, #tpu.memory_space<hbm>> -> memref<2x8x125xi32, #tpu.memory_space<hbm>>
      tpu.enqueue_dma source(%dma_start3A_29 : memref<2x8x125xi32, #tpu.memory_space<hbm>>) target(%arg6 : memref<2x8x125xi32, #tpu.memory_space<vmem>>) target_semaphore(%run_scoped3A_20 : memref<!tpu.dma_semaphore, #tpu.memory_space<semaphore_mem>>)
      %dma_wait3A = arith.constant 0 : i32
      %dma_wait3A_30 = arith.constant 0 : i32
      %dma_wait3A_31 = arith.constant 0 : i32
      %dma_wait3A_32 = tpu.memref_slice %arg3[%add3A, %run_scoped3A, %dma_wait3A, %dma_wait3A_30, %dma_wait3A_31] : memref<32x10x2x8x125xi32, #tpu.memory_space<hbm>> -> memref<1x1x2x8x125xi32, #tpu.memory_space<hbm>>
      %dma_wait3A_33 = tpu.memref_squeeze %dma_wait3A_32 : memref<1x1x2x8x125xi32, #tpu.memory_space<hbm>> -> memref<2x8x125xi32, #tpu.memory_space<hbm>>
      %dma_wait3A_34 = arith.constant 0 : i32
      %dma_wait3A_35 = arith.constant 0 : i32
      %dma_wait3A_36 = arith.constant 0 : i32
      %dma_wait3A_37 = tpu.memref_slice %arg3[%add3A, %run_scoped3A, %dma_wait3A_34, %dma_wait3A_35, %dma_wait3A_36] : memref<32x10x2x8x125xi32, #tpu.memory_space<hbm>> -> memref<1x1x2x8x125xi32, #tpu.memory_space<hbm>>
      %dma_wait3A_38 = tpu.memref_squeeze %dma_wait3A_37 : memref<1x1x2x8x125xi32, #tpu.memory_space<hbm>> -> memref<2x8x125xi32, #tpu.memory_space<hbm>>
      tpu.wait_dma2 semaphore(%run_scoped3A_20 : memref<!tpu.dma_semaphore, #tpu.memory_space<semaphore_mem>>) src(%dma_wait3A_38 : memref<2x8x125xi32, #tpu.memory_space<hbm>>) dst(%arg6 : memref<2x8x125xi32, #tpu.memory_space<vmem>>)
      tpu.yield
    }) : () -> ()
    %scan3A = arith.constant 0 : i32
    %scan3A_5 = arith.constant 0 : i32
    %scan3A_6 = arith.constant 5 : i32
    %scan3A_7 = arith.addi %scan3A_5, %scan3A_6 : i32
    %scan3A_8 = arith.constant 1 : i32
    scf.for %scan3A_20 = %scan3A_5 to %scan3A_7 step %scan3A_8  : i32 {
      %mul3A_21 = arith.constant 2 : i32
      %mul3A_22 = arith.muli %mul3A_21, %scan3A_20 : i32
      %add3A_23 = arith.constant 1 : i32
      %add3A_24 = arith.addi %mul3A_22, %add3A_23 : i32
      %dma_start3A = arith.constant 0 : i32
      %dma_start3A_25 = arith.constant 0 : i32
      %dma_start3A_26 = arith.constant 0 : i32
      %dma_start3A_27 = tpu.memref_slice %arg3[%add3A, %add3A_24, %dma_start3A, %dma_start3A_25, %dma_start3A_26] : memref<32x10x2x8x125xi32, #tpu.memory_space<hbm>> -> memref<1x1x2x8x125xi32, #tpu.memory_space<hbm>>
      %dma_start3A_28 = tpu.memref_squeeze %dma_start3A_27 : memref<1x1x2x8x125xi32, #tpu.memory_space<hbm>> -> memref<2x8x125xi32, #tpu.memory_space<hbm>>
      %dma_start3A_29 = arith.constant 0 : i32
      %dma_start3A_30 = arith.constant 0 : i32
      %dma_start3A_31 = arith.constant 0 : i32
      %dma_start3A_32 = tpu.memref_slice %arg3[%add3A, %add3A_24, %dma_start3A_29, %dma_start3A_30, %dma_start3A_31] : memref<32x10x2x8x125xi32, #tpu.memory_space<hbm>> -> memref<1x1x2x8x125xi32, #tpu.memory_space<hbm>>
      %dma_start3A_33 = tpu.memref_squeeze %dma_start3A_32 : memref<1x1x2x8x125xi32, #tpu.memory_space<hbm>> -> memref<2x8x125xi32, #tpu.memory_space<hbm>>
      tpu.enqueue_dma source(%dma_start3A_33 : memref<2x8x125xi32, #tpu.memory_space<hbm>>) target(%arg7 : memref<2x8x125xi32, #tpu.memory_space<vmem>>) target_semaphore(%arg13 : memref<!tpu.dma_semaphore, #tpu.memory_space<semaphore_mem>>)
      %dma_start3A_34 = arith.constant 0 : i32
      %dma_start3A_35 = arith.constant 0 : i32
      %dma_start3A_36 = arith.constant 0 : i32
      %dma_start3A_37 = tpu.memref_slice %arg6[%dma_start3A_34, %dma_start3A_35, %dma_start3A_36] : memref<2x8x125xi32, #tpu.memory_space<vmem>> -> memref<1x1x125xi32, #tpu.memory_space<vmem>>
      %dma_start3A_38 = tpu.memref_squeeze %dma_start3A_37 : memref<1x1x125xi32, #tpu.memory_space<vmem>> -> memref<125xi32, #tpu.memory_space<vmem>>
      %dma_start3A_39 = arith.constant 0 : i32
      %dma_start3A_40 = arith.constant 0 : i32
      %dma_start3A_41 = tpu.memref_slice %arg2[%dma_start3A_39, %dma_start3A_40] : memref<10000x128xf32, #tpu.memory_space<hbm>> -> memref<10000x128xf32, #tpu.memory_space<hbm>>
      tpu.enqueue_indirect_dma source(%dma_start3A_41 : memref<10000x128xf32, #tpu.memory_space<hbm>>) target(%arg8 : memref<125x128xf32, #tpu.memory_space<vmem>>) offsets(%dma_start3A_38 : memref<125xi32, #tpu.memory_space<vmem>>) semaphore(%arg10 : memref<!tpu.dma_semaphore, #tpu.memory_space<semaphore_mem>>)
      %dma_start3A_42 = arith.constant 0 : i32
      %dma_start3A_43 = arith.constant 1 : i32
      %dma_start3A_44 = arith.constant 0 : i32
      %dma_start3A_45 = tpu.memref_slice %arg6[%dma_start3A_42, %dma_start3A_43, %dma_start3A_44] : memref<2x8x125xi32, #tpu.memory_space<vmem>> -> memref<1x1x125xi32, #tpu.memory_space<vmem>>
      %dma_start3A_46 = tpu.memref_squeeze %dma_start3A_45 : memref<1x1x125xi32, #tpu.memory_space<vmem>> -> memref<125xi32, #tpu.memory_space<vmem>>
      %dma_start3A_47 = arith.constant 0 : i32
      %dma_start3A_48 = arith.constant 0 : i32
      %dma_start3A_49 = tpu.memref_slice %arg2[%dma_start3A_47, %dma_start3A_48] : memref<10000x128xf32, #tpu.memory_space<hbm>> -> memref<10000x128xf32, #tpu.memory_space<hbm>>
      tpu.enqueue_indirect_dma source(%dma_start3A_49 : memref<10000x128xf32, #tpu.memory_space<hbm>>) target(%arg9 : memref<125x128xf32, #tpu.memory_space<vmem>>) offsets(%dma_start3A_46 : memref<125xi32, #tpu.memory_space<vmem>>) semaphore(%arg11 : memref<!tpu.dma_semaphore, #tpu.memory_space<semaphore_mem>>)
      %dma_wait3A = arith.constant 0 : i32
      %dma_wait3A_50 = arith.constant 0 : i32
      %dma_wait3A_51 = arith.constant 0 : i32
      %dma_wait3A_52 = tpu.memref_slice %arg6[%dma_wait3A, %dma_wait3A_50, %dma_wait3A_51] : memref<2x8x125xi32, #tpu.memory_space<vmem>> -> memref<1x1x125xi32, #tpu.memory_space<vmem>>
      %dma_wait3A_53 = tpu.memref_squeeze %dma_wait3A_52 : memref<1x1x125xi32, #tpu.memory_space<vmem>> -> memref<125xi32, #tpu.memory_space<vmem>>
      %dma_wait3A_54 = arith.constant 0 : i32
      %dma_wait3A_55 = arith.constant 0 : i32
      %dma_wait3A_56 = tpu.memref_slice %arg2[%dma_wait3A_54, %dma_wait3A_55] : memref<10000x128xf32, #tpu.memory_space<hbm>> -> memref<10000x128xf32, #tpu.memory_space<hbm>>
      tpu.wait_indirect_dma semaphore(%arg10 : memref<!tpu.dma_semaphore, #tpu.memory_space<semaphore_mem>>) src(%dma_wait3A_56 : memref<10000x128xf32, #tpu.memory_space<hbm>>) dst(%arg8 : memref<125x128xf32, #tpu.memory_space<vmem>>)
      %run_scoped3A_57 = arith.constant 1 : i32
      %run_scoped3A_58 = arith.constant 0 : i32
      "tpu.region"() ({
        %run_scoped3A_346 = tpu.sem_alloc : memref<!tpu.dma_semaphore, #tpu.memory_space<semaphore_mem>>
        %dma_start3A_347 = arith.constant 0 : i32
        %dma_start3A_348 = tpu.memref_slice %arg6[%run_scoped3A_57, %run_scoped3A_58, %dma_start3A_347] : memref<2x8x125xi32, #tpu.memory_space<vmem>> -> memref<1x1x125xi32, #tpu.memory_space<vmem>>
        %dma_start3A_349 = tpu.memref_squeeze %dma_start3A_348 : memref<1x1x125xi32, #tpu.memory_space<vmem>> -> memref<125xi32, #tpu.memory_space<vmem>>
        %dma_start3A_350 = arith.constant 0 : i32
        %dma_start3A_351 = arith.constant 0 : i32
        %dma_start3A_352 = tpu.memref_slice %arg14[%dma_start3A_350, %dma_start3A_351] : memref<10000x128xf32, #tpu.memory_space<vmem_shared>> -> memref<10000x128xf32, #tpu.memory_space<vmem_shared>>
        tpu.enqueue_indirect_dma source(%arg8 : memref<125x128xf32, #tpu.memory_space<vmem>>) target(%dma_start3A_352 : memref<10000x128xf32, #tpu.memory_space<vmem_shared>>) offsets(%dma_start3A_349 : memref<125xi32, #tpu.memory_space<vmem>>) semaphore(%run_scoped3A_346 : memref<!tpu.dma_semaphore, #tpu.memory_space<semaphore_mem>>) {add = true}
        %dma_wait3A_353 = arith.constant 0 : i32
        %dma_wait3A_354 = tpu.memref_slice %arg6[%run_scoped3A_57, %run_scoped3A_58, %dma_wait3A_353] : memref<2x8x125xi32, #tpu.memory_space<vmem>> -> memref<1x1x125xi32, #tpu.memory_space<vmem>>
        %dma_wait3A_355 = tpu.memref_squeeze %dma_wait3A_354 : memref<1x1x125xi32, #tpu.memory_space<vmem>> -> memref<125xi32, #tpu.memory_space<vmem>>
        %dma_wait3A_356 = arith.constant 0 : i32
        %dma_wait3A_357 = arith.constant 0 : i32
        %dma_wait3A_358 = tpu.memref_slice %arg14[%dma_wait3A_356, %dma_wait3A_357] : memref<10000x128xf32, #tpu.memory_space<vmem_shared>> -> memref<10000x128xf32, #tpu.memory_space<vmem_shared>>
        tpu.wait_indirect_dma semaphore(%run_scoped3A_346 : memref<!tpu.dma_semaphore, #tpu.memory_space<semaphore_mem>>) src(%arg8 : memref<125x128xf32, #tpu.memory_space<vmem>>) dst(%dma_wait3A_358 : memref<10000x128xf32, #tpu.memory_space<vmem_shared>>)
        tpu.yield
      }) : () -> ()
      %dma_start3A_59 = arith.constant 0 : i32
      %dma_start3A_60 = arith.constant 2 : i32
      %dma_start3A_61 = arith.constant 0 : i32
      %dma_start3A_62 = tpu.memref_slice %arg6[%dma_start3A_59, %dma_start3A_60, %dma_start3A_61] : memref<2x8x125xi32, #tpu.memory_space<vmem>> -> memref<1x1x125xi32, #tpu.memory_space<vmem>>
      %dma_start3A_63 = tpu.memref_squeeze %dma_start3A_62 : memref<1x1x125xi32, #tpu.memory_space<vmem>> -> memref<125xi32, #tpu.memory_space<vmem>>
      %dma_start3A_64 = arith.constant 0 : i32
      %dma_start3A_65 = arith.constant 0 : i32
      %dma_start3A_66 = tpu.memref_slice %arg2[%dma_start3A_64, %dma_start3A_65] : memref<10000x128xf32, #tpu.memory_space<hbm>> -> memref<10000x128xf32, #tpu.memory_space<hbm>>
      tpu.enqueue_indirect_dma source(%dma_start3A_66 : memref<10000x128xf32, #tpu.memory_space<hbm>>) target(%arg8 : memref<125x128xf32, #tpu.memory_space<vmem>>) offsets(%dma_start3A_63 : memref<125xi32, #tpu.memory_space<vmem>>) semaphore(%arg10 : memref<!tpu.dma_semaphore, #tpu.memory_space<semaphore_mem>>)
      %dma_wait3A_67 = arith.constant 0 : i32
      %dma_wait3A_68 = arith.constant 1 : i32
      %dma_wait3A_69 = arith.constant 0 : i32
      %dma_wait3A_70 = tpu.memref_slice %arg6[%dma_wait3A_67, %dma_wait3A_68, %dma_wait3A_69] : memref<2x8x125xi32, #tpu.memory_space<vmem>> -> memref<1x1x125xi32, #tpu.memory_space<vmem>>
      %dma_wait3A_71 = tpu.memref_squeeze %dma_wait3A_70 : memref<1x1x125xi32, #tpu.memory_space<vmem>> -> memref<125xi32, #tpu.memory_space<vmem>>
      %dma_wait3A_72 = arith.constant 0 : i32
      %dma_wait3A_73 = arith.constant 0 : i32
      %dma_wait3A_74 = tpu.memref_slice %arg2[%dma_wait3A_72, %dma_wait3A_73] : memref<10000x128xf32, #tpu.memory_space<hbm>> -> memref<10000x128xf32, #tpu.memory_space<hbm>>
      tpu.wait_indirect_dma semaphore(%arg11 : memref<!tpu.dma_semaphore, #tpu.memory_space<semaphore_mem>>) src(%dma_wait3A_74 : memref<10000x128xf32, #tpu.memory_space<hbm>>) dst(%arg9 : memref<125x128xf32, #tpu.memory_space<vmem>>)
      %run_scoped3A_75 = arith.constant 1 : i32
      %run_scoped3A_76 = arith.constant 1 : i32
      "tpu.region"() ({
        %run_scoped3A_346 = tpu.sem_alloc : memref<!tpu.dma_semaphore, #tpu.memory_space<semaphore_mem>>
        %dma_start3A_347 = arith.constant 0 : i32
        %dma_start3A_348 = tpu.memref_slice %arg6[%run_scoped3A_75, %run_scoped3A_76, %dma_start3A_347] : memref<2x8x125xi32, #tpu.memory_space<vmem>> -> memref<1x1x125xi32, #tpu.memory_space<vmem>>
        %dma_start3A_349 = tpu.memref_squeeze %dma_start3A_348 : memref<1x1x125xi32, #tpu.memory_space<vmem>> -> memref<125xi32, #tpu.memory_space<vmem>>
        %dma_start3A_350 = arith.constant 0 : i32
        %dma_start3A_351 = arith.constant 0 : i32
        %dma_start3A_352 = tpu.memref_slice %arg14[%dma_start3A_350, %dma_start3A_351] : memref<10000x128xf32, #tpu.memory_space<vmem_shared>> -> memref<10000x128xf32, #tpu.memory_space<vmem_shared>>
        tpu.enqueue_indirect_dma source(%arg9 : memref<125x128xf32, #tpu.memory_space<vmem>>) target(%dma_start3A_352 : memref<10000x128xf32, #tpu.memory_space<vmem_shared>>) offsets(%dma_start3A_349 : memref<125xi32, #tpu.memory_space<vmem>>) semaphore(%run_scoped3A_346 : memref<!tpu.dma_semaphore, #tpu.memory_space<semaphore_mem>>) {add = true}
        %dma_wait3A_353 = arith.constant 0 : i32
        %dma_wait3A_354 = tpu.memref_slice %arg6[%run_scoped3A_75, %run_scoped3A_76, %dma_wait3A_353] : memref<2x8x125xi32, #tpu.memory_space<vmem>> -> memref<1x1x125xi32, #tpu.memory_space<vmem>>
        %dma_wait3A_355 = tpu.memref_squeeze %dma_wait3A_354 : memref<1x1x125xi32, #tpu.memory_space<vmem>> -> memref<125xi32, #tpu.memory_space<vmem>>
        %dma_wait3A_356 = arith.constant 0 : i32
        %dma_wait3A_357 = arith.constant 0 : i32
        %dma_wait3A_358 = tpu.memref_slice %arg14[%dma_wait3A_356, %dma_wait3A_357] : memref<10000x128xf32, #tpu.memory_space<vmem_shared>> -> memref<10000x128xf32, #tpu.memory_space<vmem_shared>>
        tpu.wait_indirect_dma semaphore(%run_scoped3A_346 : memref<!tpu.dma_semaphore, #tpu.memory_space<semaphore_mem>>) src(%arg9 : memref<125x128xf32, #tpu.memory_space<vmem>>) dst(%dma_wait3A_358 : memref<10000x128xf32, #tpu.memory_space<vmem_shared>>)
        tpu.yield
      }) : () -> ()
      %dma_start3A_77 = arith.constant 0 : i32
      %dma_start3A_78 = arith.constant 3 : i32
      %dma_start3A_79 = arith.constant 0 : i32
      %dma_start3A_80 = tpu.memref_slice %arg6[%dma_start3A_77, %dma_start3A_78, %dma_start3A_79] : memref<2x8x125xi32, #tpu.memory_space<vmem>> -> memref<1x1x125xi32, #tpu.memory_space<vmem>>
      %dma_start3A_81 = tpu.memref_squeeze %dma_start3A_80 : memref<1x1x125xi32, #tpu.memory_space<vmem>> -> memref<125xi32, #tpu.memory_space<vmem>>
      %dma_start3A_82 = arith.constant 0 : i32
      %dma_start3A_83 = arith.constant 0 : i32
      %dma_start3A_84 = tpu.memref_slice %arg2[%dma_start3A_82, %dma_start3A_83] : memref<10000x128xf32, #tpu.memory_space<hbm>> -> memref<10000x128xf32, #tpu.memory_space<hbm>>
      tpu.enqueue_indirect_dma source(%dma_start3A_84 : memref<10000x128xf32, #tpu.memory_space<hbm>>) target(%arg9 : memref<125x128xf32, #tpu.memory_space<vmem>>) offsets(%dma_start3A_81 : memref<125xi32, #tpu.memory_space<vmem>>) semaphore(%arg11 : memref<!tpu.dma_semaphore, #tpu.memory_space<semaphore_mem>>)
      %dma_wait3A_85 = arith.constant 0 : i32
      %dma_wait3A_86 = arith.constant 2 : i32
      %dma_wait3A_87 = arith.constant 0 : i32
      %dma_wait3A_88 = tpu.memref_slice %arg6[%dma_wait3A_85, %dma_wait3A_86, %dma_wait3A_87] : memref<2x8x125xi32, #tpu.memory_space<vmem>> -> memref<1x1x125xi32, #tpu.memory_space<vmem>>
      %dma_wait3A_89 = tpu.memref_squeeze %dma_wait3A_88 : memref<1x1x125xi32, #tpu.memory_space<vmem>> -> memref<125xi32, #tpu.memory_space<vmem>>
      %dma_wait3A_90 = arith.constant 0 : i32
      %dma_wait3A_91 = arith.constant 0 : i32
      %dma_wait3A_92 = tpu.memref_slice %arg2[%dma_wait3A_90, %dma_wait3A_91] : memref<10000x128xf32, #tpu.memory_space<hbm>> -> memref<10000x128xf32, #tpu.memory_space<hbm>>
      tpu.wait_indirect_dma semaphore(%arg10 : memref<!tpu.dma_semaphore, #tpu.memory_space<semaphore_mem>>) src(%dma_wait3A_92 : memref<10000x128xf32, #tpu.memory_space<hbm>>) dst(%arg8 : memref<125x128xf32, #tpu.memory_space<vmem>>)
      %run_scoped3A_93 = arith.constant 1 : i32
      %run_scoped3A_94 = arith.constant 2 : i32
      "tpu.region"() ({
        %run_scoped3A_346 = tpu.sem_alloc : memref<!tpu.dma_semaphore, #tpu.memory_space<semaphore_mem>>
        %dma_start3A_347 = arith.constant 0 : i32
        %dma_start3A_348 = tpu.memref_slice %arg6[%run_scoped3A_93, %run_scoped3A_94, %dma_start3A_347] : memref<2x8x125xi32, #tpu.memory_space<vmem>> -> memref<1x1x125xi32, #tpu.memory_space<vmem>>
        %dma_start3A_349 = tpu.memref_squeeze %dma_start3A_348 : memref<1x1x125xi32, #tpu.memory_space<vmem>> -> memref<125xi32, #tpu.memory_space<vmem>>
        %dma_start3A_350 = arith.constant 0 : i32
        %dma_start3A_351 = arith.constant 0 : i32
        %dma_start3A_352 = tpu.memref_slice %arg14[%dma_start3A_350, %dma_start3A_351] : memref<10000x128xf32, #tpu.memory_space<vmem_shared>> -> memref<10000x128xf32, #tpu.memory_space<vmem_shared>>
        tpu.enqueue_indirect_dma source(%arg8 : memref<125x128xf32, #tpu.memory_space<vmem>>) target(%dma_start3A_352 : memref<10000x128xf32, #tpu.memory_space<vmem_shared>>) offsets(%dma_start3A_349 : memref<125xi32, #tpu.memory_space<vmem>>) semaphore(%run_scoped3A_346 : memref<!tpu.dma_semaphore, #tpu.memory_space<semaphore_mem>>) {add = true}
        %dma_wait3A_353 = arith.constant 0 : i32
        %dma_wait3A_354 = tpu.memref_slice %arg6[%run_scoped3A_93, %run_scoped3A_94, %dma_wait3A_353] : memref<2x8x125xi32, #tpu.memory_space<vmem>> -> memref<1x1x125xi32, #tpu.memory_space<vmem>>
        %dma_wait3A_355 = tpu.memref_squeeze %dma_wait3A_354 : memref<1x1x125xi32, #tpu.memory_space<vmem>> -> memref<125xi32, #tpu.memory_space<vmem>>
        %dma_wait3A_356 = arith.constant 0 : i32
        %dma_wait3A_357 = arith.constant 0 : i32
        %dma_wait3A_358 = tpu.memref_slice %arg14[%dma_wait3A_356, %dma_wait3A_357] : memref<10000x128xf32, #tpu.memory_space<vmem_shared>> -> memref<10000x128xf32, #tpu.memory_space<vmem_shared>>
        tpu.wait_indirect_dma semaphore(%run_scoped3A_346 : memref<!tpu.dma_semaphore, #tpu.memory_space<semaphore_mem>>) src(%arg8 : memref<125x128xf32, #tpu.memory_space<vmem>>) dst(%dma_wait3A_358 : memref<10000x128xf32, #tpu.memory_space<vmem_shared>>)
        tpu.yield
      }) : () -> ()
      %dma_start3A_95 = arith.constant 0 : i32
      %dma_start3A_96 = arith.constant 4 : i32
      %dma_start3A_97 = arith.constant 0 : i32
      %dma_start3A_98 = tpu.memref_slice %arg6[%dma_start3A_95, %dma_start3A_96, %dma_start3A_97] : memref<2x8x125xi32, #tpu.memory_space<vmem>> -> memref<1x1x125xi32, #tpu.memory_space<vmem>>
      %dma_start3A_99 = tpu.memref_squeeze %dma_start3A_98 : memref<1x1x125xi32, #tpu.memory_space<vmem>> -> memref<125xi32, #tpu.memory_space<vmem>>
      %dma_start3A_100 = arith.constant 0 : i32
      %dma_start3A_101 = arith.constant 0 : i32
      %dma_start3A_102 = tpu.memref_slice %arg2[%dma_start3A_100, %dma_start3A_101] : memref<10000x128xf32, #tpu.memory_space<hbm>> -> memref<10000x128xf32, #tpu.memory_space<hbm>>
      tpu.enqueue_indirect_dma source(%dma_start3A_102 : memref<10000x128xf32, #tpu.memory_space<hbm>>) target(%arg8 : memref<125x128xf32, #tpu.memory_space<vmem>>) offsets(%dma_start3A_99 : memref<125xi32, #tpu.memory_space<vmem>>) semaphore(%arg10 : memref<!tpu.dma_semaphore, #tpu.memory_space<semaphore_mem>>)
      %dma_wait3A_103 = arith.constant 0 : i32
      %dma_wait3A_104 = arith.constant 3 : i32
      %dma_wait3A_105 = arith.constant 0 : i32
      %dma_wait3A_106 = tpu.memref_slice %arg6[%dma_wait3A_103, %dma_wait3A_104, %dma_wait3A_105] : memref<2x8x125xi32, #tpu.memory_space<vmem>> -> memref<1x1x125xi32, #tpu.memory_space<vmem>>
      %dma_wait3A_107 = tpu.memref_squeeze %dma_wait3A_106 : memref<1x1x125xi32, #tpu.memory_space<vmem>> -> memref<125xi32, #tpu.memory_space<vmem>>
      %dma_wait3A_108 = arith.constant 0 : i32
      %dma_wait3A_109 = arith.constant 0 : i32
      %dma_wait3A_110 = tpu.memref_slice %arg2[%dma_wait3A_108, %dma_wait3A_109] : memref<10000x128xf32, #tpu.memory_space<hbm>> -> memref<10000x128xf32, #tpu.memory_space<hbm>>
      tpu.wait_indirect_dma semaphore(%arg11 : memref<!tpu.dma_semaphore, #tpu.memory_space<semaphore_mem>>) src(%dma_wait3A_110 : memref<10000x128xf32, #tpu.memory_space<hbm>>) dst(%arg9 : memref<125x128xf32, #tpu.memory_space<vmem>>)
      %run_scoped3A_111 = arith.constant 1 : i32
      %run_scoped3A_112 = arith.constant 3 : i32
      "tpu.region"() ({
        %run_scoped3A_346 = tpu.sem_alloc : memref<!tpu.dma_semaphore, #tpu.memory_space<semaphore_mem>>
        %dma_start3A_347 = arith.constant 0 : i32
        %dma_start3A_348 = tpu.memref_slice %arg6[%run_scoped3A_111, %run_scoped3A_112, %dma_start3A_347] : memref<2x8x125xi32, #tpu.memory_space<vmem>> -> memref<1x1x125xi32, #tpu.memory_space<vmem>>
        %dma_start3A_349 = tpu.memref_squeeze %dma_start3A_348 : memref<1x1x125xi32, #tpu.memory_space<vmem>> -> memref<125xi32, #tpu.memory_space<vmem>>
        %dma_start3A_350 = arith.constant 0 : i32
        %dma_start3A_351 = arith.constant 0 : i32
        %dma_start3A_352 = tpu.memref_slice %arg14[%dma_start3A_350, %dma_start3A_351] : memref<10000x128xf32, #tpu.memory_space<vmem_shared>> -> memref<10000x128xf32, #tpu.memory_space<vmem_shared>>
        tpu.enqueue_indirect_dma source(%arg9 : memref<125x128xf32, #tpu.memory_space<vmem>>) target(%dma_start3A_352 : memref<10000x128xf32, #tpu.memory_space<vmem_shared>>) offsets(%dma_start3A_349 : memref<125xi32, #tpu.memory_space<vmem>>) semaphore(%run_scoped3A_346 : memref<!tpu.dma_semaphore, #tpu.memory_space<semaphore_mem>>) {add = true}
        %dma_wait3A_353 = arith.constant 0 : i32
        %dma_wait3A_354 = tpu.memref_slice %arg6[%run_scoped3A_111, %run_scoped3A_112, %dma_wait3A_353] : memref<2x8x125xi32, #tpu.memory_space<vmem>> -> memref<1x1x125xi32, #tpu.memory_space<vmem>>
        %dma_wait3A_355 = tpu.memref_squeeze %dma_wait3A_354 : memref<1x1x125xi32, #tpu.memory_space<vmem>> -> memref<125xi32, #tpu.memory_space<vmem>>
        %dma_wait3A_356 = arith.constant 0 : i32
        %dma_wait3A_357 = arith.constant 0 : i32
        %dma_wait3A_358 = tpu.memref_slice %arg14[%dma_wait3A_356, %dma_wait3A_357] : memref<10000x128xf32, #tpu.memory_space<vmem_shared>> -> memref<10000x128xf32, #tpu.memory_space<vmem_shared>>
        tpu.wait_indirect_dma semaphore(%run_scoped3A_346 : memref<!tpu.dma_semaphore, #tpu.memory_space<semaphore_mem>>) src(%arg9 : memref<125x128xf32, #tpu.memory_space<vmem>>) dst(%dma_wait3A_358 : memref<10000x128xf32, #tpu.memory_space<vmem_shared>>)
        tpu.yield
      }) : () -> ()
      %dma_start3A_113 = arith.constant 0 : i32
      %dma_start3A_114 = arith.constant 5 : i32
      %dma_start3A_115 = arith.constant 0 : i32
      %dma_start3A_116 = tpu.memref_slice %arg6[%dma_start3A_113, %dma_start3A_114, %dma_start3A_115] : memref<2x8x125xi32, #tpu.memory_space<vmem>> -> memref<1x1x125xi32, #tpu.memory_space<vmem>>
      %dma_start3A_117 = tpu.memref_squeeze %dma_start3A_116 : memref<1x1x125xi32, #tpu.memory_space<vmem>> -> memref<125xi32, #tpu.memory_space<vmem>>
      %dma_start3A_118 = arith.constant 0 : i32
      %dma_start3A_119 = arith.constant 0 : i32
      %dma_start3A_120 = tpu.memref_slice %arg2[%dma_start3A_118, %dma_start3A_119] : memref<10000x128xf32, #tpu.memory_space<hbm>> -> memref<10000x128xf32, #tpu.memory_space<hbm>>
      tpu.enqueue_indirect_dma source(%dma_start3A_120 : memref<10000x128xf32, #tpu.memory_space<hbm>>) target(%arg9 : memref<125x128xf32, #tpu.memory_space<vmem>>) offsets(%dma_start3A_117 : memref<125xi32, #tpu.memory_space<vmem>>) semaphore(%arg11 : memref<!tpu.dma_semaphore, #tpu.memory_space<semaphore_mem>>)
      %dma_wait3A_121 = arith.constant 0 : i32
      %dma_wait3A_122 = arith.constant 4 : i32
      %dma_wait3A_123 = arith.constant 0 : i32
      %dma_wait3A_124 = tpu.memref_slice %arg6[%dma_wait3A_121, %dma_wait3A_122, %dma_wait3A_123] : memref<2x8x125xi32, #tpu.memory_space<vmem>> -> memref<1x1x125xi32, #tpu.memory_space<vmem>>
      %dma_wait3A_125 = tpu.memref_squeeze %dma_wait3A_124 : memref<1x1x125xi32, #tpu.memory_space<vmem>> -> memref<125xi32, #tpu.memory_space<vmem>>
      %dma_wait3A_126 = arith.constant 0 : i32
      %dma_wait3A_127 = arith.constant 0 : i32
      %dma_wait3A_128 = tpu.memref_slice %arg2[%dma_wait3A_126, %dma_wait3A_127] : memref<10000x128xf32, #tpu.memory_space<hbm>> -> memref<10000x128xf32, #tpu.memory_space<hbm>>
      tpu.wait_indirect_dma semaphore(%arg10 : memref<!tpu.dma_semaphore, #tpu.memory_space<semaphore_mem>>) src(%dma_wait3A_128 : memref<10000x128xf32, #tpu.memory_space<hbm>>) dst(%arg8 : memref<125x128xf32, #tpu.memory_space<vmem>>)
      %run_scoped3A_129 = arith.constant 1 : i32
      %run_scoped3A_130 = arith.constant 4 : i32
      "tpu.region"() ({
        %run_scoped3A_346 = tpu.sem_alloc : memref<!tpu.dma_semaphore, #tpu.memory_space<semaphore_mem>>
        %dma_start3A_347 = arith.constant 0 : i32
        %dma_start3A_348 = tpu.memref_slice %arg6[%run_scoped3A_129, %run_scoped3A_130, %dma_start3A_347] : memref<2x8x125xi32, #tpu.memory_space<vmem>> -> memref<1x1x125xi32, #tpu.memory_space<vmem>>
        %dma_start3A_349 = tpu.memref_squeeze %dma_start3A_348 : memref<1x1x125xi32, #tpu.memory_space<vmem>> -> memref<125xi32, #tpu.memory_space<vmem>>
        %dma_start3A_350 = arith.constant 0 : i32
        %dma_start3A_351 = arith.constant 0 : i32
        %dma_start3A_352 = tpu.memref_slice %arg14[%dma_start3A_350, %dma_start3A_351] : memref<10000x128xf32, #tpu.memory_space<vmem_shared>> -> memref<10000x128xf32, #tpu.memory_space<vmem_shared>>
        tpu.enqueue_indirect_dma source(%arg8 : memref<125x128xf32, #tpu.memory_space<vmem>>) target(%dma_start3A_352 : memref<10000x128xf32, #tpu.memory_space<vmem_shared>>) offsets(%dma_start3A_349 : memref<125xi32, #tpu.memory_space<vmem>>) semaphore(%run_scoped3A_346 : memref<!tpu.dma_semaphore, #tpu.memory_space<semaphore_mem>>) {add = true}
        %dma_wait3A_353 = arith.constant 0 : i32
        %dma_wait3A_354 = tpu.memref_slice %arg6[%run_scoped3A_129, %run_scoped3A_130, %dma_wait3A_353] : memref<2x8x125xi32, #tpu.memory_space<vmem>> -> memref<1x1x125xi32, #tpu.memory_space<vmem>>
        %dma_wait3A_355 = tpu.memref_squeeze %dma_wait3A_354 : memref<1x1x125xi32, #tpu.memory_space<vmem>> -> memref<125xi32, #tpu.memory_space<vmem>>
        %dma_wait3A_356 = arith.constant 0 : i32
        %dma_wait3A_357 = arith.constant 0 : i32
        %dma_wait3A_358 = tpu.memref_slice %arg14[%dma_wait3A_356, %dma_wait3A_357] : memref<10000x128xf32, #tpu.memory_space<vmem_shared>> -> memref<10000x128xf32, #tpu.memory_space<vmem_shared>>
        tpu.wait_indirect_dma semaphore(%run_scoped3A_346 : memref<!tpu.dma_semaphore, #tpu.memory_space<semaphore_mem>>) src(%arg8 : memref<125x128xf32, #tpu.memory_space<vmem>>) dst(%dma_wait3A_358 : memref<10000x128xf32, #tpu.memory_space<vmem_shared>>)
        tpu.yield
      }) : () -> ()
      %dma_start3A_131 = arith.constant 0 : i32
      %dma_start3A_132 = arith.constant 6 : i32
      %dma_start3A_133 = arith.constant 0 : i32
      %dma_start3A_134 = tpu.memref_slice %arg6[%dma_start3A_131, %dma_start3A_132, %dma_start3A_133] : memref<2x8x125xi32, #tpu.memory_space<vmem>> -> memref<1x1x125xi32, #tpu.memory_space<vmem>>
      %dma_start3A_135 = tpu.memref_squeeze %dma_start3A_134 : memref<1x1x125xi32, #tpu.memory_space<vmem>> -> memref<125xi32, #tpu.memory_space<vmem>>
      %dma_start3A_136 = arith.constant 0 : i32
      %dma_start3A_137 = arith.constant 0 : i32
      %dma_start3A_138 = tpu.memref_slice %arg2[%dma_start3A_136, %dma_start3A_137] : memref<10000x128xf32, #tpu.memory_space<hbm>> -> memref<10000x128xf32, #tpu.memory_space<hbm>>
      tpu.enqueue_indirect_dma source(%dma_start3A_138 : memref<10000x128xf32, #tpu.memory_space<hbm>>) target(%arg8 : memref<125x128xf32, #tpu.memory_space<vmem>>) offsets(%dma_start3A_135 : memref<125xi32, #tpu.memory_space<vmem>>) semaphore(%arg10 : memref<!tpu.dma_semaphore, #tpu.memory_space<semaphore_mem>>)
      %dma_wait3A_139 = arith.constant 0 : i32
      %dma_wait3A_140 = arith.constant 5 : i32
      %dma_wait3A_141 = arith.constant 0 : i32
      %dma_wait3A_142 = tpu.memref_slice %arg6[%dma_wait3A_139, %dma_wait3A_140, %dma_wait3A_141] : memref<2x8x125xi32, #tpu.memory_space<vmem>> -> memref<1x1x125xi32, #tpu.memory_space<vmem>>
      %dma_wait3A_143 = tpu.memref_squeeze %dma_wait3A_142 : memref<1x1x125xi32, #tpu.memory_space<vmem>> -> memref<125xi32, #tpu.memory_space<vmem>>
      %dma_wait3A_144 = arith.constant 0 : i32
      %dma_wait3A_145 = arith.constant 0 : i32
      %dma_wait3A_146 = tpu.memref_slice %arg2[%dma_wait3A_144, %dma_wait3A_145] : memref<10000x128xf32, #tpu.memory_space<hbm>> -> memref<10000x128xf32, #tpu.memory_space<hbm>>
      tpu.wait_indirect_dma semaphore(%arg11 : memref<!tpu.dma_semaphore, #tpu.memory_space<semaphore_mem>>) src(%dma_wait3A_146 : memref<10000x128xf32, #tpu.memory_space<hbm>>) dst(%arg9 : memref<125x128xf32, #tpu.memory_space<vmem>>)
      %run_scoped3A_147 = arith.constant 1 : i32
      %run_scoped3A_148 = arith.constant 5 : i32
      "tpu.region"() ({
        %run_scoped3A_346 = tpu.sem_alloc : memref<!tpu.dma_semaphore, #tpu.memory_space<semaphore_mem>>
        %dma_start3A_347 = arith.constant 0 : i32
        %dma_start3A_348 = tpu.memref_slice %arg6[%run_scoped3A_147, %run_scoped3A_148, %dma_start3A_347] : memref<2x8x125xi32, #tpu.memory_space<vmem>> -> memref<1x1x125xi32, #tpu.memory_space<vmem>>
        %dma_start3A_349 = tpu.memref_squeeze %dma_start3A_348 : memref<1x1x125xi32, #tpu.memory_space<vmem>> -> memref<125xi32, #tpu.memory_space<vmem>>
        %dma_start3A_350 = arith.constant 0 : i32
        %dma_start3A_351 = arith.constant 0 : i32
        %dma_start3A_352 = tpu.memref_slice %arg14[%dma_start3A_350, %dma_start3A_351] : memref<10000x128xf32, #tpu.memory_space<vmem_shared>> -> memref<10000x128xf32, #tpu.memory_space<vmem_shared>>
        tpu.enqueue_indirect_dma source(%arg9 : memref<125x128xf32, #tpu.memory_space<vmem>>) target(%dma_start3A_352 : memref<10000x128xf32, #tpu.memory_space<vmem_shared>>) offsets(%dma_start3A_349 : memref<125xi32, #tpu.memory_space<vmem>>) semaphore(%run_scoped3A_346 : memref<!tpu.dma_semaphore, #tpu.memory_space<semaphore_mem>>) {add = true}
        %dma_wait3A_353 = arith.constant 0 : i32
        %dma_wait3A_354 = tpu.memref_slice %arg6[%run_scoped3A_147, %run_scoped3A_148, %dma_wait3A_353] : memref<2x8x125xi32, #tpu.memory_space<vmem>> -> memref<1x1x125xi32, #tpu.memory_space<vmem>>
        %dma_wait3A_355 = tpu.memref_squeeze %dma_wait3A_354 : memref<1x1x125xi32, #tpu.memory_space<vmem>> -> memref<125xi32, #tpu.memory_space<vmem>>
        %dma_wait3A_356 = arith.constant 0 : i32
        %dma_wait3A_357 = arith.constant 0 : i32
        %dma_wait3A_358 = tpu.memref_slice %arg14[%dma_wait3A_356, %dma_wait3A_357] : memref<10000x128xf32, #tpu.memory_space<vmem_shared>> -> memref<10000x128xf32, #tpu.memory_space<vmem_shared>>
        tpu.wait_indirect_dma semaphore(%run_scoped3A_346 : memref<!tpu.dma_semaphore, #tpu.memory_space<semaphore_mem>>) src(%arg9 : memref<125x128xf32, #tpu.memory_space<vmem>>) dst(%dma_wait3A_358 : memref<10000x128xf32, #tpu.memory_space<vmem_shared>>)
        tpu.yield
      }) : () -> ()
      %dma_start3A_149 = arith.constant 0 : i32
      %dma_start3A_150 = arith.constant 7 : i32
      %dma_start3A_151 = arith.constant 0 : i32
      %dma_start3A_152 = tpu.memref_slice %arg6[%dma_start3A_149, %dma_start3A_150, %dma_start3A_151] : memref<2x8x125xi32, #tpu.memory_space<vmem>> -> memref<1x1x125xi32, #tpu.memory_space<vmem>>
      %dma_start3A_153 = tpu.memref_squeeze %dma_start3A_152 : memref<1x1x125xi32, #tpu.memory_space<vmem>> -> memref<125xi32, #tpu.memory_space<vmem>>
      %dma_start3A_154 = arith.constant 0 : i32
      %dma_start3A_155 = arith.constant 0 : i32
      %dma_start3A_156 = tpu.memref_slice %arg2[%dma_start3A_154, %dma_start3A_155] : memref<10000x128xf32, #tpu.memory_space<hbm>> -> memref<10000x128xf32, #tpu.memory_space<hbm>>
      tpu.enqueue_indirect_dma source(%dma_start3A_156 : memref<10000x128xf32, #tpu.memory_space<hbm>>) target(%arg9 : memref<125x128xf32, #tpu.memory_space<vmem>>) offsets(%dma_start3A_153 : memref<125xi32, #tpu.memory_space<vmem>>) semaphore(%arg11 : memref<!tpu.dma_semaphore, #tpu.memory_space<semaphore_mem>>)
      %dma_wait3A_157 = arith.constant 0 : i32
      %dma_wait3A_158 = arith.constant 6 : i32
      %dma_wait3A_159 = arith.constant 0 : i32
      %dma_wait3A_160 = tpu.memref_slice %arg6[%dma_wait3A_157, %dma_wait3A_158, %dma_wait3A_159] : memref<2x8x125xi32, #tpu.memory_space<vmem>> -> memref<1x1x125xi32, #tpu.memory_space<vmem>>
      %dma_wait3A_161 = tpu.memref_squeeze %dma_wait3A_160 : memref<1x1x125xi32, #tpu.memory_space<vmem>> -> memref<125xi32, #tpu.memory_space<vmem>>
      %dma_wait3A_162 = arith.constant 0 : i32
      %dma_wait3A_163 = arith.constant 0 : i32
      %dma_wait3A_164 = tpu.memref_slice %arg2[%dma_wait3A_162, %dma_wait3A_163] : memref<10000x128xf32, #tpu.memory_space<hbm>> -> memref<10000x128xf32, #tpu.memory_space<hbm>>
      tpu.wait_indirect_dma semaphore(%arg10 : memref<!tpu.dma_semaphore, #tpu.memory_space<semaphore_mem>>) src(%dma_wait3A_164 : memref<10000x128xf32, #tpu.memory_space<hbm>>) dst(%arg8 : memref<125x128xf32, #tpu.memory_space<vmem>>)
      %run_scoped3A_165 = arith.constant 1 : i32
      %run_scoped3A_166 = arith.constant 6 : i32
      "tpu.region"() ({
        %run_scoped3A_346 = tpu.sem_alloc : memref<!tpu.dma_semaphore, #tpu.memory_space<semaphore_mem>>
        %dma_start3A_347 = arith.constant 0 : i32
        %dma_start3A_348 = tpu.memref_slice %arg6[%run_scoped3A_165, %run_scoped3A_166, %dma_start3A_347] : memref<2x8x125xi32, #tpu.memory_space<vmem>> -> memref<1x1x125xi32, #tpu.memory_space<vmem>>
        %dma_start3A_349 = tpu.memref_squeeze %dma_start3A_348 : memref<1x1x125xi32, #tpu.memory_space<vmem>> -> memref<125xi32, #tpu.memory_space<vmem>>
        %dma_start3A_350 = arith.constant 0 : i32
        %dma_start3A_351 = arith.constant 0 : i32
        %dma_start3A_352 = tpu.memref_slice %arg14[%dma_start3A_350, %dma_start3A_351] : memref<10000x128xf32, #tpu.memory_space<vmem_shared>> -> memref<10000x128xf32, #tpu.memory_space<vmem_shared>>
        tpu.enqueue_indirect_dma source(%arg8 : memref<125x128xf32, #tpu.memory_space<vmem>>) target(%dma_start3A_352 : memref<10000x128xf32, #tpu.memory_space<vmem_shared>>) offsets(%dma_start3A_349 : memref<125xi32, #tpu.memory_space<vmem>>) semaphore(%run_scoped3A_346 : memref<!tpu.dma_semaphore, #tpu.memory_space<semaphore_mem>>) {add = true}
        %dma_wait3A_353 = arith.constant 0 : i32
        %dma_wait3A_354 = tpu.memref_slice %arg6[%run_scoped3A_165, %run_scoped3A_166, %dma_wait3A_353] : memref<2x8x125xi32, #tpu.memory_space<vmem>> -> memref<1x1x125xi32, #tpu.memory_space<vmem>>
        %dma_wait3A_355 = tpu.memref_squeeze %dma_wait3A_354 : memref<1x1x125xi32, #tpu.memory_space<vmem>> -> memref<125xi32, #tpu.memory_space<vmem>>
        %dma_wait3A_356 = arith.constant 0 : i32
        %dma_wait3A_357 = arith.constant 0 : i32
        %dma_wait3A_358 = tpu.memref_slice %arg14[%dma_wait3A_356, %dma_wait3A_357] : memref<10000x128xf32, #tpu.memory_space<vmem_shared>> -> memref<10000x128xf32, #tpu.memory_space<vmem_shared>>
        tpu.wait_indirect_dma semaphore(%run_scoped3A_346 : memref<!tpu.dma_semaphore, #tpu.memory_space<semaphore_mem>>) src(%arg8 : memref<125x128xf32, #tpu.memory_space<vmem>>) dst(%dma_wait3A_358 : memref<10000x128xf32, #tpu.memory_space<vmem_shared>>)
        tpu.yield
      }) : () -> ()
      %dma_wait3A_167 = arith.constant 0 : i32
      %dma_wait3A_168 = arith.constant 7 : i32
      %dma_wait3A_169 = arith.constant 0 : i32
      %dma_wait3A_170 = tpu.memref_slice %arg6[%dma_wait3A_167, %dma_wait3A_168, %dma_wait3A_169] : memref<2x8x125xi32, #tpu.memory_space<vmem>> -> memref<1x1x125xi32, #tpu.memory_space<vmem>>
      %dma_wait3A_171 = tpu.memref_squeeze %dma_wait3A_170 : memref<1x1x125xi32, #tpu.memory_space<vmem>> -> memref<125xi32, #tpu.memory_space<vmem>>
      %dma_wait3A_172 = arith.constant 0 : i32
      %dma_wait3A_173 = arith.constant 0 : i32
      %dma_wait3A_174 = tpu.memref_slice %arg2[%dma_wait3A_172, %dma_wait3A_173] : memref<10000x128xf32, #tpu.memory_space<hbm>> -> memref<10000x128xf32, #tpu.memory_space<hbm>>
      tpu.wait_indirect_dma semaphore(%arg11 : memref<!tpu.dma_semaphore, #tpu.memory_space<semaphore_mem>>) src(%dma_wait3A_174 : memref<10000x128xf32, #tpu.memory_space<hbm>>) dst(%arg9 : memref<125x128xf32, #tpu.memory_space<vmem>>)
      %run_scoped3A_175 = arith.constant 1 : i32
      %run_scoped3A_176 = arith.constant 7 : i32
      "tpu.region"() ({
        %run_scoped3A_346 = tpu.sem_alloc : memref<!tpu.dma_semaphore, #tpu.memory_space<semaphore_mem>>
        %dma_start3A_347 = arith.constant 0 : i32
        %dma_start3A_348 = tpu.memref_slice %arg6[%run_scoped3A_175, %run_scoped3A_176, %dma_start3A_347] : memref<2x8x125xi32, #tpu.memory_space<vmem>> -> memref<1x1x125xi32, #tpu.memory_space<vmem>>
        %dma_start3A_349 = tpu.memref_squeeze %dma_start3A_348 : memref<1x1x125xi32, #tpu.memory_space<vmem>> -> memref<125xi32, #tpu.memory_space<vmem>>
        %dma_start3A_350 = arith.constant 0 : i32
        %dma_start3A_351 = arith.constant 0 : i32
        %dma_start3A_352 = tpu.memref_slice %arg14[%dma_start3A_350, %dma_start3A_351] : memref<10000x128xf32, #tpu.memory_space<vmem_shared>> -> memref<10000x128xf32, #tpu.memory_space<vmem_shared>>
        tpu.enqueue_indirect_dma source(%arg9 : memref<125x128xf32, #tpu.memory_space<vmem>>) target(%dma_start3A_352 : memref<10000x128xf32, #tpu.memory_space<vmem_shared>>) offsets(%dma_start3A_349 : memref<125xi32, #tpu.memory_space<vmem>>) semaphore(%run_scoped3A_346 : memref<!tpu.dma_semaphore, #tpu.memory_space<semaphore_mem>>) {add = true}
        %dma_wait3A_353 = arith.constant 0 : i32
        %dma_wait3A_354 = tpu.memref_slice %arg6[%run_scoped3A_175, %run_scoped3A_176, %dma_wait3A_353] : memref<2x8x125xi32, #tpu.memory_space<vmem>> -> memref<1x1x125xi32, #tpu.memory_space<vmem>>
        %dma_wait3A_355 = tpu.memref_squeeze %dma_wait3A_354 : memref<1x1x125xi32, #tpu.memory_space<vmem>> -> memref<125xi32, #tpu.memory_space<vmem>>
        %dma_wait3A_356 = arith.constant 0 : i32
        %dma_wait3A_357 = arith.constant 0 : i32
        %dma_wait3A_358 = tpu.memref_slice %arg14[%dma_wait3A_356, %dma_wait3A_357] : memref<10000x128xf32, #tpu.memory_space<vmem_shared>> -> memref<10000x128xf32, #tpu.memory_space<vmem_shared>>
        tpu.wait_indirect_dma semaphore(%run_scoped3A_346 : memref<!tpu.dma_semaphore, #tpu.memory_space<semaphore_mem>>) src(%arg9 : memref<125x128xf32, #tpu.memory_space<vmem>>) dst(%dma_wait3A_358 : memref<10000x128xf32, #tpu.memory_space<vmem_shared>>)
        tpu.yield
      }) : () -> ()
      %add3A_177 = arith.constant 2 : i32
      %add3A_178 = arith.addi %mul3A_22, %add3A_177 : i32
      %lt3A = arith.constant 10 : i32
      %lt3A_179 = arith.cmpi slt, %add3A_178, %lt3A : i32
      %convert_element_type3A_180 = arith.extui %lt3A_179 : i1 to i32
      %cond3A_181 = arith.constant 0 : i32
      %cond3A_182 = arith.cmpi ne, %convert_element_type3A_180, %cond3A_181 : i32
      scf.if %cond3A_182 {
        %add3A_346 = arith.constant 2 : i32
        %add3A_347 = arith.addi %mul3A_22, %add3A_346 : i32
        %dma_start3A_348 = arith.constant 0 : i32
        %dma_start3A_349 = arith.constant 0 : i32
        %dma_start3A_350 = arith.constant 0 : i32
        %dma_start3A_351 = tpu.memref_slice %arg3[%add3A, %add3A_347, %dma_start3A_348, %dma_start3A_349, %dma_start3A_350] : memref<32x10x2x8x125xi32, #tpu.memory_space<hbm>> -> memref<1x1x2x8x125xi32, #tpu.memory_space<hbm>>
        %dma_start3A_352 = tpu.memref_squeeze %dma_start3A_351 : memref<1x1x2x8x125xi32, #tpu.memory_space<hbm>> -> memref<2x8x125xi32, #tpu.memory_space<hbm>>
        %dma_start3A_353 = arith.constant 0 : i32
        %dma_start3A_354 = arith.constant 0 : i32
        %dma_start3A_355 = arith.constant 0 : i32
        %dma_start3A_356 = tpu.memref_slice %arg3[%add3A, %add3A_347, %dma_start3A_353, %dma_start3A_354, %dma_start3A_355] : memref<32x10x2x8x125xi32, #tpu.memory_space<hbm>> -> memref<1x1x2x8x125xi32, #tpu.memory_space<hbm>>
        %dma_start3A_357 = tpu.memref_squeeze %dma_start3A_356 : memref<1x1x2x8x125xi32, #tpu.memory_space<hbm>> -> memref<2x8x125xi32, #tpu.memory_space<hbm>>
        tpu.enqueue_dma source(%dma_start3A_357 : memref<2x8x125xi32, #tpu.memory_space<hbm>>) target(%arg6 : memref<2x8x125xi32, #tpu.memory_space<vmem>>) target_semaphore(%arg12 : memref<!tpu.dma_semaphore, #tpu.memory_space<semaphore_mem>>)
      } else {
      }
      %add3A_183 = arith.constant 1 : i32
      %add3A_184 = arith.addi %mul3A_22, %add3A_183 : i32
      %dma_wait3A_185 = arith.constant 0 : i32
      %dma_wait3A_186 = arith.constant 0 : i32
      %dma_wait3A_187 = arith.constant 0 : i32
      %dma_wait3A_188 = tpu.memref_slice %arg3[%add3A, %add3A_184, %dma_wait3A_185, %dma_wait3A_186, %dma_wait3A_187] : memref<32x10x2x8x125xi32, #tpu.memory_space<hbm>> -> memref<1x1x2x8x125xi32, #tpu.memory_space<hbm>>
      %dma_wait3A_189 = tpu.memref_squeeze %dma_wait3A_188 : memref<1x1x2x8x125xi32, #tpu.memory_space<hbm>> -> memref<2x8x125xi32, #tpu.memory_space<hbm>>
      %dma_wait3A_190 = arith.constant 0 : i32
      %dma_wait3A_191 = arith.constant 0 : i32
      %dma_wait3A_192 = arith.constant 0 : i32
      %dma_wait3A_193 = tpu.memref_slice %arg3[%add3A, %add3A_184, %dma_wait3A_190, %dma_wait3A_191, %dma_wait3A_192] : memref<32x10x2x8x125xi32, #tpu.memory_space<hbm>> -> memref<1x1x2x8x125xi32, #tpu.memory_space<hbm>>
      %dma_wait3A_194 = tpu.memref_squeeze %dma_wait3A_193 : memref<1x1x2x8x125xi32, #tpu.memory_space<hbm>> -> memref<2x8x125xi32, #tpu.memory_space<hbm>>
      tpu.wait_dma2 semaphore(%arg13 : memref<!tpu.dma_semaphore, #tpu.memory_space<semaphore_mem>>) src(%dma_wait3A_194 : memref<2x8x125xi32, #tpu.memory_space<hbm>>) dst(%arg7 : memref<2x8x125xi32, #tpu.memory_space<vmem>>)
      %dma_start3A_195 = arith.constant 0 : i32
      %dma_start3A_196 = arith.constant 0 : i32
      %dma_start3A_197 = arith.constant 0 : i32
      %dma_start3A_198 = tpu.memref_slice %arg7[%dma_start3A_195, %dma_start3A_196, %dma_start3A_197] : memref<2x8x125xi32, #tpu.memory_space<vmem>> -> memref<1x1x125xi32, #tpu.memory_space<vmem>>
      %dma_start3A_199 = tpu.memref_squeeze %dma_start3A_198 : memref<1x1x125xi32, #tpu.memory_space<vmem>> -> memref<125xi32, #tpu.memory_space<vmem>>
      %dma_start3A_200 = arith.constant 0 : i32
      %dma_start3A_201 = arith.constant 0 : i32
      %dma_start3A_202 = tpu.memref_slice %arg2[%dma_start3A_200, %dma_start3A_201] : memref<10000x128xf32, #tpu.memory_space<hbm>> -> memref<10000x128xf32, #tpu.memory_space<hbm>>
      tpu.enqueue_indirect_dma source(%dma_start3A_202 : memref<10000x128xf32, #tpu.memory_space<hbm>>) target(%arg8 : memref<125x128xf32, #tpu.memory_space<vmem>>) offsets(%dma_start3A_199 : memref<125xi32, #tpu.memory_space<vmem>>) semaphore(%arg10 : memref<!tpu.dma_semaphore, #tpu.memory_space<semaphore_mem>>)
      %dma_start3A_203 = arith.constant 0 : i32
      %dma_start3A_204 = arith.constant 1 : i32
      %dma_start3A_205 = arith.constant 0 : i32
      %dma_start3A_206 = tpu.memref_slice %arg7[%dma_start3A_203, %dma_start3A_204, %dma_start3A_205] : memref<2x8x125xi32, #tpu.memory_space<vmem>> -> memref<1x1x125xi32, #tpu.memory_space<vmem>>
      %dma_start3A_207 = tpu.memref_squeeze %dma_start3A_206 : memref<1x1x125xi32, #tpu.memory_space<vmem>> -> memref<125xi32, #tpu.memory_space<vmem>>
      %dma_start3A_208 = arith.constant 0 : i32
      %dma_start3A_209 = arith.constant 0 : i32
      %dma_start3A_210 = tpu.memref_slice %arg2[%dma_start3A_208, %dma_start3A_209] : memref<10000x128xf32, #tpu.memory_space<hbm>> -> memref<10000x128xf32, #tpu.memory_space<hbm>>
      tpu.enqueue_indirect_dma source(%dma_start3A_210 : memref<10000x128xf32, #tpu.memory_space<hbm>>) target(%arg9 : memref<125x128xf32, #tpu.memory_space<vmem>>) offsets(%dma_start3A_207 : memref<125xi32, #tpu.memory_space<vmem>>) semaphore(%arg11 : memref<!tpu.dma_semaphore, #tpu.memory_space<semaphore_mem>>)
      %dma_wait3A_211 = arith.constant 0 : i32
      %dma_wait3A_212 = arith.constant 0 : i32
      %dma_wait3A_213 = arith.constant 0 : i32
      %dma_wait3A_214 = tpu.memref_slice %arg7[%dma_wait3A_211, %dma_wait3A_212, %dma_wait3A_213] : memref<2x8x125xi32, #tpu.memory_space<vmem>> -> memref<1x1x125xi32, #tpu.memory_space<vmem>>
      %dma_wait3A_215 = tpu.memref_squeeze %dma_wait3A_214 : memref<1x1x125xi32, #tpu.memory_space<vmem>> -> memref<125xi32, #tpu.memory_space<vmem>>
      %dma_wait3A_216 = arith.constant 0 : i32
      %dma_wait3A_217 = arith.constant 0 : i32
      %dma_wait3A_218 = tpu.memref_slice %arg2[%dma_wait3A_216, %dma_wait3A_217] : memref<10000x128xf32, #tpu.memory_space<hbm>> -> memref<10000x128xf32, #tpu.memory_space<hbm>>
      tpu.wait_indirect_dma semaphore(%arg10 : memref<!tpu.dma_semaphore, #tpu.memory_space<semaphore_mem>>) src(%dma_wait3A_218 : memref<10000x128xf32, #tpu.memory_space<hbm>>) dst(%arg8 : memref<125x128xf32, #tpu.memory_space<vmem>>)
      %run_scoped3A_219 = arith.constant 1 : i32
      %run_scoped3A_220 = arith.constant 0 : i32
      "tpu.region"() ({
        %run_scoped3A_346 = tpu.sem_alloc : memref<!tpu.dma_semaphore, #tpu.memory_space<semaphore_mem>>
        %dma_start3A_347 = arith.constant 0 : i32
        %dma_start3A_348 = tpu.memref_slice %arg7[%run_scoped3A_219, %run_scoped3A_220, %dma_start3A_347] : memref<2x8x125xi32, #tpu.memory_space<vmem>> -> memref<1x1x125xi32, #tpu.memory_space<vmem>>
        %dma_start3A_349 = tpu.memref_squeeze %dma_start3A_348 : memref<1x1x125xi32, #tpu.memory_space<vmem>> -> memref<125xi32, #tpu.memory_space<vmem>>
        %dma_start3A_350 = arith.constant 0 : i32
        %dma_start3A_351 = arith.constant 0 : i32
        %dma_start3A_352 = tpu.memref_slice %arg14[%dma_start3A_350, %dma_start3A_351] : memref<10000x128xf32, #tpu.memory_space<vmem_shared>> -> memref<10000x128xf32, #tpu.memory_space<vmem_shared>>
        tpu.enqueue_indirect_dma source(%arg8 : memref<125x128xf32, #tpu.memory_space<vmem>>) target(%dma_start3A_352 : memref<10000x128xf32, #tpu.memory_space<vmem_shared>>) offsets(%dma_start3A_349 : memref<125xi32, #tpu.memory_space<vmem>>) semaphore(%run_scoped3A_346 : memref<!tpu.dma_semaphore, #tpu.memory_space<semaphore_mem>>) {add = true}
        %dma_wait3A_353 = arith.constant 0 : i32
        %dma_wait3A_354 = tpu.memref_slice %arg7[%run_scoped3A_219, %run_scoped3A_220, %dma_wait3A_353] : memref<2x8x125xi32, #tpu.memory_space<vmem>> -> memref<1x1x125xi32, #tpu.memory_space<vmem>>
        %dma_wait3A_355 = tpu.memref_squeeze %dma_wait3A_354 : memref<1x1x125xi32, #tpu.memory_space<vmem>> -> memref<125xi32, #tpu.memory_space<vmem>>
        %dma_wait3A_356 = arith.constant 0 : i32
        %dma_wait3A_357 = arith.constant 0 : i32
        %dma_wait3A_358 = tpu.memref_slice %arg14[%dma_wait3A_356, %dma_wait3A_357] : memref<10000x128xf32, #tpu.memory_space<vmem_shared>> -> memref<10000x128xf32, #tpu.memory_space<vmem_shared>>
        tpu.wait_indirect_dma semaphore(%run_scoped3A_346 : memref<!tpu.dma_semaphore, #tpu.memory_space<semaphore_mem>>) src(%arg8 : memref<125x128xf32, #tpu.memory_space<vmem>>) dst(%dma_wait3A_358 : memref<10000x128xf32, #tpu.memory_space<vmem_shared>>)
        tpu.yield
      }) : () -> ()
      %dma_start3A_221 = arith.constant 0 : i32
      %dma_start3A_222 = arith.constant 2 : i32
      %dma_start3A_223 = arith.constant 0 : i32
      %dma_start3A_224 = tpu.memref_slice %arg7[%dma_start3A_221, %dma_start3A_222, %dma_start3A_223] : memref<2x8x125xi32, #tpu.memory_space<vmem>> -> memref<1x1x125xi32, #tpu.memory_space<vmem>>
      %dma_start3A_225 = tpu.memref_squeeze %dma_start3A_224 : memref<1x1x125xi32, #tpu.memory_space<vmem>> -> memref<125xi32, #tpu.memory_space<vmem>>
      %dma_start3A_226 = arith.constant 0 : i32
      %dma_start3A_227 = arith.constant 0 : i32
      %dma_start3A_228 = tpu.memref_slice %arg2[%dma_start3A_226, %dma_start3A_227] : memref<10000x128xf32, #tpu.memory_space<hbm>> -> memref<10000x128xf32, #tpu.memory_space<hbm>>
      tpu.enqueue_indirect_dma source(%dma_start3A_228 : memref<10000x128xf32, #tpu.memory_space<hbm>>) target(%arg8 : memref<125x128xf32, #tpu.memory_space<vmem>>) offsets(%dma_start3A_225 : memref<125xi32, #tpu.memory_space<vmem>>) semaphore(%arg10 : memref<!tpu.dma_semaphore, #tpu.memory_space<semaphore_mem>>)
      %dma_wait3A_229 = arith.constant 0 : i32
      %dma_wait3A_230 = arith.constant 1 : i32
      %dma_wait3A_231 = arith.constant 0 : i32
      %dma_wait3A_232 = tpu.memref_slice %arg7[%dma_wait3A_229, %dma_wait3A_230, %dma_wait3A_231] : memref<2x8x125xi32, #tpu.memory_space<vmem>> -> memref<1x1x125xi32, #tpu.memory_space<vmem>>
      %dma_wait3A_233 = tpu.memref_squeeze %dma_wait3A_232 : memref<1x1x125xi32, #tpu.memory_space<vmem>> -> memref<125xi32, #tpu.memory_space<vmem>>
      %dma_wait3A_234 = arith.constant 0 : i32
      %dma_wait3A_235 = arith.constant 0 : i32
      %dma_wait3A_236 = tpu.memref_slice %arg2[%dma_wait3A_234, %dma_wait3A_235] : memref<10000x128xf32, #tpu.memory_space<hbm>> -> memref<10000x128xf32, #tpu.memory_space<hbm>>
      tpu.wait_indirect_dma semaphore(%arg11 : memref<!tpu.dma_semaphore, #tpu.memory_space<semaphore_mem>>) src(%dma_wait3A_236 : memref<10000x128xf32, #tpu.memory_space<hbm>>) dst(%arg9 : memref<125x128xf32, #tpu.memory_space<vmem>>)
      %run_scoped3A_237 = arith.constant 1 : i32
      %run_scoped3A_238 = arith.constant 1 : i32
      "tpu.region"() ({
        %run_scoped3A_346 = tpu.sem_alloc : memref<!tpu.dma_semaphore, #tpu.memory_space<semaphore_mem>>
        %dma_start3A_347 = arith.constant 0 : i32
        %dma_start3A_348 = tpu.memref_slice %arg7[%run_scoped3A_237, %run_scoped3A_238, %dma_start3A_347] : memref<2x8x125xi32, #tpu.memory_space<vmem>> -> memref<1x1x125xi32, #tpu.memory_space<vmem>>
        %dma_start3A_349 = tpu.memref_squeeze %dma_start3A_348 : memref<1x1x125xi32, #tpu.memory_space<vmem>> -> memref<125xi32, #tpu.memory_space<vmem>>
        %dma_start3A_350 = arith.constant 0 : i32
        %dma_start3A_351 = arith.constant 0 : i32
        %dma_start3A_352 = tpu.memref_slice %arg14[%dma_start3A_350, %dma_start3A_351] : memref<10000x128xf32, #tpu.memory_space<vmem_shared>> -> memref<10000x128xf32, #tpu.memory_space<vmem_shared>>
        tpu.enqueue_indirect_dma source(%arg9 : memref<125x128xf32, #tpu.memory_space<vmem>>) target(%dma_start3A_352 : memref<10000x128xf32, #tpu.memory_space<vmem_shared>>) offsets(%dma_start3A_349 : memref<125xi32, #tpu.memory_space<vmem>>) semaphore(%run_scoped3A_346 : memref<!tpu.dma_semaphore, #tpu.memory_space<semaphore_mem>>) {add = true}
        %dma_wait3A_353 = arith.constant 0 : i32
        %dma_wait3A_354 = tpu.memref_slice %arg7[%run_scoped3A_237, %run_scoped3A_238, %dma_wait3A_353] : memref<2x8x125xi32, #tpu.memory_space<vmem>> -> memref<1x1x125xi32, #tpu.memory_space<vmem>>
        %dma_wait3A_355 = tpu.memref_squeeze %dma_wait3A_354 : memref<1x1x125xi32, #tpu.memory_space<vmem>> -> memref<125xi32, #tpu.memory_space<vmem>>
        %dma_wait3A_356 = arith.constant 0 : i32
        %dma_wait3A_357 = arith.constant 0 : i32
        %dma_wait3A_358 = tpu.memref_slice %arg14[%dma_wait3A_356, %dma_wait3A_357] : memref<10000x128xf32, #tpu.memory_space<vmem_shared>> -> memref<10000x128xf32, #tpu.memory_space<vmem_shared>>
        tpu.wait_indirect_dma semaphore(%run_scoped3A_346 : memref<!tpu.dma_semaphore, #tpu.memory_space<semaphore_mem>>) src(%arg9 : memref<125x128xf32, #tpu.memory_space<vmem>>) dst(%dma_wait3A_358 : memref<10000x128xf32, #tpu.memory_space<vmem_shared>>)
        tpu.yield
      }) : () -> ()
      %dma_start3A_239 = arith.constant 0 : i32
      %dma_start3A_240 = arith.constant 3 : i32
      %dma_start3A_241 = arith.constant 0 : i32
      %dma_start3A_242 = tpu.memref_slice %arg7[%dma_start3A_239, %dma_start3A_240, %dma_start3A_241] : memref<2x8x125xi32, #tpu.memory_space<vmem>> -> memref<1x1x125xi32, #tpu.memory_space<vmem>>
      %dma_start3A_243 = tpu.memref_squeeze %dma_start3A_242 : memref<1x1x125xi32, #tpu.memory_space<vmem>> -> memref<125xi32, #tpu.memory_space<vmem>>
      %dma_start3A_244 = arith.constant 0 : i32
      %dma_start3A_245 = arith.constant 0 : i32
      %dma_start3A_246 = tpu.memref_slice %arg2[%dma_start3A_244, %dma_start3A_245] : memref<10000x128xf32, #tpu.memory_space<hbm>> -> memref<10000x128xf32, #tpu.memory_space<hbm>>
      tpu.enqueue_indirect_dma source(%dma_start3A_246 : memref<10000x128xf32, #tpu.memory_space<hbm>>) target(%arg9 : memref<125x128xf32, #tpu.memory_space<vmem>>) offsets(%dma_start3A_243 : memref<125xi32, #tpu.memory_space<vmem>>) semaphore(%arg11 : memref<!tpu.dma_semaphore, #tpu.memory_space<semaphore_mem>>)
      %dma_wait3A_247 = arith.constant 0 : i32
      %dma_wait3A_248 = arith.constant 2 : i32
      %dma_wait3A_249 = arith.constant 0 : i32
      %dma_wait3A_250 = tpu.memref_slice %arg7[%dma_wait3A_247, %dma_wait3A_248, %dma_wait3A_249] : memref<2x8x125xi32, #tpu.memory_space<vmem>> -> memref<1x1x125xi32, #tpu.memory_space<vmem>>
      %dma_wait3A_251 = tpu.memref_squeeze %dma_wait3A_250 : memref<1x1x125xi32, #tpu.memory_space<vmem>> -> memref<125xi32, #tpu.memory_space<vmem>>
      %dma_wait3A_252 = arith.constant 0 : i32
      %dma_wait3A_253 = arith.constant 0 : i32
      %dma_wait3A_254 = tpu.memref_slice %arg2[%dma_wait3A_252, %dma_wait3A_253] : memref<10000x128xf32, #tpu.memory_space<hbm>> -> memref<10000x128xf32, #tpu.memory_space<hbm>>
      tpu.wait_indirect_dma semaphore(%arg10 : memref<!tpu.dma_semaphore, #tpu.memory_space<semaphore_mem>>) src(%dma_wait3A_254 : memref<10000x128xf32, #tpu.memory_space<hbm>>) dst(%arg8 : memref<125x128xf32, #tpu.memory_space<vmem>>)
      %run_scoped3A_255 = arith.constant 1 : i32
      %run_scoped3A_256 = arith.constant 2 : i32
      "tpu.region"() ({
        %run_scoped3A_346 = tpu.sem_alloc : memref<!tpu.dma_semaphore, #tpu.memory_space<semaphore_mem>>
        %dma_start3A_347 = arith.constant 0 : i32
        %dma_start3A_348 = tpu.memref_slice %arg7[%run_scoped3A_255, %run_scoped3A_256, %dma_start3A_347] : memref<2x8x125xi32, #tpu.memory_space<vmem>> -> memref<1x1x125xi32, #tpu.memory_space<vmem>>
        %dma_start3A_349 = tpu.memref_squeeze %dma_start3A_348 : memref<1x1x125xi32, #tpu.memory_space<vmem>> -> memref<125xi32, #tpu.memory_space<vmem>>
        %dma_start3A_350 = arith.constant 0 : i32
        %dma_start3A_351 = arith.constant 0 : i32
        %dma_start3A_352 = tpu.memref_slice %arg14[%dma_start3A_350, %dma_start3A_351] : memref<10000x128xf32, #tpu.memory_space<vmem_shared>> -> memref<10000x128xf32, #tpu.memory_space<vmem_shared>>
        tpu.enqueue_indirect_dma source(%arg8 : memref<125x128xf32, #tpu.memory_space<vmem>>) target(%dma_start3A_352 : memref<10000x128xf32, #tpu.memory_space<vmem_shared>>) offsets(%dma_start3A_349 : memref<125xi32, #tpu.memory_space<vmem>>) semaphore(%run_scoped3A_346 : memref<!tpu.dma_semaphore, #tpu.memory_space<semaphore_mem>>) {add = true}
        %dma_wait3A_353 = arith.constant 0 : i32
        %dma_wait3A_354 = tpu.memref_slice %arg7[%run_scoped3A_255, %run_scoped3A_256, %dma_wait3A_353] : memref<2x8x125xi32, #tpu.memory_space<vmem>> -> memref<1x1x125xi32, #tpu.memory_space<vmem>>
        %dma_wait3A_355 = tpu.memref_squeeze %dma_wait3A_354 : memref<1x1x125xi32, #tpu.memory_space<vmem>> -> memref<125xi32, #tpu.memory_space<vmem>>
        %dma_wait3A_356 = arith.constant 0 : i32
        %dma_wait3A_357 = arith.constant 0 : i32
        %dma_wait3A_358 = tpu.memref_slice %arg14[%dma_wait3A_356, %dma_wait3A_357] : memref<10000x128xf32, #tpu.memory_space<vmem_shared>> -> memref<10000x128xf32, #tpu.memory_space<vmem_shared>>
        tpu.wait_indirect_dma semaphore(%run_scoped3A_346 : memref<!tpu.dma_semaphore, #tpu.memory_space<semaphore_mem>>) src(%arg8 : memref<125x128xf32, #tpu.memory_space<vmem>>) dst(%dma_wait3A_358 : memref<10000x128xf32, #tpu.memory_space<vmem_shared>>)
        tpu.yield
      }) : () -> ()
      %dma_start3A_257 = arith.constant 0 : i32
      %dma_start3A_258 = arith.constant 4 : i32
      %dma_start3A_259 = arith.constant 0 : i32
      %dma_start3A_260 = tpu.memref_slice %arg7[%dma_start3A_257, %dma_start3A_258, %dma_start3A_259] : memref<2x8x125xi32, #tpu.memory_space<vmem>> -> memref<1x1x125xi32, #tpu.memory_space<vmem>>
      %dma_start3A_261 = tpu.memref_squeeze %dma_start3A_260 : memref<1x1x125xi32, #tpu.memory_space<vmem>> -> memref<125xi32, #tpu.memory_space<vmem>>
      %dma_start3A_262 = arith.constant 0 : i32
      %dma_start3A_263 = arith.constant 0 : i32
      %dma_start3A_264 = tpu.memref_slice %arg2[%dma_start3A_262, %dma_start3A_263] : memref<10000x128xf32, #tpu.memory_space<hbm>> -> memref<10000x128xf32, #tpu.memory_space<hbm>>
      tpu.enqueue_indirect_dma source(%dma_start3A_264 : memref<10000x128xf32, #tpu.memory_space<hbm>>) target(%arg8 : memref<125x128xf32, #tpu.memory_space<vmem>>) offsets(%dma_start3A_261 : memref<125xi32, #tpu.memory_space<vmem>>) semaphore(%arg10 : memref<!tpu.dma_semaphore, #tpu.memory_space<semaphore_mem>>)
      %dma_wait3A_265 = arith.constant 0 : i32
      %dma_wait3A_266 = arith.constant 3 : i32
      %dma_wait3A_267 = arith.constant 0 : i32
      %dma_wait3A_268 = tpu.memref_slice %arg7[%dma_wait3A_265, %dma_wait3A_266, %dma_wait3A_267] : memref<2x8x125xi32, #tpu.memory_space<vmem>> -> memref<1x1x125xi32, #tpu.memory_space<vmem>>
      %dma_wait3A_269 = tpu.memref_squeeze %dma_wait3A_268 : memref<1x1x125xi32, #tpu.memory_space<vmem>> -> memref<125xi32, #tpu.memory_space<vmem>>
      %dma_wait3A_270 = arith.constant 0 : i32
      %dma_wait3A_271 = arith.constant 0 : i32
      %dma_wait3A_272 = tpu.memref_slice %arg2[%dma_wait3A_270, %dma_wait3A_271] : memref<10000x128xf32, #tpu.memory_space<hbm>> -> memref<10000x128xf32, #tpu.memory_space<hbm>>
      tpu.wait_indirect_dma semaphore(%arg11 : memref<!tpu.dma_semaphore, #tpu.memory_space<semaphore_mem>>) src(%dma_wait3A_272 : memref<10000x128xf32, #tpu.memory_space<hbm>>) dst(%arg9 : memref<125x128xf32, #tpu.memory_space<vmem>>)
      %run_scoped3A_273 = arith.constant 1 : i32
      %run_scoped3A_274 = arith.constant 3 : i32
      "tpu.region"() ({
        %run_scoped3A_346 = tpu.sem_alloc : memref<!tpu.dma_semaphore, #tpu.memory_space<semaphore_mem>>
        %dma_start3A_347 = arith.constant 0 : i32
        %dma_start3A_348 = tpu.memref_slice %arg7[%run_scoped3A_273, %run_scoped3A_274, %dma_start3A_347] : memref<2x8x125xi32, #tpu.memory_space<vmem>> -> memref<1x1x125xi32, #tpu.memory_space<vmem>>
        %dma_start3A_349 = tpu.memref_squeeze %dma_start3A_348 : memref<1x1x125xi32, #tpu.memory_space<vmem>> -> memref<125xi32, #tpu.memory_space<vmem>>
        %dma_start3A_350 = arith.constant 0 : i32
        %dma_start3A_351 = arith.constant 0 : i32
        %dma_start3A_352 = tpu.memref_slice %arg14[%dma_start3A_350, %dma_start3A_351] : memref<10000x128xf32, #tpu.memory_space<vmem_shared>> -> memref<10000x128xf32, #tpu.memory_space<vmem_shared>>
        tpu.enqueue_indirect_dma source(%arg9 : memref<125x128xf32, #tpu.memory_space<vmem>>) target(%dma_start3A_352 : memref<10000x128xf32, #tpu.memory_space<vmem_shared>>) offsets(%dma_start3A_349 : memref<125xi32, #tpu.memory_space<vmem>>) semaphore(%run_scoped3A_346 : memref<!tpu.dma_semaphore, #tpu.memory_space<semaphore_mem>>) {add = true}
        %dma_wait3A_353 = arith.constant 0 : i32
        %dma_wait3A_354 = tpu.memref_slice %arg7[%run_scoped3A_273, %run_scoped3A_274, %dma_wait3A_353] : memref<2x8x125xi32, #tpu.memory_space<vmem>> -> memref<1x1x125xi32, #tpu.memory_space<vmem>>
        %dma_wait3A_355 = tpu.memref_squeeze %dma_wait3A_354 : memref<1x1x125xi32, #tpu.memory_space<vmem>> -> memref<125xi32, #tpu.memory_space<vmem>>
        %dma_wait3A_356 = arith.constant 0 : i32
        %dma_wait3A_357 = arith.constant 0 : i32
        %dma_wait3A_358 = tpu.memref_slice %arg14[%dma_wait3A_356, %dma_wait3A_357] : memref<10000x128xf32, #tpu.memory_space<vmem_shared>> -> memref<10000x128xf32, #tpu.memory_space<vmem_shared>>
        tpu.wait_indirect_dma semaphore(%run_scoped3A_346 : memref<!tpu.dma_semaphore, #tpu.memory_space<semaphore_mem>>) src(%arg9 : memref<125x128xf32, #tpu.memory_space<vmem>>) dst(%dma_wait3A_358 : memref<10000x128xf32, #tpu.memory_space<vmem_shared>>)
        tpu.yield
      }) : () -> ()
      %dma_start3A_275 = arith.constant 0 : i32
      %dma_start3A_276 = arith.constant 5 : i32
      %dma_start3A_277 = arith.constant 0 : i32
      %dma_start3A_278 = tpu.memref_slice %arg7[%dma_start3A_275, %dma_start3A_276, %dma_start3A_277] : memref<2x8x125xi32, #tpu.memory_space<vmem>> -> memref<1x1x125xi32, #tpu.memory_space<vmem>>
      %dma_start3A_279 = tpu.memref_squeeze %dma_start3A_278 : memref<1x1x125xi32, #tpu.memory_space<vmem>> -> memref<125xi32, #tpu.memory_space<vmem>>
      %dma_start3A_280 = arith.constant 0 : i32
      %dma_start3A_281 = arith.constant 0 : i32
      %dma_start3A_282 = tpu.memref_slice %arg2[%dma_start3A_280, %dma_start3A_281] : memref<10000x128xf32, #tpu.memory_space<hbm>> -> memref<10000x128xf32, #tpu.memory_space<hbm>>
      tpu.enqueue_indirect_dma source(%dma_start3A_282 : memref<10000x128xf32, #tpu.memory_space<hbm>>) target(%arg9 : memref<125x128xf32, #tpu.memory_space<vmem>>) offsets(%dma_start3A_279 : memref<125xi32, #tpu.memory_space<vmem>>) semaphore(%arg11 : memref<!tpu.dma_semaphore, #tpu.memory_space<semaphore_mem>>)
      %dma_wait3A_283 = arith.constant 0 : i32
      %dma_wait3A_284 = arith.constant 4 : i32
      %dma_wait3A_285 = arith.constant 0 : i32
      %dma_wait3A_286 = tpu.memref_slice %arg7[%dma_wait3A_283, %dma_wait3A_284, %dma_wait3A_285] : memref<2x8x125xi32, #tpu.memory_space<vmem>> -> memref<1x1x125xi32, #tpu.memory_space<vmem>>
      %dma_wait3A_287 = tpu.memref_squeeze %dma_wait3A_286 : memref<1x1x125xi32, #tpu.memory_space<vmem>> -> memref<125xi32, #tpu.memory_space<vmem>>
      %dma_wait3A_288 = arith.constant 0 : i32
      %dma_wait3A_289 = arith.constant 0 : i32
      %dma_wait3A_290 = tpu.memref_slice %arg2[%dma_wait3A_288, %dma_wait3A_289] : memref<10000x128xf32, #tpu.memory_space<hbm>> -> memref<10000x128xf32, #tpu.memory_space<hbm>>
      tpu.wait_indirect_dma semaphore(%arg10 : memref<!tpu.dma_semaphore, #tpu.memory_space<semaphore_mem>>) src(%dma_wait3A_290 : memref<10000x128xf32, #tpu.memory_space<hbm>>) dst(%arg8 : memref<125x128xf32, #tpu.memory_space<vmem>>)
      %run_scoped3A_291 = arith.constant 1 : i32
      %run_scoped3A_292 = arith.constant 4 : i32
      "tpu.region"() ({
        %run_scoped3A_346 = tpu.sem_alloc : memref<!tpu.dma_semaphore, #tpu.memory_space<semaphore_mem>>
        %dma_start3A_347 = arith.constant 0 : i32
        %dma_start3A_348 = tpu.memref_slice %arg7[%run_scoped3A_291, %run_scoped3A_292, %dma_start3A_347] : memref<2x8x125xi32, #tpu.memory_space<vmem>> -> memref<1x1x125xi32, #tpu.memory_space<vmem>>
        %dma_start3A_349 = tpu.memref_squeeze %dma_start3A_348 : memref<1x1x125xi32, #tpu.memory_space<vmem>> -> memref<125xi32, #tpu.memory_space<vmem>>
        %dma_start3A_350 = arith.constant 0 : i32
        %dma_start3A_351 = arith.constant 0 : i32
        %dma_start3A_352 = tpu.memref_slice %arg14[%dma_start3A_350, %dma_start3A_351] : memref<10000x128xf32, #tpu.memory_space<vmem_shared>> -> memref<10000x128xf32, #tpu.memory_space<vmem_shared>>
        tpu.enqueue_indirect_dma source(%arg8 : memref<125x128xf32, #tpu.memory_space<vmem>>) target(%dma_start3A_352 : memref<10000x128xf32, #tpu.memory_space<vmem_shared>>) offsets(%dma_start3A_349 : memref<125xi32, #tpu.memory_space<vmem>>) semaphore(%run_scoped3A_346 : memref<!tpu.dma_semaphore, #tpu.memory_space<semaphore_mem>>) {add = true}
        %dma_wait3A_353 = arith.constant 0 : i32
        %dma_wait3A_354 = tpu.memref_slice %arg7[%run_scoped3A_291, %run_scoped3A_292, %dma_wait3A_353] : memref<2x8x125xi32, #tpu.memory_space<vmem>> -> memref<1x1x125xi32, #tpu.memory_space<vmem>>
        %dma_wait3A_355 = tpu.memref_squeeze %dma_wait3A_354 : memref<1x1x125xi32, #tpu.memory_space<vmem>> -> memref<125xi32, #tpu.memory_space<vmem>>
        %dma_wait3A_356 = arith.constant 0 : i32
        %dma_wait3A_357 = arith.constant 0 : i32
        %dma_wait3A_358 = tpu.memref_slice %arg14[%dma_wait3A_356, %dma_wait3A_357] : memref<10000x128xf32, #tpu.memory_space<vmem_shared>> -> memref<10000x128xf32, #tpu.memory_space<vmem_shared>>
        tpu.wait_indirect_dma semaphore(%run_scoped3A_346 : memref<!tpu.dma_semaphore, #tpu.memory_space<semaphore_mem>>) src(%arg8 : memref<125x128xf32, #tpu.memory_space<vmem>>) dst(%dma_wait3A_358 : memref<10000x128xf32, #tpu.memory_space<vmem_shared>>)
        tpu.yield
      }) : () -> ()
      %dma_start3A_293 = arith.constant 0 : i32
      %dma_start3A_294 = arith.constant 6 : i32
      %dma_start3A_295 = arith.constant 0 : i32
      %dma_start3A_296 = tpu.memref_slice %arg7[%dma_start3A_293, %dma_start3A_294, %dma_start3A_295] : memref<2x8x125xi32, #tpu.memory_space<vmem>> -> memref<1x1x125xi32, #tpu.memory_space<vmem>>
      %dma_start3A_297 = tpu.memref_squeeze %dma_start3A_296 : memref<1x1x125xi32, #tpu.memory_space<vmem>> -> memref<125xi32, #tpu.memory_space<vmem>>
      %dma_start3A_298 = arith.constant 0 : i32
      %dma_start3A_299 = arith.constant 0 : i32
      %dma_start3A_300 = tpu.memref_slice %arg2[%dma_start3A_298, %dma_start3A_299] : memref<10000x128xf32, #tpu.memory_space<hbm>> -> memref<10000x128xf32, #tpu.memory_space<hbm>>
      tpu.enqueue_indirect_dma source(%dma_start3A_300 : memref<10000x128xf32, #tpu.memory_space<hbm>>) target(%arg8 : memref<125x128xf32, #tpu.memory_space<vmem>>) offsets(%dma_start3A_297 : memref<125xi32, #tpu.memory_space<vmem>>) semaphore(%arg10 : memref<!tpu.dma_semaphore, #tpu.memory_space<semaphore_mem>>)
      %dma_wait3A_301 = arith.constant 0 : i32
      %dma_wait3A_302 = arith.constant 5 : i32
      %dma_wait3A_303 = arith.constant 0 : i32
      %dma_wait3A_304 = tpu.memref_slice %arg7[%dma_wait3A_301, %dma_wait3A_302, %dma_wait3A_303] : memref<2x8x125xi32, #tpu.memory_space<vmem>> -> memref<1x1x125xi32, #tpu.memory_space<vmem>>
      %dma_wait3A_305 = tpu.memref_squeeze %dma_wait3A_304 : memref<1x1x125xi32, #tpu.memory_space<vmem>> -> memref<125xi32, #tpu.memory_space<vmem>>
      %dma_wait3A_306 = arith.constant 0 : i32
      %dma_wait3A_307 = arith.constant 0 : i32
      %dma_wait3A_308 = tpu.memref_slice %arg2[%dma_wait3A_306, %dma_wait3A_307] : memref<10000x128xf32, #tpu.memory_space<hbm>> -> memref<10000x128xf32, #tpu.memory_space<hbm>>
      tpu.wait_indirect_dma semaphore(%arg11 : memref<!tpu.dma_semaphore, #tpu.memory_space<semaphore_mem>>) src(%dma_wait3A_308 : memref<10000x128xf32, #tpu.memory_space<hbm>>) dst(%arg9 : memref<125x128xf32, #tpu.memory_space<vmem>>)
      %run_scoped3A_309 = arith.constant 1 : i32
      %run_scoped3A_310 = arith.constant 5 : i32
      "tpu.region"() ({
        %run_scoped3A_346 = tpu.sem_alloc : memref<!tpu.dma_semaphore, #tpu.memory_space<semaphore_mem>>
        %dma_start3A_347 = arith.constant 0 : i32
        %dma_start3A_348 = tpu.memref_slice %arg7[%run_scoped3A_309, %run_scoped3A_310, %dma_start3A_347] : memref<2x8x125xi32, #tpu.memory_space<vmem>> -> memref<1x1x125xi32, #tpu.memory_space<vmem>>
        %dma_start3A_349 = tpu.memref_squeeze %dma_start3A_348 : memref<1x1x125xi32, #tpu.memory_space<vmem>> -> memref<125xi32, #tpu.memory_space<vmem>>
        %dma_start3A_350 = arith.constant 0 : i32
        %dma_start3A_351 = arith.constant 0 : i32
        %dma_start3A_352 = tpu.memref_slice %arg14[%dma_start3A_350, %dma_start3A_351] : memref<10000x128xf32, #tpu.memory_space<vmem_shared>> -> memref<10000x128xf32, #tpu.memory_space<vmem_shared>>
        tpu.enqueue_indirect_dma source(%arg9 : memref<125x128xf32, #tpu.memory_space<vmem>>) target(%dma_start3A_352 : memref<10000x128xf32, #tpu.memory_space<vmem_shared>>) offsets(%dma_start3A_349 : memref<125xi32, #tpu.memory_space<vmem>>) semaphore(%run_scoped3A_346 : memref<!tpu.dma_semaphore, #tpu.memory_space<semaphore_mem>>) {add = true}
        %dma_wait3A_353 = arith.constant 0 : i32
        %dma_wait3A_354 = tpu.memref_slice %arg7[%run_scoped3A_309, %run_scoped3A_310, %dma_wait3A_353] : memref<2x8x125xi32, #tpu.memory_space<vmem>> -> memref<1x1x125xi32, #tpu.memory_space<vmem>>
        %dma_wait3A_355 = tpu.memref_squeeze %dma_wait3A_354 : memref<1x1x125xi32, #tpu.memory_space<vmem>> -> memref<125xi32, #tpu.memory_space<vmem>>
        %dma_wait3A_356 = arith.constant 0 : i32
        %dma_wait3A_357 = arith.constant 0 : i32
        %dma_wait3A_358 = tpu.memref_slice %arg14[%dma_wait3A_356, %dma_wait3A_357] : memref<10000x128xf32, #tpu.memory_space<vmem_shared>> -> memref<10000x128xf32, #tpu.memory_space<vmem_shared>>
        tpu.wait_indirect_dma semaphore(%run_scoped3A_346 : memref<!tpu.dma_semaphore, #tpu.memory_space<semaphore_mem>>) src(%arg9 : memref<125x128xf32, #tpu.memory_space<vmem>>) dst(%dma_wait3A_358 : memref<10000x128xf32, #tpu.memory_space<vmem_shared>>)
        tpu.yield
      }) : () -> ()
      %dma_start3A_311 = arith.constant 0 : i32
      %dma_start3A_312 = arith.constant 7 : i32
      %dma_start3A_313 = arith.constant 0 : i32
      %dma_start3A_314 = tpu.memref_slice %arg7[%dma_start3A_311, %dma_start3A_312, %dma_start3A_313] : memref<2x8x125xi32, #tpu.memory_space<vmem>> -> memref<1x1x125xi32, #tpu.memory_space<vmem>>
      %dma_start3A_315 = tpu.memref_squeeze %dma_start3A_314 : memref<1x1x125xi32, #tpu.memory_space<vmem>> -> memref<125xi32, #tpu.memory_space<vmem>>
      %dma_start3A_316 = arith.constant 0 : i32
      %dma_start3A_317 = arith.constant 0 : i32
      %dma_start3A_318 = tpu.memref_slice %arg2[%dma_start3A_316, %dma_start3A_317] : memref<10000x128xf32, #tpu.memory_space<hbm>> -> memref<10000x128xf32, #tpu.memory_space<hbm>>
      tpu.enqueue_indirect_dma source(%dma_start3A_318 : memref<10000x128xf32, #tpu.memory_space<hbm>>) target(%arg9 : memref<125x128xf32, #tpu.memory_space<vmem>>) offsets(%dma_start3A_315 : memref<125xi32, #tpu.memory_space<vmem>>) semaphore(%arg11 : memref<!tpu.dma_semaphore, #tpu.memory_space<semaphore_mem>>)
      %dma_wait3A_319 = arith.constant 0 : i32
      %dma_wait3A_320 = arith.constant 6 : i32
      %dma_wait3A_321 = arith.constant 0 : i32
      %dma_wait3A_322 = tpu.memref_slice %arg7[%dma_wait3A_319, %dma_wait3A_320, %dma_wait3A_321] : memref<2x8x125xi32, #tpu.memory_space<vmem>> -> memref<1x1x125xi32, #tpu.memory_space<vmem>>
      %dma_wait3A_323 = tpu.memref_squeeze %dma_wait3A_322 : memref<1x1x125xi32, #tpu.memory_space<vmem>> -> memref<125xi32, #tpu.memory_space<vmem>>
      %dma_wait3A_324 = arith.constant 0 : i32
      %dma_wait3A_325 = arith.constant 0 : i32
      %dma_wait3A_326 = tpu.memref_slice %arg2[%dma_wait3A_324, %dma_wait3A_325] : memref<10000x128xf32, #tpu.memory_space<hbm>> -> memref<10000x128xf32, #tpu.memory_space<hbm>>
      tpu.wait_indirect_dma semaphore(%arg10 : memref<!tpu.dma_semaphore, #tpu.memory_space<semaphore_mem>>) src(%dma_wait3A_326 : memref<10000x128xf32, #tpu.memory_space<hbm>>) dst(%arg8 : memref<125x128xf32, #tpu.memory_space<vmem>>)
      %run_scoped3A_327 = arith.constant 1 : i32
      %run_scoped3A_328 = arith.constant 6 : i32
      "tpu.region"() ({
        %run_scoped3A_346 = tpu.sem_alloc : memref<!tpu.dma_semaphore, #tpu.memory_space<semaphore_mem>>
        %dma_start3A_347 = arith.constant 0 : i32
        %dma_start3A_348 = tpu.memref_slice %arg7[%run_scoped3A_327, %run_scoped3A_328, %dma_start3A_347] : memref<2x8x125xi32, #tpu.memory_space<vmem>> -> memref<1x1x125xi32, #tpu.memory_space<vmem>>
        %dma_start3A_349 = tpu.memref_squeeze %dma_start3A_348 : memref<1x1x125xi32, #tpu.memory_space<vmem>> -> memref<125xi32, #tpu.memory_space<vmem>>
        %dma_start3A_350 = arith.constant 0 : i32
        %dma_start3A_351 = arith.constant 0 : i32
        %dma_start3A_352 = tpu.memref_slice %arg14[%dma_start3A_350, %dma_start3A_351] : memref<10000x128xf32, #tpu.memory_space<vmem_shared>> -> memref<10000x128xf32, #tpu.memory_space<vmem_shared>>
        tpu.enqueue_indirect_dma source(%arg8 : memref<125x128xf32, #tpu.memory_space<vmem>>) target(%dma_start3A_352 : memref<10000x128xf32, #tpu.memory_space<vmem_shared>>) offsets(%dma_start3A_349 : memref<125xi32, #tpu.memory_space<vmem>>) semaphore(%run_scoped3A_346 : memref<!tpu.dma_semaphore, #tpu.memory_space<semaphore_mem>>) {add = true}
        %dma_wait3A_353 = arith.constant 0 : i32
        %dma_wait3A_354 = tpu.memref_slice %arg7[%run_scoped3A_327, %run_scoped3A_328, %dma_wait3A_353] : memref<2x8x125xi32, #tpu.memory_space<vmem>> -> memref<1x1x125xi32, #tpu.memory_space<vmem>>
        %dma_wait3A_355 = tpu.memref_squeeze %dma_wait3A_354 : memref<1x1x125xi32, #tpu.memory_space<vmem>> -> memref<125xi32, #tpu.memory_space<vmem>>
        %dma_wait3A_356 = arith.constant 0 : i32
        %dma_wait3A_357 = arith.constant 0 : i32
        %dma_wait3A_358 = tpu.memref_slice %arg14[%dma_wait3A_356, %dma_wait3A_357] : memref<10000x128xf32, #tpu.memory_space<vmem_shared>> -> memref<10000x128xf32, #tpu.memory_space<vmem_shared>>
        tpu.wait_indirect_dma semaphore(%run_scoped3A_346 : memref<!tpu.dma_semaphore, #tpu.memory_space<semaphore_mem>>) src(%arg8 : memref<125x128xf32, #tpu.memory_space<vmem>>) dst(%dma_wait3A_358 : memref<10000x128xf32, #tpu.memory_space<vmem_shared>>)
        tpu.yield
      }) : () -> ()
      %dma_wait3A_329 = arith.constant 0 : i32
      %dma_wait3A_330 = arith.constant 7 : i32
      %dma_wait3A_331 = arith.constant 0 : i32
      %dma_wait3A_332 = tpu.memref_slice %arg7[%dma_wait3A_329, %dma_wait3A_330, %dma_wait3A_331] : memref<2x8x125xi32, #tpu.memory_space<vmem>> -> memref<1x1x125xi32, #tpu.memory_space<vmem>>
      %dma_wait3A_333 = tpu.memref_squeeze %dma_wait3A_332 : memref<1x1x125xi32, #tpu.memory_space<vmem>> -> memref<125xi32, #tpu.memory_space<vmem>>
      %dma_wait3A_334 = arith.constant 0 : i32
      %dma_wait3A_335 = arith.constant 0 : i32
      %dma_wait3A_336 = tpu.memref_slice %arg2[%dma_wait3A_334, %dma_wait3A_335] : memref<10000x128xf32, #tpu.memory_space<hbm>> -> memref<10000x128xf32, #tpu.memory_space<hbm>>
      tpu.wait_indirect_dma semaphore(%arg11 : memref<!tpu.dma_semaphore, #tpu.memory_space<semaphore_mem>>) src(%dma_wait3A_336 : memref<10000x128xf32, #tpu.memory_space<hbm>>) dst(%arg9 : memref<125x128xf32, #tpu.memory_space<vmem>>)
      %run_scoped3A_337 = arith.constant 1 : i32
      %run_scoped3A_338 = arith.constant 7 : i32
      "tpu.region"() ({
        %run_scoped3A_346 = tpu.sem_alloc : memref<!tpu.dma_semaphore, #tpu.memory_space<semaphore_mem>>
        %dma_start3A_347 = arith.constant 0 : i32
        %dma_start3A_348 = tpu.memref_slice %arg7[%run_scoped3A_337, %run_scoped3A_338, %dma_start3A_347] : memref<2x8x125xi32, #tpu.memory_space<vmem>> -> memref<1x1x125xi32, #tpu.memory_space<vmem>>
        %dma_start3A_349 = tpu.memref_squeeze %dma_start3A_348 : memref<1x1x125xi32, #tpu.memory_space<vmem>> -> memref<125xi32, #tpu.memory_space<vmem>>
        %dma_start3A_350 = arith.constant 0 : i32
        %dma_start3A_351 = arith.constant 0 : i32
        %dma_start3A_352 = tpu.memref_slice %arg14[%dma_start3A_350, %dma_start3A_351] : memref<10000x128xf32, #tpu.memory_space<vmem_shared>> -> memref<10000x128xf32, #tpu.memory_space<vmem_shared>>
        tpu.enqueue_indirect_dma source(%arg9 : memref<125x128xf32, #tpu.memory_space<vmem>>) target(%dma_start3A_352 : memref<10000x128xf32, #tpu.memory_space<vmem_shared>>) offsets(%dma_start3A_349 : memref<125xi32, #tpu.memory_space<vmem>>) semaphore(%run_scoped3A_346 : memref<!tpu.dma_semaphore, #tpu.memory_space<semaphore_mem>>) {add = true}
        %dma_wait3A_353 = arith.constant 0 : i32
        %dma_wait3A_354 = tpu.memref_slice %arg7[%run_scoped3A_337, %run_scoped3A_338, %dma_wait3A_353] : memref<2x8x125xi32, #tpu.memory_space<vmem>> -> memref<1x1x125xi32, #tpu.memory_space<vmem>>
        %dma_wait3A_355 = tpu.memref_squeeze %dma_wait3A_354 : memref<1x1x125xi32, #tpu.memory_space<vmem>> -> memref<125xi32, #tpu.memory_space<vmem>>
        %dma_wait3A_356 = arith.constant 0 : i32
        %dma_wait3A_357 = arith.constant 0 : i32
        %dma_wait3A_358 = tpu.memref_slice %arg14[%dma_wait3A_356, %dma_wait3A_357] : memref<10000x128xf32, #tpu.memory_space<vmem_shared>> -> memref<10000x128xf32, #tpu.memory_space<vmem_shared>>
        tpu.wait_indirect_dma semaphore(%run_scoped3A_346 : memref<!tpu.dma_semaphore, #tpu.memory_space<semaphore_mem>>) src(%arg9 : memref<125x128xf32, #tpu.memory_space<vmem>>) dst(%dma_wait3A_358 : memref<10000x128xf32, #tpu.memory_space<vmem_shared>>)
        tpu.yield
      }) : () -> ()
      %add3A_339 = arith.constant 2 : i32
      %add3A_340 = arith.addi %mul3A_22, %add3A_339 : i32
      %lt3A_341 = arith.constant 10 : i32
      %lt3A_342 = arith.cmpi slt, %add3A_340, %lt3A_341 : i32
      %convert_element_type3A_343 = arith.extui %lt3A_342 : i1 to i32
      %cond3A_344 = arith.constant 0 : i32
      %cond3A_345 = arith.cmpi ne, %convert_element_type3A_343, %cond3A_344 : i32
      scf.if %cond3A_345 {
        %add3A_346 = arith.constant 2 : i32
        %add3A_347 = arith.addi %mul3A_22, %add3A_346 : i32
        %dma_wait3A_348 = arith.constant 0 : i32
        %dma_wait3A_349 = arith.constant 0 : i32
        %dma_wait3A_350 = arith.constant 0 : i32
        %dma_wait3A_351 = tpu.memref_slice %arg3[%add3A, %add3A_347, %dma_wait3A_348, %dma_wait3A_349, %dma_wait3A_350] : memref<32x10x2x8x125xi32, #tpu.memory_space<hbm>> -> memref<1x1x2x8x125xi32, #tpu.memory_space<hbm>>
        %dma_wait3A_352 = tpu.memref_squeeze %dma_wait3A_351 : memref<1x1x2x8x125xi32, #tpu.memory_space<hbm>> -> memref<2x8x125xi32, #tpu.memory_space<hbm>>
        %dma_wait3A_353 = arith.constant 0 : i32
        %dma_wait3A_354 = arith.constant 0 : i32
        %dma_wait3A_355 = arith.constant 0 : i32
        %dma_wait3A_356 = tpu.memref_slice %arg3[%add3A, %add3A_347, %dma_wait3A_353, %dma_wait3A_354, %dma_wait3A_355] : memref<32x10x2x8x125xi32, #tpu.memory_space<hbm>> -> memref<1x1x2x8x125xi32, #tpu.memory_space<hbm>>
        %dma_wait3A_357 = tpu.memref_squeeze %dma_wait3A_356 : memref<1x1x2x8x125xi32, #tpu.memory_space<hbm>> -> memref<2x8x125xi32, #tpu.memory_space<hbm>>
        tpu.wait_dma2 semaphore(%arg12 : memref<!tpu.dma_semaphore, #tpu.memory_space<semaphore_mem>>) src(%dma_wait3A_357 : memref<2x8x125xi32, #tpu.memory_space<hbm>>) dst(%arg6 : memref<2x8x125xi32, #tpu.memory_space<vmem>>)
      } else {
      }
    }
    %scan3A_9 = arith.constant 5 : i32
    %barrier3A_10 = arith.constant 0 : index
    tpu.barrier barrier_id(%barrier3A_10)
    %mul3A_11 = arith.constant 624 : i32
    %mul3A_12 = arith.muli %arg1, %mul3A_11 : i32
    %mul3A_13 = arith.constant 624 : i32
    %mul3A_14 = arith.muli %arg1, %mul3A_13 : i32
    "tpu.region"() ({
      %run_scoped3A_20 = tpu.sem_alloc : memref<!tpu.dma_semaphore, #tpu.memory_space<semaphore_mem>>
      %dma_start3A = arith.constant 0 : i32
      %dma_start3A_21 = tpu.memref_slice %arg5[%arg0, %mul3A_14, %dma_start3A] : memref<2x10000x128xf32, #tpu.memory_space<hbm>> -> memref<1x624x128xf32, #tpu.memory_space<hbm>>
      %dma_start3A_22 = tpu.memref_squeeze %dma_start3A_21 : memref<1x624x128xf32, #tpu.memory_space<hbm>> -> memref<624x128xf32, #tpu.memory_space<hbm>>
      %dma_start3A_23 = arith.constant 0 : i32
      %dma_start3A_24 = tpu.memref_slice %arg14[%mul3A_12, %dma_start3A_23] : memref<10000x128xf32, #tpu.memory_space<vmem_shared>> -> memref<624x128xf32, #tpu.memory_space<vmem_shared>>
      tpu.enqueue_dma source(%dma_start3A_24 : memref<624x128xf32, #tpu.memory_space<vmem_shared>>) target(%dma_start3A_22 : memref<624x128xf32, #tpu.memory_space<hbm>>) target_semaphore(%run_scoped3A_20 : memref<!tpu.dma_semaphore, #tpu.memory_space<semaphore_mem>>)
      %dma_wait3A = arith.constant 0 : i32
      %dma_wait3A_25 = tpu.memref_slice %arg5[%arg0, %mul3A_14, %dma_wait3A] : memref<2x10000x128xf32, #tpu.memory_space<hbm>> -> memref<1x624x128xf32, #tpu.memory_space<hbm>>
      %dma_wait3A_26 = tpu.memref_squeeze %dma_wait3A_25 : memref<1x624x128xf32, #tpu.memory_space<hbm>> -> memref<624x128xf32, #tpu.memory_space<hbm>>
      %dma_wait3A_27 = arith.constant 0 : i32
      %dma_wait3A_28 = tpu.memref_slice %arg14[%mul3A_12, %dma_wait3A_27] : memref<10000x128xf32, #tpu.memory_space<vmem_shared>> -> memref<624x128xf32, #tpu.memory_space<vmem_shared>>
      tpu.wait_dma2 semaphore(%run_scoped3A_20 : memref<!tpu.dma_semaphore, #tpu.memory_space<semaphore_mem>>) src(%dma_wait3A_28 : memref<624x128xf32, #tpu.memory_space<vmem_shared>>) dst(%dma_wait3A_26 : memref<624x128xf32, #tpu.memory_space<hbm>>)
      tpu.yield
    }) : () -> ()
    %eq3A_15 = arith.constant 15 : i32
    %eq3A_16 = arith.cmpi eq, %arg1, %eq3A_15 : i32
    %convert_element_type3A_17 = arith.extui %eq3A_16 : i1 to i32
    %cond3A_18 = arith.constant 0 : i32
    %cond3A_19 = arith.cmpi ne, %convert_element_type3A_17, %cond3A_18 : i32
    scf.if %cond3A_19 {
      "tpu.region"() ({
        %run_scoped3A_20 = tpu.sem_alloc : memref<!tpu.dma_semaphore, #tpu.memory_space<semaphore_mem>>
        %dma_start3A = arith.constant 9984 : i32
        %dma_start3A_21 = arith.constant 0 : i32
        %dma_start3A_22 = tpu.memref_slice %arg5[%arg0, %dma_start3A, %dma_start3A_21] : memref<2x10000x128xf32, #tpu.memory_space<hbm>> -> memref<1x16x128xf32, #tpu.memory_space<hbm>>
        %dma_start3A_23 = tpu.memref_squeeze %dma_start3A_22 : memref<1x16x128xf32, #tpu.memory_space<hbm>> -> memref<16x128xf32, #tpu.memory_space<hbm>>
        %dma_start3A_24 = arith.constant 9984 : i32
        %dma_start3A_25 = arith.constant 0 : i32
        %dma_start3A_26 = tpu.memref_slice %arg14[%dma_start3A_24, %dma_start3A_25] : memref<10000x128xf32, #tpu.memory_space<vmem_shared>> -> memref<16x128xf32, #tpu.memory_space<vmem_shared>>
        tpu.enqueue_dma source(%dma_start3A_26 : memref<16x128xf32, #tpu.memory_space<vmem_shared>>) target(%dma_start3A_23 : memref<16x128xf32, #tpu.memory_space<hbm>>) target_semaphore(%run_scoped3A_20 : memref<!tpu.dma_semaphore, #tpu.memory_space<semaphore_mem>>)
        %dma_wait3A = arith.constant 9984 : i32
        %dma_wait3A_27 = arith.constant 0 : i32
        %dma_wait3A_28 = tpu.memref_slice %arg5[%arg0, %dma_wait3A, %dma_wait3A_27] : memref<2x10000x128xf32, #tpu.memory_space<hbm>> -> memref<1x16x128xf32, #tpu.memory_space<hbm>>
        %dma_wait3A_29 = tpu.memref_squeeze %dma_wait3A_28 : memref<1x16x128xf32, #tpu.memory_space<hbm>> -> memref<16x128xf32, #tpu.memory_space<hbm>>
        %dma_wait3A_30 = arith.constant 9984 : i32
        %dma_wait3A_31 = arith.constant 0 : i32
        %dma_wait3A_32 = tpu.memref_slice %arg14[%dma_wait3A_30, %dma_wait3A_31] : memref<10000x128xf32, #tpu.memory_space<vmem_shared>> -> memref<16x128xf32, #tpu.memory_space<vmem_shared>>
        tpu.wait_dma2 semaphore(%run_scoped3A_20 : memref<!tpu.dma_semaphore, #tpu.memory_space<semaphore_mem>>) src(%dma_wait3A_32 : memref<16x128xf32, #tpu.memory_space<vmem_shared>>) dst(%dma_wait3A_29 : memref<16x128xf32, #tpu.memory_space<hbm>>)
        tpu.yield
      }) : () -> ()
    } else {
    }
    return
  }
}

module attributes {stable_mosaic.version = 14 : i64} {
  func.func @_mm_scale_body(%arg0: i32, %arg1: memref<2000x8xf32, #tpu.memory_space<vmem>>, %arg2: memref<2000x8xf32, #tpu.memory_space<vmem>>, %arg3: memref<2000x128xf32, #tpu.memory_space<vmem>>, %arg4: memref<128x128xf32, #tpu.memory_space<vmem>>, %arg5: memref<2000x128xf32, #tpu.memory_space<vmem>>, %arg6: memref<2000x1xf32, #tpu.memory_space<vmem>>) attributes {dimension_semantics = [#tpu.dimension_semantics<arbitrary>], iteration_bounds = array<i64: 5>, scalar_prefetch = 0 : i64, scratch_operands = 0 : i64, tpu.core_type = #tpu.core_type<tc>, window_params = [{transform_indices = @transform_0, window_bounds = array<i64: 2000, 8>}, {transform_indices = @transform_1, window_bounds = array<i64: 2000, 8>}, {transform_indices = @transform_2, window_bounds = array<i64: 2000, 128>}, {pipeline_mode = #tpu.pipeline_mode<synchronous>, transform_indices = @transform_3, window_bounds = array<i64: 128, 128>}, {transform_indices = @transform_4, window_bounds = array<i64: 2000, 128>}, {transform_indices = @transform_5, window_bounds = array<i64: 2000, 1>}]} {
    %get3A = arith.constant 0 : index
    %get3A_0 = arith.constant 0 : index
    %get3A_1 = vector.load %arg1[%get3A, %get3A_0] : memref<2000x8xf32, #tpu.memory_space<vmem>>, vector<2000x1xf32>
    %get3A_2 = arith.constant 0 : index
    %get3A_3 = arith.constant 0 : index
    %get3A_4 = vector.load %arg2[%get3A_2, %get3A_3] : memref<2000x8xf32, #tpu.memory_space<vmem>>, vector<2000x1xf32>
    %add3A = arith.addf %get3A_1, %get3A_4 : vector<2000x1xf32>
    %add3A_5 = arith.constant 1.000000e+00 : f32
    %add3A_6 = vector.broadcast %add3A_5 : f32 to vector<2000x1xf32>
    %add3A_7 = arith.addf %add3A, %add3A_6 : vector<2000x1xf32>
    %rsqrt3A = math.rsqrt %add3A_7 : vector<2000x1xf32>
    %get3A_8 = arith.constant 0 : index
    %get3A_9 = arith.constant 0 : index
    %get3A_10 = vector.load %arg3[%get3A_8, %get3A_9] : memref<2000x128xf32, #tpu.memory_space<vmem>>, vector<2000x128xf32>
    %get3A_11 = arith.constant 0 : index
    %get3A_12 = arith.constant 0 : index
    %get3A_13 = vector.load %arg4[%get3A_11, %get3A_12] : memref<128x128xf32, #tpu.memory_space<vmem>>, vector<128x128xf32>
    %dot_general3A = arith.constant dense<0.000000e+00> : vector<2000x128xf32>
    %dot_general3A_14 = tpu.matmul %get3A_10, %get3A_13, %dot_general3A {dimension_numbers = #tpu.dot_dimension_numbers<[1], [0], [0], [1], [0, 0, 1, 1], [], []>, transpose_lhs_hint = false} : vector<2000x128xf32>, vector<128x128xf32>, vector<2000x128xf32> -> vector<2000x128xf32>
    %mul3A = vector.broadcast %rsqrt3A : vector<2000x1xf32> to vector<2000x128xf32>
    %mul3A_15 = arith.mulf %dot_general3A_14, %mul3A : vector<2000x128xf32>
    %swap3A = arith.constant 0 : index
    %swap3A_16 = arith.constant 0 : index
    %swap3A_17 = vector.load %arg5[%swap3A, %swap3A_16] : memref<2000x128xf32, #tpu.memory_space<vmem>>, vector<2000x128xf32>
    tpu.vector_store %arg5[%swap3A, %swap3A_16], %mul3A_15 {strides = array<i32>} : memref<2000x128xf32, #tpu.memory_space<vmem>>, vector<2000x128xf32>,
    %swap3A_18 = arith.constant 0 : index
    %swap3A_19 = arith.constant 0 : index
    %swap3A_20 = vector.load %arg6[%swap3A_18, %swap3A_19] : memref<2000x1xf32, #tpu.memory_space<vmem>>, vector<2000x1xf32>
    tpu.vector_store %arg6[%swap3A_18, %swap3A_19], %rsqrt3A {strides = array<i32>} : memref<2000x1xf32, #tpu.memory_space<vmem>>, vector<2000x1xf32>,
    return
  }
  func.func @transform_0(%arg0: i32) -> (i32, i32) {
    %c0_i32 = arith.constant 0 : i32
    %c0_i32_0 = arith.constant 0 : i32
    return %arg0, %c0_i32 : i32, i32
  }
  func.func @transform_1(%arg0: i32) -> (i32, i32) {
    %c0_i32 = arith.constant 0 : i32
    %c0_i32_0 = arith.constant 0 : i32
    return %arg0, %c0_i32 : i32, i32
  }
  func.func @transform_2(%arg0: i32) -> (i32, i32) {
    %c0_i32 = arith.constant 0 : i32
    %c0_i32_0 = arith.constant 0 : i32
    return %arg0, %c0_i32 : i32, i32
  }
  func.func @transform_3(%arg0: i32) -> (i32, i32) {
    %c0_i32 = arith.constant 0 : i32
    %c0_i32_0 = arith.constant 0 : i32
    %c0_i32_1 = arith.constant 0 : i32
    return %c0_i32, %c0_i32_0 : i32, i32
  }
  func.func @transform_4(%arg0: i32) -> (i32, i32) {
    %c0_i32 = arith.constant 0 : i32
    %c0_i32_0 = arith.constant 0 : i32
    return %arg0, %c0_i32 : i32, i32
  }
  func.func @transform_5(%arg0: i32) -> (i32, i32) {
    %c0_i32 = arith.constant 0 : i32
    %c0_i32_0 = arith.constant 0 : i32
    return %arg0, %c0_i32 : i32, i32
  }
}

module attributes {stable_mosaic.version = 14 : i64} {
  func.func @_mid_body(%arg0: i32, %arg1: memref<2000x128xf32, #tpu.memory_space<vmem>>, %arg2: memref<2000x128xf32, #tpu.memory_space<vmem>>, %arg3: memref<2000x128xf32, #tpu.memory_space<vmem>>, %arg4: memref<2000x1xf32, #tpu.memory_space<vmem>>, %arg5: memref<1x128xf32, #tpu.memory_space<vmem>>, %arg6: memref<128x128xf32, #tpu.memory_space<vmem>>, %arg7: memref<2000x128xf32, #tpu.memory_space<vmem>>) attributes {dimension_semantics = [#tpu.dimension_semantics<arbitrary>], iteration_bounds = array<i64: 5>, scalar_prefetch = 0 : i64, scratch_operands = 0 : i64, tpu.core_type = #tpu.core_type<tc>, window_params = [{transform_indices = @transform_0, window_bounds = array<i64: 2000, 128>}, {transform_indices = @transform_1, window_bounds = array<i64: 2000, 128>}, {transform_indices = @transform_2, window_bounds = array<i64: 2000, 128>}, {transform_indices = @transform_3, window_bounds = array<i64: 2000, 1>}, {pipeline_mode = #tpu.pipeline_mode<synchronous>, transform_indices = @transform_4, window_bounds = array<i64: 1, 128>}, {pipeline_mode = #tpu.pipeline_mode<synchronous>, transform_indices = @transform_5, window_bounds = array<i64: 128, 128>}, {transform_indices = @transform_6, window_bounds = array<i64: 2000, 128>}]} {
    %get3A = arith.constant 0 : index
    %get3A_0 = arith.constant 0 : index
    %get3A_1 = vector.load %arg4[%get3A, %get3A_0] : memref<2000x1xf32, #tpu.memory_space<vmem>>, vector<2000x1xf32>
    %get3A_2 = arith.constant 0 : index
    %get3A_3 = arith.constant 0 : index
    %get3A_4 = vector.load %arg1[%get3A_2, %get3A_3] : memref<2000x128xf32, #tpu.memory_space<vmem>>, vector<2000x128xf32>
    %get3A_5 = arith.constant 0 : index
    %get3A_6 = arith.constant 0 : index
    %get3A_7 = vector.load %arg2[%get3A_5, %get3A_6] : memref<2000x128xf32, #tpu.memory_space<vmem>>, vector<2000x128xf32>
    %add3A = arith.addf %get3A_4, %get3A_7 : vector<2000x128xf32>
    %get3A_8 = arith.constant 0 : index
    %get3A_9 = arith.constant 0 : index
    %get3A_10 = vector.load %arg3[%get3A_8, %get3A_9] : memref<2000x128xf32, #tpu.memory_space<vmem>>, vector<2000x128xf32>
    %add3A_11 = arith.addf %add3A, %get3A_10 : vector<2000x128xf32>
    %mul3A = vector.broadcast %get3A_1 : vector<2000x1xf32> to vector<2000x128xf32>
    %mul3A_12 = arith.mulf %mul3A, %add3A_11 : vector<2000x128xf32>
    %get3A_13 = arith.constant 0 : index
    %get3A_14 = arith.constant 0 : index
    %get3A_15 = vector.load %arg5[%get3A_13, %get3A_14] : memref<1x128xf32, #tpu.memory_space<vmem>>, vector<1x128xf32>
    %add3A_16 = vector.broadcast %get3A_15 : vector<1x128xf32> to vector<2000x128xf32>
    %add3A_17 = arith.addf %mul3A_12, %add3A_16 : vector<2000x128xf32>
    %max3A = arith.constant 0.000000e+00 : f32
    %max3A_18 = vector.broadcast %max3A : f32 to vector<2000x128xf32>
    %max3A_19 = arith.maximumf %add3A_17, %max3A_18 : vector<2000x128xf32>
    %get3A_20 = arith.constant 0 : index
    %get3A_21 = arith.constant 0 : index
    %get3A_22 = vector.load %arg6[%get3A_20, %get3A_21] : memref<128x128xf32, #tpu.memory_space<vmem>>, vector<128x128xf32>
    %dot_general3A = arith.constant dense<0.000000e+00> : vector<2000x128xf32>
    %dot_general3A_23 = tpu.matmul %max3A_19, %get3A_22, %dot_general3A {dimension_numbers = #tpu.dot_dimension_numbers<[1], [0], [0], [1], [0, 0, 1, 1], [], []>, transpose_lhs_hint = false} : vector<2000x128xf32>, vector<128x128xf32>, vector<2000x128xf32> -> vector<2000x128xf32>
    %mul3A_24 = vector.broadcast %get3A_1 : vector<2000x1xf32> to vector<2000x128xf32>
    %mul3A_25 = arith.mulf %dot_general3A_23, %mul3A_24 : vector<2000x128xf32>
    %swap3A = arith.constant 0 : index
    %swap3A_26 = arith.constant 0 : index
    %swap3A_27 = vector.load %arg7[%swap3A, %swap3A_26] : memref<2000x128xf32, #tpu.memory_space<vmem>>, vector<2000x128xf32>
    tpu.vector_store %arg7[%swap3A, %swap3A_26], %mul3A_25 {strides = array<i32>} : memref<2000x128xf32, #tpu.memory_space<vmem>>, vector<2000x128xf32>,
    return
  }
  func.func @transform_0(%arg0: i32) -> (i32, i32) {
    %c0_i32 = arith.constant 0 : i32
    %c0_i32_0 = arith.constant 0 : i32
    return %arg0, %c0_i32 : i32, i32
  }
  func.func @transform_1(%arg0: i32) -> (i32, i32) {
    %c0_i32 = arith.constant 0 : i32
    %c0_i32_0 = arith.constant 0 : i32
    return %arg0, %c0_i32 : i32, i32
  }
  func.func @transform_2(%arg0: i32) -> (i32, i32) {
    %c0_i32 = arith.constant 0 : i32
    %c0_i32_0 = arith.constant 0 : i32
    return %arg0, %c0_i32 : i32, i32
  }
  func.func @transform_3(%arg0: i32) -> (i32, i32) {
    %c0_i32 = arith.constant 0 : i32
    %c0_i32_0 = arith.constant 0 : i32
    return %arg0, %c0_i32 : i32, i32
  }
  func.func @transform_4(%arg0: i32) -> (i32, i32) {
    %c0_i32 = arith.constant 0 : i32
    %c0_i32_0 = arith.constant 0 : i32
    %c0_i32_1 = arith.constant 0 : i32
    return %c0_i32, %c0_i32_0 : i32, i32
  }
  func.func @transform_5(%arg0: i32) -> (i32, i32) {
    %c0_i32 = arith.constant 0 : i32
    %c0_i32_0 = arith.constant 0 : i32
    %c0_i32_1 = arith.constant 0 : i32
    return %c0_i32, %c0_i32_0 : i32, i32
  }
  func.func @transform_6(%arg0: i32) -> (i32, i32) {
    %c0_i32 = arith.constant 0 : i32
    %c0_i32_0 = arith.constant 0 : i32
    return %arg0, %c0_i32 : i32, i32
  }
}

module attributes {stable_mosaic.version = 14 : i64} {
  func.func @_final_body(%arg0: i32, %arg1: memref<2000x128xf32, #tpu.memory_space<vmem>>, %arg2: memref<2000x128xf32, #tpu.memory_space<vmem>>, %arg3: memref<2000x128xf32, #tpu.memory_space<vmem>>, %arg4: memref<2000x1xf32, #tpu.memory_space<vmem>>, %arg5: memref<1x128xf32, #tpu.memory_space<vmem>>, %arg6: memref<1x1x2000xi32, #tpu.memory_space<vmem>>, %arg7: memref<128x64xf32, #tpu.memory_space<vmem>>, %arg8: memref<1x64xf32, #tpu.memory_space<vmem>>, %arg9: memref<64x64xf32, #tpu.memory_space<vmem>>, %arg10: memref<64x128xf32, #tpu.memory_space<vmem>>, %arg11: memref<64x1xf32, #tpu.memory_space<vmem>>) attributes {dimension_semantics = [#tpu.dimension_semantics<arbitrary>], iteration_bounds = array<i64: 5>, scalar_prefetch = 0 : i64, scratch_operands = 2 : i64, tpu.core_type = #tpu.core_type<tc>, window_params = [{transform_indices = @transform_0, window_bounds = array<i64: 2000, 128>}, {transform_indices = @transform_1, window_bounds = array<i64: 2000, 128>}, {transform_indices = @transform_2, window_bounds = array<i64: 2000, 128>}, {transform_indices = @transform_3, window_bounds = array<i64: 2000, 1>}, {pipeline_mode = #tpu.pipeline_mode<synchronous>, transform_indices = @transform_4, window_bounds = array<i64: 1, 128>}, {transform_indices = @transform_5, window_bounds = array<i64: 1, 1, 2000>}, {pipeline_mode = #tpu.pipeline_mode<synchronous>, transform_indices = @transform_6, window_bounds = array<i64: 128, 64>}, {pipeline_mode = #tpu.pipeline_mode<synchronous>, transform_indices = @transform_7, window_bounds = array<i64: 1, 64>}, {pipeline_mode = #tpu.pipeline_mode<synchronous>, transform_indices = @transform_8, window_bounds = array<i64: 64, 64>}]} {
    %eq3A = arith.constant 0 : i32
    %eq3A_0 = arith.cmpi eq, %arg0, %eq3A : i32
    %convert_element_type3A = arith.extui %eq3A_0 : i1 to i32
    %cond3A = arith.constant 0 : i32
    %cond3A_1 = arith.cmpi ne, %convert_element_type3A, %cond3A : i32
    scf.if %cond3A_1 {
      %broadcast_in_dim3A_51 = arith.constant 0.000000e+00 : f32
      %broadcast_in_dim3A_52 = vector.broadcast %broadcast_in_dim3A_51 : f32 to vector<64x128xf32>
      %swap3A_53 = arith.constant 0 : index
      %swap3A_54 = arith.constant 0 : index
      %swap3A_55 = vector.load %arg10[%swap3A_53, %swap3A_54] : memref<64x128xf32, #tpu.memory_space<vmem>>, vector<64x128xf32>
      tpu.vector_store %arg10[%swap3A_53, %swap3A_54], %broadcast_in_dim3A_52 {strides = array<i32>} : memref<64x128xf32, #tpu.memory_space<vmem>>, vector<64x128xf32>,
      %broadcast_in_dim3A_56 = arith.constant 0.000000e+00 : f32
      %broadcast_in_dim3A_57 = vector.broadcast %broadcast_in_dim3A_56 : f32 to vector<64x1xf32>
      %swap3A_58 = arith.constant 0 : index
      %swap3A_59 = arith.constant 0 : index
      %swap3A_60 = vector.load %arg11[%swap3A_58, %swap3A_59] : memref<64x1xf32, #tpu.memory_space<vmem>>, vector<64x1xf32>
      tpu.vector_store %arg11[%swap3A_58, %swap3A_59], %broadcast_in_dim3A_57 {strides = array<i32>} : memref<64x1xf32, #tpu.memory_space<vmem>>, vector<64x1xf32>,
    } else {
    }
    %get3A = arith.constant 0 : index
    %get3A_2 = arith.constant 0 : index
    %get3A_3 = vector.load %arg4[%get3A, %get3A_2] : memref<2000x1xf32, #tpu.memory_space<vmem>>, vector<2000x1xf32>
    %get3A_4 = arith.constant 0 : index
    %get3A_5 = arith.constant 0 : index
    %get3A_6 = vector.load %arg1[%get3A_4, %get3A_5] : memref<2000x128xf32, #tpu.memory_space<vmem>>, vector<2000x128xf32>
    %get3A_7 = arith.constant 0 : index
    %get3A_8 = arith.constant 0 : index
    %get3A_9 = vector.load %arg2[%get3A_7, %get3A_8] : memref<2000x128xf32, #tpu.memory_space<vmem>>, vector<2000x128xf32>
    %add3A = arith.addf %get3A_6, %get3A_9 : vector<2000x128xf32>
    %get3A_10 = arith.constant 0 : index
    %get3A_11 = arith.constant 0 : index
    %get3A_12 = vector.load %arg3[%get3A_10, %get3A_11] : memref<2000x128xf32, #tpu.memory_space<vmem>>, vector<2000x128xf32>
    %add3A_13 = arith.addf %add3A, %get3A_12 : vector<2000x128xf32>
    %mul3A = vector.broadcast %get3A_3 : vector<2000x1xf32> to vector<2000x128xf32>
    %mul3A_14 = arith.mulf %mul3A, %add3A_13 : vector<2000x128xf32>
    %get3A_15 = arith.constant 0 : index
    %get3A_16 = arith.constant 0 : index
    %get3A_17 = vector.load %arg5[%get3A_15, %get3A_16] : memref<1x128xf32, #tpu.memory_space<vmem>>, vector<1x128xf32>
    %add3A_18 = vector.broadcast %get3A_17 : vector<1x128xf32> to vector<2000x128xf32>
    %add3A_19 = arith.addf %mul3A_14, %add3A_18 : vector<2000x128xf32>
    %max3A = arith.constant 0.000000e+00 : f32
    %max3A_20 = vector.broadcast %max3A : f32 to vector<2000x128xf32>
    %max3A_21 = arith.maximumf %add3A_19, %max3A_20 : vector<2000x128xf32>
    %get3A_22 = arith.constant 0 : index
    %get3A_23 = arith.constant 0 : index
    %get3A_24 = arith.constant 0 : index
    %get3A_25 = vector.load %arg6[%get3A_22, %get3A_23, %get3A_24] : memref<1x1x2000xi32, #tpu.memory_space<vmem>>, vector<1x1x2000xi32>
    %get3A_26 = vector.shape_cast %get3A_25 : vector<1x1x2000xi32> to vector<1x2000xi32>
    %iota3A = tpu.iota {dimensions = array<i32: 0>} : vector<64x2000xi32>
    %eq3A_27 = vector.broadcast %get3A_26 : vector<1x2000xi32> to vector<64x2000xi32>
    %eq3A_28 = arith.cmpi eq, %eq3A_27, %iota3A : vector<64x2000xi32>
    %convert_element_type3A_29 = arith.extui %eq3A_28 : vector<64x2000xi1> to vector<64x2000xi32>
    %convert_element_type3A_30 = arith.sitofp %convert_element_type3A_29 : vector<64x2000xi32> to vector<64x2000xf32>
    %get3A_31 = arith.constant 0 : index
    %get3A_32 = arith.constant 0 : index
    %get3A_33 = vector.load %arg10[%get3A_31, %get3A_32] : memref<64x128xf32, #tpu.memory_space<vmem>>, vector<64x128xf32>
    %dot_general3A = arith.constant dense<0.000000e+00> : vector<64x128xf32>
    %dot_general3A_34 = tpu.matmul %convert_element_type3A_30, %max3A_21, %dot_general3A {dimension_numbers = #tpu.dot_dimension_numbers<[1], [0], [0], [1], [0, 0, 1, 1], [], []>, transpose_lhs_hint = false} : vector<64x2000xf32>, vector<2000x128xf32>, vector<64x128xf32> -> vector<64x128xf32>
    %add3A_35 = arith.addf %get3A_33, %dot_general3A_34 : vector<64x128xf32>
    %swap3A = arith.constant 0 : index
    %swap3A_36 = arith.constant 0 : index
    %swap3A_37 = vector.load %arg10[%swap3A, %swap3A_36] : memref<64x128xf32, #tpu.memory_space<vmem>>, vector<64x128xf32>
    tpu.vector_store %arg10[%swap3A, %swap3A_36], %add3A_35 {strides = array<i32>} : memref<64x128xf32, #tpu.memory_space<vmem>>, vector<64x128xf32>,
    %get3A_38 = arith.constant 0 : index
    %get3A_39 = arith.constant 0 : index
    %get3A_40 = vector.load %arg11[%get3A_38, %get3A_39] : memref<64x1xf32, #tpu.memory_space<vmem>>, vector<64x1xf32>
    %reduce_sum3A = arith.constant dense<0.000000e+00> : vector<64xf32>
    %reduce_sum3A_41 = vector.multi_reduction <add>, %convert_element_type3A_30, %reduce_sum3A [1] : vector<64x2000xf32> to vector<64xf32>
    %broadcast_in_dim3A = vector.shape_cast %reduce_sum3A_41 : vector<64xf32> to vector<64x1xf32>
    %add3A_42 = arith.addf %get3A_40, %broadcast_in_dim3A : vector<64x1xf32>
    %swap3A_43 = arith.constant 0 : index
    %swap3A_44 = arith.constant 0 : index
    %swap3A_45 = vector.load %arg11[%swap3A_43, %swap3A_44] : memref<64x1xf32, #tpu.memory_space<vmem>>, vector<64x1xf32>
    tpu.vector_store %arg11[%swap3A_43, %swap3A_44], %add3A_42 {strides = array<i32>} : memref<64x1xf32, #tpu.memory_space<vmem>>, vector<64x1xf32>,
    %eq3A_46 = arith.constant 4 : i32
    %eq3A_47 = arith.cmpi eq, %arg0, %eq3A_46 : i32
    %convert_element_type3A_48 = arith.extui %eq3A_47 : i1 to i32
    %cond3A_49 = arith.constant 0 : i32
    %cond3A_50 = arith.cmpi ne, %convert_element_type3A_48, %cond3A_49 : i32
    scf.if %cond3A_50 {
      %get3A_51 = arith.constant 0 : index
      %get3A_52 = arith.constant 0 : index
      %get3A_53 = vector.load %arg10[%get3A_51, %get3A_52] : memref<64x128xf32, #tpu.memory_space<vmem>>, vector<64x128xf32>
      %get3A_54 = arith.constant 0 : index
      %get3A_55 = arith.constant 0 : index
      %get3A_56 = vector.load %arg11[%get3A_54, %get3A_55] : memref<64x1xf32, #tpu.memory_space<vmem>>, vector<64x1xf32>
      %max3A_57 = arith.constant 1.000000e+00 : f32
      %max3A_58 = vector.broadcast %max3A_57 : f32 to vector<64x1xf32>
      %max3A_59 = arith.maximumf %get3A_56, %max3A_58 : vector<64x1xf32>
      %div3A = vector.broadcast %max3A_59 : vector<64x1xf32> to vector<64x128xf32>
      %div3A_60 = arith.divf %get3A_53, %div3A : vector<64x128xf32>
      %get3A_61 = arith.constant 0 : index
      %get3A_62 = arith.constant 0 : index
      %get3A_63 = vector.load %arg7[%get3A_61, %get3A_62] : memref<128x64xf32, #tpu.memory_space<vmem>>, vector<128x64xf32>
      %dot_general3A_64 = arith.constant dense<0.000000e+00> : vector<64x64xf32>
      %dot_general3A_65 = tpu.matmul %div3A_60, %get3A_63, %dot_general3A_64 {dimension_numbers = #tpu.dot_dimension_numbers<[1], [0], [0], [1], [0, 0, 1, 1], [], []>, transpose_lhs_hint = false} : vector<64x128xf32>, vector<128x64xf32>, vector<64x64xf32> -> vector<64x64xf32>
      %get3A_66 = arith.constant 0 : index
      %get3A_67 = arith.constant 0 : index
      %get3A_68 = vector.load %arg8[%get3A_66, %get3A_67] : memref<1x64xf32, #tpu.memory_space<vmem>>, vector<1x64xf32>
      %add3A_69 = vector.broadcast %get3A_68 : vector<1x64xf32> to vector<64x64xf32>
      %add3A_70 = arith.addf %dot_general3A_65, %add3A_69 : vector<64x64xf32>
      %swap3A_71 = arith.constant 0 : index
      %swap3A_72 = arith.constant 0 : index
      %swap3A_73 = vector.load %arg9[%swap3A_71, %swap3A_72] : memref<64x64xf32, #tpu.memory_space<vmem>>, vector<64x64xf32>
      tpu.vector_store %arg9[%swap3A_71, %swap3A_72], %add3A_70 {strides = array<i32>} : memref<64x64xf32, #tpu.memory_space<vmem>>, vector<64x64xf32>,
    } else {
    }
    return
  }
  func.func @transform_0(%arg0: i32) -> (i32, i32) {
    %c0_i32 = arith.constant 0 : i32
    %c0_i32_0 = arith.constant 0 : i32
    return %arg0, %c0_i32 : i32, i32
  }
  func.func @transform_1(%arg0: i32) -> (i32, i32) {
    %c0_i32 = arith.constant 0 : i32
    %c0_i32_0 = arith.constant 0 : i32
    return %arg0, %c0_i32 : i32, i32
  }
  func.func @transform_2(%arg0: i32) -> (i32, i32) {
    %c0_i32 = arith.constant 0 : i32
    %c0_i32_0 = arith.constant 0 : i32
    return %arg0, %c0_i32 : i32, i32
  }
  func.func @transform_3(%arg0: i32) -> (i32, i32) {
    %c0_i32 = arith.constant 0 : i32
    %c0_i32_0 = arith.constant 0 : i32
    return %arg0, %c0_i32 : i32, i32
  }
  func.func @transform_4(%arg0: i32) -> (i32, i32) {
    %c0_i32 = arith.constant 0 : i32
    %c0_i32_0 = arith.constant 0 : i32
    %c0_i32_1 = arith.constant 0 : i32
    return %c0_i32, %c0_i32_0 : i32, i32
  }
  func.func @transform_5(%arg0: i32) -> (i32, i32, i32) {
    %c0_i32 = arith.constant 0 : i32
    %c0_i32_0 = arith.constant 0 : i32
    %c0_i32_1 = arith.constant 0 : i32
    return %arg0, %c0_i32, %c0_i32_0 : i32, i32, i32
  }
  func.func @transform_6(%arg0: i32) -> (i32, i32) {
    %c0_i32 = arith.constant 0 : i32
    %c0_i32_0 = arith.constant 0 : i32
    %c0_i32_1 = arith.constant 0 : i32
    return %c0_i32, %c0_i32_0 : i32, i32
  }
  func.func @transform_7(%arg0: i32) -> (i32, i32) {
    %c0_i32 = arith.constant 0 : i32
    %c0_i32_0 = arith.constant 0 : i32
    %c0_i32_1 = arith.constant 0 : i32
    return %c0_i32, %c0_i32_0 : i32, i32
  }
  func.func @transform_8(%arg0: i32) -> (i32, i32) {
    %c0_i32 = arith.constant 0 : i32
    %c0_i32_0 = arith.constant 0 : i32
    %c0_i32_1 = arith.constant 0 : i32
    return %c0_i32, %c0_i32_0 : i32, i32
  }
}

</mosaic_0001>

<sc_bundles>
// kernel: kernel.11.cloned.1.call-start
scs
__scs_entry_jumppad:
0x0: {  	(pc) =	sbr.rel $0x88, $3  }
0x1: {  	(tag) =	ssettag $0x0;
	lr =	simm.s32 $0x1  }
0x2: {  	[smem:$0x3F98] =	sst lr;
	_ =	strace $0xD0000000  }
0x3: {  	_ = 	snop  }
0x4: {  	_ = 	snop  }
0x5: {  	_ = 	snop  }
0x6: {  	_ = 	snop  }
0x7: {  	_ = 	snop  }
__scs_overlays_trampoline_lowered:
0x8: {  	[smem:$0x3FA7] =	sst s0  }
0x9: {  	[smem:$0x3FA8] =	sst s1  }
0xa: {  	[smem:$0x3FA9] =	sst s2  }
0xb: {  	[smem:$0x3FAA] =	sst s3  }
0xc: {  	[smem:$0x3FAB] =	sst s4  }
0xd: {  	[smem:$0x3FAC] =	sst s5  }
0xe: {  	[smem:$0x3FAD] =	sst s6  }
0xf: {  	[smem:$0x3FAE] =	sst s7  }
0x10: {  	[smem:$0x3FAF] =	sst s8  }
0x11: {  	[smem:$0x3FB0] =	sst s9;
	s0 =	simm.s32 @!p0 $0x0  }
0x12: {  	s1 =	sld [smem:$0x3F96];
	s0 =	simm.s32 @p0 $0x1  }
0x13: {  	[smem:$0x3FB1] =	sst s0;
	s0 =	simm.s32 @!p1 $0x0  }
0x14: {  	s2 =	sld [smem:$0x3F95];
	s0 =	simm.s32 @p1 $0x1  }
0x15: {  	[smem:$0x3FB2] =	sst s0;
	s0 =	simm.s32 @!p2 $0x0  }
0x16: {  	s3 =	sld [smem:$0x3FDB];
	s0 =	simm.s32 @p2 $0x1  }
0x17: {  	s4 =	simm.s32 $0x1BF5;
	[smem:$0x3FB4] =	sst s0  }
0x18: {  	s0 =	sld [smem:$0x3F97];
	_ =	swait.ge [sflag:s4], $0x0  }
0x19: {  	s7 =	sld [smem:$0x3F98]  }
0x1a: {  	s8 =	sadd.s32 $0xFFFFE003, lr  }
0x1b: {  	s9 =	sadd.s32 $0xFFFFFEF7, lr;
	s5 =	simm.s32 $0xFFFFFFFF;
	p2 =	slt.u32 s8, $0xFFFFF086  }
0x1c: {  	p1 =	slt.u32 s9, $0xF7A;
	s5 =	simm.s32 @!p2 $0x0  }
0x1d: {  	s5 =	simm.s32 @p1 $0x1;
	p0 =	seq.s32 s7, s2  }
0x1e: {  	s7 =	smul.u32 @!p0 $0xF7A, s2;
	p2 =	seq.s32 @!p0 s5, $0x0  }
0x1f: {  	s9 =	smul.u32 $0xF7A, s1;
	s8 =	simm.s32 @!p0 $0x1BF5;
	p2 =	por !p2, p0  }
0x20: {  	[sflag:s8] =	ssyncset.s32 @!p0 $0xFFFFF086;
	s6 =	sadd.s32 @!p0 s3, s7;
	s7 =	simm.s32 @!p0 $0x108  }
0x21: {  	s3 =	sadd.s32 s3, s9;
	s6 =	sadd.s32 @!p0 $0x88, s6;
	s7 =	simm.s32 @p2 $0x1082  }
0x22: {  	[simem:s7], [sflag:s8] =	dma.local @!p0 [hbm:s6], $0xF7A  }
0x23: {  	s9 =	sor.u32 $0xD0000000, s2;
	s6 =	simm.s32 $0x108;
	_ =	swait.ge @!p0 [sflag:s8], $0x0  }
0x24: {  	s3 =	sadd.s32 $0x88, s3;
	s6 =	simm.s32 @!p1 $0x1082;
	[sflag:s4] =	ssyncset.s32 $0xFFFFF086  }
0x25: {  	[simem:s6], [sflag:s4] =	dma.local [hbm:s3], $0xF7A  }
0x26: {  	[smem:$0x3F98] =	sst s1;
	(tag) =	ssettag s2;
	_ =	strace s9  }
0x27: {  	s1 =	sld [smem:$0x3FA8]  }
0x28: {  	s2 =	sld [smem:$0x3FA9]  }
0x29: {  	s4 =	sld [smem:$0x3FAB]  }
0x2a: {  	p0 =	seq.s32 s5, $0x0;
	s5 =	sld [smem:$0x3FAC]  }
0x2b: {  	s6 =	sld [smem:$0x3FAD]  }
0x2c: {  	s7 =	sld [smem:$0x3FAE]  }
0x2d: {  	s3 =	simm.s32 $0x108;
	s8 =	sld [smem:$0x3FAF]  }
0x2e: {  	s3 =	simm.s32 @!p0 $0x1082;
	s9 =	sld [smem:$0x3FB0]  }
0x2f: {  	lr =	sadd.s32 s0, s3;
	s0 =	sld [smem:$0x3FA7]  }
0x30: {  	s3 =	sld [smem:$0x3FAA]  }
0x31: {  	[smem:$0x3FB3] =	sst s10  }
0x32: {  	s10 =	sld [smem:$0x3FB1];
	_ =	sdelay $0x3  }
0x33: {  	p0 =	seq.s32 s10, $0x1;
	s10 =	sld [smem:$0x3FB3];
	_ =	sdelay $0x3  }
0x34: {  	[smem:$0x3FB3] =	sst s10  }
0x35: {  	s10 =	sld [smem:$0x3FB2];
	_ =	sdelay $0x3  }
0x36: {  	p1 =	seq.s32 s10, $0x1;
	s10 =	sld [smem:$0x3FB3];
	_ =	sdelay $0x3  }
0x37: {  	[smem:$0x3FB3] =	sst s10  }
0x38: {  	s10 =	sld [smem:$0x3FB4]  }
0x39: {  	_ = 	snop;
	(pc) =	sbr.ind lr, $3  }
0x3a: {  	_ = 	snop  }
0x3b: {  	_ = 	snop  }
0x3c: {  	p2 =	seq.s32 s10, $0x1;
	s10 =	sld [smem:$0x3FB3]  }
0x3d: {  	_ =	shalt  }
0x3e: {  	_ =	shalt  }
0x3f: {  	_ =	shalt  }
0x40: {  	_ =	shalt  }
0x41: {  	_ =	shalt  }
0x42: {  	_ =	shalt  }
0x43: {  	_ =	shalt  }
0x44: {  	_ =	shalt  }
0x45: {  	_ =	shalt  }
0x46: {  	_ =	shalt  }
0x47: {  	_ =	shalt  }
0x48: {  	_ =	shalt  }
0x49: {  	_ =	shalt  }
0x4a: {  	_ =	shalt  }
0x4b: {  	_ =	shalt  }
0x4c: {  	_ =	shalt  }
0x4d: {  	_ =	shalt  }
0x4e: {  	_ =	shalt  }
0x4f: {  	_ =	shalt  }
0x50: {  	_ =	shalt  }
0x51: {  	_ =	shalt  }
0x52: {  	_ =	shalt  }
0x53: {  	_ =	shalt  }
0x54: {  	_ =	shalt  }
0x55: {  	_ =	shalt  }
0x56: {  	_ =	shalt  }
0x57: {  	_ =	shalt  }
0x58: {  	_ =	shalt  }
0x59: {  	_ =	shalt  }
0x5a: {  	_ =	shalt  }
0x5b: {  	_ =	shalt  }
0x5c: {  	_ =	shalt  }
0x5d: {  	_ =	shalt  }
0x5e: {  	_ =	shalt  }
0x5f: {  	_ =	shalt  }
0x60: {  	_ =	shalt  }
0x61: {  	_ =	shalt  }
0x62: {  	_ =	shalt  }
0x63: {  	_ =	shalt  }
0x64: {  	_ =	shalt  }
0x65: {  	_ =	shalt  }
0x66: {  	_ =	shalt  }
0x67: {  	_ =	shalt  }
0x68: {  	_ =	shalt  }
0x69: {  	_ =	shalt  }
0x6a: {  	_ =	shalt  }
0x6b: {  	_ =	shalt  }
0x6c: {  	_ =	shalt  }
0x6d: {  	_ =	shalt  }
0x6e: {  	_ =	shalt  }
0x6f: {  	_ =	shalt  }
0x70: {  	_ =	shalt  }
0x71: {  	_ =	shalt  }
0x72: {  	_ =	shalt  }
0x73: {  	_ =	shalt  }
0x74: {  	_ =	shalt  }
0x75: {  	_ =	shalt  }
0x76: {  	_ =	shalt  }
0x77: {  	_ =	shalt  }
0x78: {  	_ =	shalt  }
0x79: {  	_ =	shalt  }
0x7a: {  	_ =	shalt  }
0x7b: {  	_ =	shalt  }
0x7c: {  	_ =	shalt  }
0x7d: {  	_ =	shalt  }
0x7e: {  	_ =	shalt  }
0x7f: {  	_ =	shalt  }
0x80: {  	_ =	shalt  }
0x81: {  	_ =	shalt  }
0x82: {  	_ =	shalt  }
0x83: {  	_ =	shalt  }
0x84: {  	_ =	shalt  }
0x85: {  	_ =	shalt  }
0x86: {  	_ =	shalt  }
0x87: {  	_ =	shalt  }
.Lfunc_end0:
.L_simem_size_0:
called_computation.1_lowered:
.L_overlay_start_0:
0x88: {  	s2 =	sld [smem:$0x3FD9]  }
0x89: {  	s3 =	sld [smem:$0x3FFE];
	_ =	sdelay $0x1  }
0x8a: {  	s1 =	srdreg.scid  }
0x8b: {  	s0 =	sand.u32 $0x1, s1  }
0x8c: {  	s16 =	sshll.u32 s0, $0xA;
	s2 =	sadd.s32 s3, s2  }
0x8d: {  	s2 =	sadd.s32 s2, s16  }
0x8e: {  	[smem:$0x3FBF] =	sst s2  }
0x8f: {  	_ = 	snop  }
0x90: {  	(tm) =	ssettm $0x1  }
0x91: {  	s17 =	sld [smem:$0x3FFB];
	_ =	sdelay $0x3  }
0x92: {  	_ =	strace s17  }
0x93: {  	s2 =	sld [smem:$0x3FFC];
	_ =	sdelay $0x3  }
0x94: {  	_ =	strace s2  }
0x95: {  	s2 =	sld [smem:$0x3FFD];
	_ =	sdelay $0x3  }
0x96: {  	_ =	strace s2  }
0x97: {  	_ =	strace $0x8FFFFFFF  }
0x98: {  	s18 =	sld [smem:$0x3FDB];
	_ =	sdelay $0x1  }
0x99: {  	s19 =	simm.s32 $_scs_section_size  }
0x9a: {  	s4 =	simm.s32 $_size__tile_overlayer_lowered;
	s5 =	simm.s32 $_tile_overlayer_lowered  }
0x9b: {  	s22 =	simm.s32 $0x1BFF;
	s21 =	sshll.u32 s5, $0x1;
	s2 =	sadd.s32 s19, s18  }
0x9c: {  	s6 =	simm.s32 $0x0;
	s20 =	sshll.u32 s4, $0x1;
	s4 =	sadd.s32 s21, s2  }
0x9d: {  	[timem:s6], [sflag:s22] =	dma.local [hbm:s4], s20  }
0x9e: {  	_ =	swait.ge [sflag:s22], s20  }
0x9f: {  	s3 =	ssub.s32 $0x0, s20;
	[sflag:s22] =	ssyncset.done $0x0  }
0xa0: {  	[sflag:s22] =	ssyncadd.s32 s3;
	_ =	sdelay $0x1  }
0xa1: {  	s23 =	simm.s32 $0x1B8B  }
0xa2: {  	_ =	swait.ge [sflag:s23], $0x1  }
0xa3: {  	[sflag:s23] =	ssyncset.done $0x0  }
0xa4: {  	s25 =	simm.s32 $0x1B8E;
	s24 =	sld [smem:$0x3FFE];
	[sflag:s23] =	ssyncadd.s32 $0xFFFFFFFF  }
0xa5: {  	s26 =	simm.s32 $execute0_lowered;
	[smem:$0x3FD2] =	sst s25  }
0xa6: {  	s4 =	sshll.u32 s26, $0x1;
	_ =	strace $0x80000049;
	[dreg:$0x1] =	wrdreg $0xFFFFFFFF  }
0xa7: {  	s28 =	simm.s32 $_size_execute0_lowered;
	s2 =	sadd.s32 s2, s4;
	[dreg:$0x0] =	wrdreg $0x0  }
0xa8: {  	s4 =	sshll.u32 s28, $0x1;
	[dreg:$0x2] =	wrdreg s2  }
0xa9: {  	[dreg:$0x3] =	wrdreg s4  }
0xaa: {  	[dreg:$0x4] =	wrdreg $0xC0  }
0xab: {  	_ =	task [dreg:s6], $0x5FFFF  }
0xac: {  	[dreg:$0x1] =	wrdreg $0xFFFFFFFF  }
0xad: {  	[dreg:$0x0] =	wrdreg $0x60  }
0xae: {  	[dreg:$0x2] =	wrdreg s24  }
0xaf: {  	[dreg:$0x3] =	wrdreg $0x90000  }
0xb0: {  	[dreg:$0x4] =	wrdreg $0x9  }
0xb1: {  	_ =	task.clear_ibuf [dreg:s6], $0x5FFFF;
	_ =	strace $0x90000049  }
0xb2: {  	s29 =	simm.s32 $0x9;
	_ =	strace $0x8000004B  }
0xb3: {  	_ =	swait.ge [sflag:s29], $0x1  }
0xb4: {  	[sflag:s29] =	ssyncadd.s32 $0xFFFFFFFF  }
0xb5: {  	_ =	strace $0x9000004B  }
0xb6: {  	_ =	sfence  }
0xb7: {  	s30 =	sld [smem:$0x0];
	_ =	sdelay $0x2  }
0xb8: {  	s31 =	sshll.u32 s1, $0xD;
	s1 =	sshrl.u32 s1, $0x2  }
0xb9: {  	s3 =	sand.u32 $0x4000, s31;
	s1 =	sadd.s32 s1, s30  }
0xba: {  	s0 =	sor.u32 s3, s0;
	s1 =	sshll.u32 s1, $0x11  }
0xbb: {  	s0 =	sor.u32 s1, s0  }
0xbc: {  	s0 =	sadd.s32 $0x8F2B, s0  }
0xbd: {  	[sflag:s0] =	ssyncadd.remote.s32 $0x1  }
0xbe: {  	_ =	sfence.sel $0xFFFF  }
0xbf: {  	[dreg:$0x0] =	wrdreg $0xFFFFFFFF;
	(pc) =	sbr.abs _section_cstart, $3  }
0xc0: {  	[dreg:$0x1] =	wrdreg $0xFFFFFFFF  }
0xc1: {  	_ =	task.clear_ibuf [dreg:s6], $0x2FFFF;
	_ =	strace $0x9FFFFFFF  }
0xc2: {  	(tm) =	ssettm $0x7FFFFFFF  }
0xc3: {  	_ =	shalt  }
tec
execute0_lowered:
.L_overlay_start_1:
0x0: {  	(tag) =	ssettag $0x1  }
0x1: {  	s0 =	rddreg [dreg:$0x0]  }
0x2: {  	s1 =	rddreg [dreg:$0x1];
	s2 =	simm.s32 $0x0;
	s3 =	srdreg.scid  }
0x3: {  	s14 =	stileid.u32;
	s15 =	simm.s32 $0x5;
	s17 =	simm.s32 $0x800  }
0x4: {  	s18 =	simm.s32 $0x7D;
	s28 =	simm.s32 $0xD80;
	s29 =	simm.s32 $0xA80  }
0x5: {  	s30 =	simm.s32 $0xE00;
	s31 =	simm.s32 $0xB00;
	[smem:$0x7FF] =	sst s2  }
0x6: {  	s3 =	sand.u32 $0x1, s3;
	s4 =	sadd.s32 $0x13600, s0;
	s7 =	smul.u32 $0x4E000, s14  }
0x7: {  	s5 =	sadd.s32 $0x62000, s0;
	s8 =	sadd.s32 $0x10E00, s0;
	s20 =	smul.u32 $0x13800, s14  }
0x8: {  	s0 =	sadd.s32 $0x76000, s0;
	s11 =	sshll.u32 s14, $0x6;
	s21 =	smul.u32 $0x5000, s14  }
0x9: {  	s12 =	sadd.s32 $0x138000, s1;
	p0 =	sne.s32 s14, $0xF;
	_ =	strace $0x8000004A  }
0xa: {  	s6 =	sshll.u32 s3, $0x4;
	[dreg:$0x3] =	wrdreg s8;
	s19 =	ssub.s32 $0x2, s3  }
0xb: {  	s10 =	smul.u32 $0x138800, s3;
	s16 =	sor.u32 $0x1C05, s11;
	s11 =	simm.s32 $0x0  }
0xc: {  	s3 =	smul.u32 $0x50000, s3;
	s12 =	sshrl.u32 @!p0 s12, $0x3;
	[dreg:$0xc] =	wrdreg s11  }
0xd: {  	s6 =	sor.u32 s14, s6;
	s9 =	sshrl.u32 s19, $0x1;
	[dreg:$0x4] =	wrdreg s16  }
0xe: {  	s7 =	sshrl.u32 s7, $0x2;
	[dreg:$0xb] =	wrdreg s12;
	s6 =	smul.u32 $0x5000, s6  }
0xf: {  	s8 =	ssub.s32 s19, s9;
	s7 =	sadd.s32 s7, s1;
	s22 =	sadd.s32 s20, s10  }
0x10: {  	s23 =	sshrl.u32 s10, $0x3;
	s3 =	sadd.s32 s21, s3;
	s19 =	simm.s32 $0x1000  }
0x11: {  	s21 =	simm.s32 $0x5000;
	s20 =	simm.s32 $0xC80;
	s9 =	simm.s32 $0xF80  }
0x12: {  	s10 =	simm.s32 $0x3;
	s24 =	sor.u32 $0x800, s3;
	s25 =	smax.u32 s8, $0x1  }
0x13: {  	s3 =	sadd.s32 $0x1000, s3;
	s14 =	sshrl.u32 s7, $0x3;
	s7 =	simm.s32 $0x80  }
0x14: {  	s8 =	simm.s32 $0xF00;
	s6 =	sshrl.u32 s6, $0x3;
	[dreg:$0x8] =	wrdreg s25  }
0x15: {  	s26 =	sshrl.u32 s24, $0x3;
	[dreg:$0x9] =	wrdreg s3;
	s25 =	simm.s32 $0x2  }
0x16: {  	s24 =	simm.s32 $0xD00;
	s3 =	simm.s32 $0xB80;
	[dreg:$0xa] =	wrdreg s14  }
.Ltmp0:
0x17: {  	s6 =	sadd.s32 s5, s6;
	s13 =	sadd.s32 s26, s5;
	(pc) =	sbr.rel .LBB2_1-.Ltmp0, $4  }
0x18: {  	s26 =	simm.s32 $0xA00;
	[dreg:$0x5] =	wrdreg s6;
	s6 =	sshrl.u32 s22, $0x3  }
0x19: {  	s22 =	simm.s32 $0x1;
	s6 =	sadd.s32 s0, s6;
	s0 =	sadd.s32 s0, s23  }
0x1a: {  	s23 =	simm.s32 $0x980;
	[dreg:$0x6] =	wrdreg s6;
	s0 =	sadd.s32 $0x27000, s0  }
0x1b: {  	s6 =	simm.s32 $0x4;
	[dreg:$0x7] =	wrdreg s0;
	s0 =	simm.s32 $0xE80  }
.LBB2_4:
0x1c: {  	[bflag:$0x0] =	sbarrier.arrive $0xFFFF  }
0x1d: {  	s16 =	rddreg [dreg:$0x4]  }
0x1e: {  	s11 =	rddreg [dreg:$0x6]  }
0x1f: {  	s14 =	rddreg [dreg:$0xa]  }
0x20: {  	[hbm:s11], [sflag:s16] =	dma.local [spmem:s14], $0x2700  }
0x21: {  	_ =	swait.ge [sflag:s15], $0x2700  }
0x22: {  	[sflag:s15] =	ssyncset.done $0x0;
	s11 =	rddreg [dreg:$0x7]  }
0x23: {  	s7 =	rddreg [dreg:$0xb];
	[sflag:s15] =	ssyncadd.s32 $0xFFFFD900  }
0x24: {  	[hbm:s11], [sflag:s16] =	dma.local @!p0 [spmem:s7], $0x100  }
0x25: {  	s11 =	simm.s32 @!p0 $0x5  }
0x26: {  	_ =	swait.ge @!p0 [sflag:s11], $0x100  }
0x27: {  	s20 =	rddreg [dreg:$0xc]  }
0x28: {  	s12 =	rddreg [dreg:$0x8];
	s20 =	sadd.s32 $0x1, s20  }
0x29: {  	p1 =	sne.s32 s20, s12  }
.Ltmp1:
0x2a: {  	_ = 	snop;
	(pc) =	sbr.rel @!p1 .LBB2_5-.Ltmp1, $4  }
0x2b: {  	_ = 	snop  }
0x2c: {  	[sflag:s11] =	ssyncset.done @!p0 $0x0  }
0x2d: {  	[sflag:s11] =	ssyncadd.s32 @!p0 $0xFFFFFF00;
	[dreg:$0xc] =	wrdreg s20  }
0x2e: {  	s20 =	simm.s32 $0xC80;
	s12 =	smov.u32 s7;
	s7 =	simm.s32 $0x80  }
.LBB2_1:
0x2f: {  	s11 =	rddreg [dreg:$0x3]  }
0x30: {  	[spmem:s14], [sflag:s16] =	dma.local [hbm:s11], $0x2700  }
0x31: {  	_ =	swait.ge [sflag:s15], $0x2700  }
0x32: {  	[sflag:s15] =	ssyncset.done $0x0  }
0x33: {  	[sflag:s15] =	ssyncadd.s32 $0xFFFFD900  }
0x34: {  	[spmem:s12], [sflag:s16] =	dma.local @!p0 [hbm:s11], $0x100  }
0x35: {  	s11 =	simm.s32 @!p0 $0x5  }
0x36: {  	_ =	swait.ge @!p0 [sflag:s11], $0x100  }
0x37: {  	[sflag:s11] =	ssyncset.done @!p0 $0x0  }
0x38: {  	[sflag:s11] =	ssyncadd.s32 @!p0 $0xFFFFFF00  }
0x39: {  	[bflag:$0x0] =	sbarrier.arrive $0xFFFF  }
0x3a: {  	s16 =	rddreg [dreg:$0x5]  }
0x3b: {  	[tilespmem:s2], [sflag:$0x5] =	stream.linear.gather [hbm4b:s16+s2], $0x800, $0x38;
	[tilespmem:$0x1C880] =	vst v63  }
0x3c: {  	_ =	swait.ge [sflag:s15], $0x800  }
0x3d: {  	[sflag:s15] =	ssyncset.done $0x0  }
0x3e: {  	s11 =	simm.s32 $0x0;
	s12 =	rddreg [dreg:$0x9];
	[sflag:s15] =	ssyncadd.s32 $0xFFFFF800  }
.LBB2_2:
0x3f: {  	s14 =	sadd.s32 s11, s13  }
0x40: {  	[tilespmem:s17], [sflag:$0x4] =	stream.linear.gather [hbm4b:s14+s2], $0x800, $0x38;
	[tilespmem:$0x1C880] =	vst v63  }
0x41: {  	_ = 	snop  }
0x42: {  	[tilespmem:s19], [sflag:$0x1] =	stream.indirect.gather [hbm4b:s4+s18], $0x80, s2, s18, $0xb8;
	[tilespmem:$0x1C880] =	vst v63  }
0x43: {  	_ = 	snop  }
0x44: {  	[tilespmem:s21], [sflag:$0x2] =	stream.indirect.gather [hbm4b:s4+s18], $0x80, s7, s18, $0xb8;
	[tilespmem:$0x1C880] =	vst v63  }
0x45: {  	_ =	swait.ge [sflag:s22], $0x3E80  }
0x46: {  	[sflag:s22] =	ssyncset.done $0x0  }
0x47: {  	s16 =	simm.s32 $0x400;
	[sflag:s22] =	ssyncadd.s32 $0xFFFFC180  }
0x48: {  	[spmem:s1] =	stream.indirect.scatter.add.f32 [tilespmem:s19], [sflag:$0x5], $0x80, s16, s18, $0xb8;
	[tilespmem:$0x1C880] =	vst v63  }
0x49: {  	_ =	swait.ge [sflag:s15], $0x3E80  }
0x4a: {  	[sflag:s15] =	ssyncset.done $0x0  }
0x4b: {  	s16 =	simm.s32 $0x100;
	[sflag:s15] =	ssyncadd.s32 $0xFFFFC180  }
0x4c: {  	[tilespmem:s19], [sflag:$0x1] =	stream.indirect.gather [hbm4b:s4+s18], $0x80, s16, s18, $0xb8;
	[tilespmem:$0x1C880] =	vst v63  }
0x4d: {  	_ =	swait.ge [sflag:s25], $0x3E80  }
0x4e: {  	[sflag:s25] =	ssyncset.done $0x0  }
0x4f: {  	s16 =	simm.s32 $0x480;
	[sflag:s25] =	ssyncadd.s32 $0xFFFFC180  }
0x50: {  	[spmem:s1] =	stream.indirect.scatter.add.f32 [tilespmem:s21], [sflag:$0x5], $0x80, s16, s18, $0xb8;
	[tilespmem:$0x1C880] =	vst v63  }
0x51: {  	_ =	swait.ge [sflag:s15], $0x3E80  }
0x52: {  	[sflag:s15] =	ssyncset.done $0x0  }
0x53: {  	s16 =	simm.s32 $0x180;
	[sflag:s15] =	ssyncadd.s32 $0xFFFFC180  }
0x54: {  	[tilespmem:s21], [sflag:$0x2] =	stream.indirect.gather [hbm4b:s4+s18], $0x80, s16, s18, $0xb8;
	[tilespmem:$0x1C880] =	vst v63  }
0x55: {  	_ =	swait.ge [sflag:s22], $0x3E80  }
0x56: {  	[sflag:s22] =	ssyncset.done $0x0  }
0x57: {  	s16 =	simm.s32 $0x500;
	[sflag:s22] =	ssyncadd.s32 $0xFFFFC180  }
0x58: {  	[spmem:s1] =	stream.indirect.scatter.add.f32 [tilespmem:s19], [sflag:$0x5], $0x80, s16, s18, $0xb8;
	[tilespmem:$0x1C880] =	vst v63  }
0x59: {  	_ =	swait.ge [sflag:s15], $0x3E80  }
0x5a: {  	[sflag:s15] =	ssyncset.done $0x0  }
0x5b: {  	s16 =	simm.s32 $0x200;
	[sflag:s15] =	ssyncadd.s32 $0xFFFFC180  }
0x5c: {  	[tilespmem:s19], [sflag:$0x1] =	stream.indirect.gather [hbm4b:s4+s18], $0x80, s16, s18, $0xb8;
	[tilespmem:$0x1C880] =	vst v63  }
0x5d: {  	_ =	swait.ge [sflag:s25], $0x3E80  }
0x5e: {  	[sflag:s25] =	ssyncset.done $0x0  }
0x5f: {  	s16 =	simm.s32 $0x580;
	[sflag:s25] =	ssyncadd.s32 $0xFFFFC180  }
0x60: {  	[spmem:s1] =	stream.indirect.scatter.add.f32 [tilespmem:s21], [sflag:$0x5], $0x80, s16, s18, $0xb8;
	[tilespmem:$0x1C880] =	vst v63  }
0x61: {  	_ =	swait.ge [sflag:s15], $0x3E80  }
0x62: {  	[sflag:s15] =	ssyncset.done $0x0  }
0x63: {  	s16 =	simm.s32 $0x280;
	[sflag:s15] =	ssyncadd.s32 $0xFFFFC180  }
0x64: {  	[tilespmem:s21], [sflag:$0x2] =	stream.indirect.gather [hbm4b:s4+s18], $0x80, s16, s18, $0xb8;
	[tilespmem:$0x1C880] =	vst v63  }
0x65: {  	_ =	swait.ge [sflag:s22], $0x3E80  }
0x66: {  	[sflag:s22] =	ssyncset.done $0x0  }
0x67: {  	s16 =	simm.s32 $0x600;
	[sflag:s22] =	ssyncadd.s32 $0xFFFFC180  }
0x68: {  	[spmem:s1] =	stream.indirect.scatter.add.f32 [tilespmem:s19], [sflag:$0x5], $0x80, s16, s18, $0xb8;
	[tilespmem:$0x1C880] =	vst v63  }
0x69: {  	_ =	swait.ge [sflag:s15], $0x3E80  }
0x6a: {  	[sflag:s15] =	ssyncset.done $0x0  }
0x6b: {  	s16 =	simm.s32 $0x300;
	[sflag:s15] =	ssyncadd.s32 $0xFFFFC180  }
0x6c: {  	[tilespmem:s19], [sflag:$0x1] =	stream.indirect.gather [hbm4b:s4+s18], $0x80, s16, s18, $0xb8;
	[tilespmem:$0x1C880] =	vst v63  }
0x6d: {  	_ =	swait.ge [sflag:s25], $0x3E80  }
0x6e: {  	[sflag:s25] =	ssyncset.done $0x0  }
0x6f: {  	s16 =	simm.s32 $0x680;
	[sflag:s25] =	ssyncadd.s32 $0xFFFFC180  }
0x70: {  	[spmem:s1] =	stream.indirect.scatter.add.f32 [tilespmem:s21], [sflag:$0x5], $0x80, s16, s18, $0xb8;
	[tilespmem:$0x1C880] =	vst v63  }
0x71: {  	_ =	swait.ge [sflag:s15], $0x3E80  }
0x72: {  	[sflag:s15] =	ssyncset.done $0x0  }
0x73: {  	s16 =	simm.s32 $0x380;
	[sflag:s15] =	ssyncadd.s32 $0xFFFFC180  }
0x74: {  	[tilespmem:s21], [sflag:$0x2] =	stream.indirect.gather [hbm4b:s4+s18], $0x80, s16, s18, $0xb8;
	[tilespmem:$0x1C880] =	vst v63  }
0x75: {  	_ =	swait.ge [sflag:s22], $0x3E80  }
0x76: {  	[sflag:s22] =	ssyncset.done $0x0  }
0x77: {  	s16 =	simm.s32 $0x700;
	[sflag:s22] =	ssyncadd.s32 $0xFFFFC180  }
0x78: {  	[spmem:s1] =	stream.indirect.scatter.add.f32 [tilespmem:s19], [sflag:$0x5], $0x80, s16, s18, $0xb8;
	[tilespmem:$0x1C880] =	vst v63  }
0x79: {  	_ =	swait.ge [sflag:s15], $0x3E80  }
0x7a: {  	[sflag:s15] =	ssyncset.done $0x0  }
0x7b: {  	[sflag:s15] =	ssyncadd.s32 $0xFFFFC180  }
0x7c: {  	_ =	swait.ge [sflag:s25], $0x3E80  }
0x7d: {  	[sflag:s25] =	ssyncset.done $0x0  }
0x7e: {  	s16 =	simm.s32 $0x780;
	[sflag:s25] =	ssyncadd.s32 $0xFFFFC180  }
0x7f: {  	[spmem:s1] =	stream.indirect.scatter.add.f32 [tilespmem:s21], [sflag:$0x5], $0x80, s16, s18, $0xb8;
	[tilespmem:$0x1C880] =	vst v63  }
0x80: {  	p1 =	seq.s32 s11, $0x800;
	_ =	swait.ge [sflag:s15], $0x3E80  }
0x81: {  	s14 =	sshrl.u32 @!p1 s12, $0x3;
	[sflag:s15] =	ssyncset.done $0x0  }
0x82: {  	s14 =	sadd.s32 @!p1 s5, s14;
	s16 =	simm.s32 @!p1 $0x0;
	[sflag:s15] =	ssyncadd.s32 $0xFFFFC180  }
0x83: {  	[tilespmem:s16], [sflag:$0x3] =	stream.linear.gather @!p1 [hbm4b:s14+s16], $0x800, $0x38;
	[tilespmem:$0x1C880] =	vst v63  }
0x84: {  	_ =	swait.ge [sflag:s6], $0x800  }
0x85: {  	[sflag:s6] =	ssyncset.done $0x0  }
0x86: {  	[sflag:s6] =	ssyncadd.s32 $0xFFFFF800  }
0x87: {  	[tilespmem:s19], [sflag:$0x1] =	stream.indirect.gather [hbm4b:s4+s18], $0x80, s17, s18, $0xb8;
	[tilespmem:$0x1C880] =	vst v63  }
0x88: {  	s16 =	simm.s32 $0x880  }
0x89: {  	[tilespmem:s21], [sflag:$0x2] =	stream.indirect.gather [hbm4b:s4+s18], $0x80, s16, s18, $0xb8;
	[tilespmem:$0x1C880] =	vst v63  }
0x8a: {  	_ =	swait.ge [sflag:s22], $0x3E80  }
0x8b: {  	[sflag:s22] =	ssyncset.done $0x0  }
0x8c: {  	s16 =	simm.s32 $0xC00;
	[sflag:s22] =	ssyncadd.s32 $0xFFFFC180  }
0x8d: {  	[spmem:s1] =	stream.indirect.scatter.add.f32 [tilespmem:s19], [sflag:$0x5], $0x80, s16, s18, $0xb8;
	[tilespmem:$0x1C880] =	vst v63  }
0x8e: {  	_ =	swait.ge [sflag:s15], $0x3E80  }
0x8f: {  	[sflag:s15] =	ssyncset.done $0x0  }
0x90: {  	s16 =	simm.s32 $0x900;
	[sflag:s15] =	ssyncadd.s32 $0xFFFFC180  }
0x91: {  	[tilespmem:s19], [sflag:$0x1] =	stream.indirect.gather [hbm4b:s4+s18], $0x80, s16, s18, $0xb8;
	[tilespmem:$0x1C880] =	vst v63  }
0x92: {  	_ =	swait.ge [sflag:s25], $0x3E80  }
0x93: {  	[sflag:s25] =	ssyncset.done $0x0  }
0x94: {  	[sflag:s25] =	ssyncadd.s32 $0xFFFFC180  }
0x95: {  	[spmem:s1] =	stream.indirect.scatter.add.f32 [tilespmem:s21], [sflag:$0x5], $0x80, s20, s18, $0xb8;
	[tilespmem:$0x1C880] =	vst v63  }
0x96: {  	_ =	swait.ge [sflag:s15], $0x3E80  }
0x97: {  	[sflag:s15] =	ssyncset.done $0x0  }
0x98: {  	[sflag:s15] =	ssyncadd.s32 $0xFFFFC180  }
0x99: {  	[tilespmem:s21], [sflag:$0x2] =	stream.indirect.gather [hbm4b:s4+s18], $0x80, s23, s18, $0xb8;
	[tilespmem:$0x1C880] =	vst v63  }
0x9a: {  	_ =	swait.ge [sflag:s22], $0x3E80  }
0x9b: {  	[sflag:s22] =	ssyncset.done $0x0  }
0x9c: {  	[sflag:s22] =	ssyncadd.s32 $0xFFFFC180  }
0x9d: {  	[spmem:s1] =	stream.indirect.scatter.add.f32 [tilespmem:s19], [sflag:$0x5], $0x80, s24, s18, $0xb8;
	[tilespmem:$0x1C880] =	vst v63  }
0x9e: {  	_ =	swait.ge [sflag:s15], $0x3E80  }
0x9f: {  	[sflag:s15] =	ssyncset.done $0x0  }
0xa0: {  	[sflag:s15] =	ssyncadd.s32 $0xFFFFC180  }
0xa1: {  	[tilespmem:s19], [sflag:$0x1] =	stream.indirect.gather [hbm4b:s4+s18], $0x80, s26, s18, $0xb8;
	[tilespmem:$0x1C880] =	vst v63  }
0xa2: {  	_ =	swait.ge [sflag:s25], $0x3E80  }
0xa3: {  	[sflag:s25] =	ssyncset.done $0x0  }
0xa4: {  	[sflag:s25] =	ssyncadd.s32 $0xFFFFC180  }
0xa5: {  	[spmem:s1] =	stream.indirect.scatter.add.f32 [tilespmem:s21], [sflag:$0x5], $0x80, s28, s18, $0xb8;
	[tilespmem:$0x1C880] =	vst v63  }
0xa6: {  	_ =	swait.ge [sflag:s15], $0x3E80  }
0xa7: {  	[sflag:s15] =	ssyncset.done $0x0  }
0xa8: {  	[sflag:s15] =	ssyncadd.s32 $0xFFFFC180  }
0xa9: {  	[tilespmem:s21], [sflag:$0x2] =	stream.indirect.gather [hbm4b:s4+s18], $0x80, s29, s18, $0xb8;
	[tilespmem:$0x1C880] =	vst v63  }
0xaa: {  	_ =	swait.ge [sflag:s22], $0x3E80  }
0xab: {  	[sflag:s22] =	ssyncset.done $0x0  }
0xac: {  	[sflag:s22] =	ssyncadd.s32 $0xFFFFC180  }
0xad: {  	[spmem:s1] =	stream.indirect.scatter.add.f32 [tilespmem:s19], [sflag:$0x5], $0x80, s30, s18, $0xb8;
	[tilespmem:$0x1C880] =	vst v63  }
0xae: {  	_ =	swait.ge [sflag:s15], $0x3E80  }
0xaf: {  	[sflag:s15] =	ssyncset.done $0x0  }
0xb0: {  	[sflag:s15] =	ssyncadd.s32 $0xFFFFC180  }
0xb1: {  	[tilespmem:s19], [sflag:$0x1] =	stream.indirect.gather [hbm4b:s4+s18], $0x80, s31, s18, $0xb8;
	[tilespmem:$0x1C880] =	vst v63  }
0xb2: {  	_ =	swait.ge [sflag:s25], $0x3E80  }
0xb3: {  	[sflag:s25] =	ssyncset.done $0x0  }
0xb4: {  	[sflag:s25] =	ssyncadd.s32 $0xFFFFC180  }
0xb5: {  	[spmem:s1] =	stream.indirect.scatter.add.f32 [tilespmem:s21], [sflag:$0x5], $0x80, s0, s18, $0xb8;
	[tilespmem:$0x1C880] =	vst v63  }
0xb6: {  	_ =	swait.ge [sflag:s15], $0x3E80  }
0xb7: {  	[sflag:s15] =	ssyncset.done $0x0  }
0xb8: {  	[sflag:s15] =	ssyncadd.s32 $0xFFFFC180  }
0xb9: {  	[tilespmem:s21], [sflag:$0x2] =	stream.indirect.gather [hbm4b:s4+s18], $0x80, s3, s18, $0xb8;
	[tilespmem:$0x1C880] =	vst v63  }
0xba: {  	_ =	swait.ge [sflag:s22], $0x3E80  }
0xbb: {  	[sflag:s22] =	ssyncset.done $0x0  }
0xbc: {  	[sflag:s22] =	ssyncadd.s32 $0xFFFFC180  }
0xbd: {  	[spmem:s1] =	stream.indirect.scatter.add.f32 [tilespmem:s19], [sflag:$0x5], $0x80, s8, s18, $0xb8;
	[tilespmem:$0x1C880] =	vst v63  }
0xbe: {  	_ =	swait.ge [sflag:s15], $0x3E80  }
0xbf: {  	[sflag:s15] =	ssyncset.done $0x0  }
0xc0: {  	[sflag:s15] =	ssyncadd.s32 $0xFFFFC180  }
0xc1: {  	_ =	swait.ge [sflag:s25], $0x3E80  }
0xc2: {  	[sflag:s25] =	ssyncset.done $0x0  }
.Ltmp2:
0xc3: {  	[sflag:s25] =	ssyncadd.s32 $0xFFFFC180;
	(pc) =	sbr.rel @p1 .LBB2_4-.Ltmp2, $4  }
0xc4: {  	[spmem:s1] =	stream.indirect.scatter.add.f32 [tilespmem:s21], [sflag:$0x5], $0x80, s9, s18, $0xb8;
	[tilespmem:$0x1C880] =	vst v63  }
0xc5: {  	_ =	swait.ge [sflag:s15], $0x3E80  }
0xc6: {  	[sflag:s15] =	ssyncset.done $0x0  }
0xc7: {  	[sflag:s15] =	ssyncadd.s32 $0xFFFFC180  }
.Ltmp3:
0xc8: {  	(pc) =	sbr.rel .LBB2_2-.Ltmp3, $4  }
0xc9: {  	_ = 	snop  }
0xca: {  	_ =	swait.ge [sflag:s10], $0x800  }
0xcb: {  	[sflag:s10] =	ssyncset.done $0x0  }
0xcc: {  	s12 =	sadd.s32 $0x1000, s12;
	s11 =	sadd.s32 $0x200, s11;
	[sflag:s10] =	ssyncadd.s32 $0xFFFFF800  }
.LBB2_5:
0xcd: {  	_ =	sfence.sel $0x180000  }
0xce: {  	[bflag:$0x0] =	sbarrier.arrive $0xFFFF  }
0xcf: {  	_ =	strace $0x9000004A  }
0xd0: {  	s0 =	stileid.u32;
	[bflag:$0x2] =	sbarrier.arrive $0xFFFF  }
0xd1: {  	p0 =	sne.s32 s0, $0x0;
	s0 =	rddreg [dreg:$0x2]  }
0xd2: {  	s0 =	sadd.s32 @!p0 $0x100000, s0  }
0xd3: {  	[sflag:s0] =	ssyncadd.tile.s32 @!p0 $0x1;
	_ =	shalt  }
.Lfunc_end2:
_tile_overlayer_lowered:
.L_overlay_start_2:
0xd4: {  	(tag) =	ssettag $0x2  }
0xd5: {  	s0 =	rddreg [dreg:$0x0];
	s2 =	stileid.u32  }
0xd6: {  	s1 =	rddreg [dreg:$0x1];
	p0 =	sne.s32 s2, $0x0  }
0xd7: {  	s3 =	rddreg [dreg:$0x2];
	[bflag:$0x3] =	sbarrier.arrive $0xFFFF;
	s2 =	simm.s32 @!p0 $0x1C05  }
0xd8: {  	[timem:s3], [sflag:s2] =	dma.local @!p0 [hbm:s0], s1  }
0xd9: {  	s0 =	simm.s32 @!p0 $0x5  }
0xda: {  	_ =	swait.ge @!p0 [sflag:s0], s1  }
0xdb: {  	s1 =	ssub.s32 @!p0 $0x0, s1;
	[sflag:s0] =	ssyncset.done @!p0 $0x0  }
0xdc: {  	[sflag:s0] =	ssyncadd.s32 @!p0 s1  }
0xdd: {  	[bflag:$0x3] =	sbarrier.arrive $0xFFFF  }
0xde: {  	_ =	shalt  }

// kernel: kernel.14.cloned.1.call-start
scs
__scs_entry_jumppad:
0x0: {  	(pc) =	sbr.rel $0x88, $3  }
0x1: {  	(tag) =	ssettag $0x0;
	lr =	simm.s32 $0x1  }
0x2: {  	[smem:$0x3F98] =	sst lr;
	_ =	strace $0xD0000000  }
0x3: {  	_ = 	snop  }
0x4: {  	_ = 	snop  }
0x5: {  	_ = 	snop  }
0x6: {  	_ = 	snop  }
0x7: {  	_ = 	snop  }
__scs_overlays_trampoline_lowered:
0x8: {  	[smem:$0x3FA7] =	sst s0  }
0x9: {  	[smem:$0x3FA8] =	sst s1  }
0xa: {  	[smem:$0x3FA9] =	sst s2  }
0xb: {  	[smem:$0x3FAA] =	sst s3  }
0xc: {  	[smem:$0x3FAB] =	sst s4  }
0xd: {  	[smem:$0x3FAC] =	sst s5  }
0xe: {  	[smem:$0x3FAD] =	sst s6  }
0xf: {  	[smem:$0x3FAE] =	sst s7  }
0x10: {  	[smem:$0x3FAF] =	sst s8  }
0x11: {  	[smem:$0x3FB0] =	sst s9;
	s0 =	simm.s32 @!p0 $0x0  }
0x12: {  	s1 =	sld [smem:$0x3F96];
	s0 =	simm.s32 @p0 $0x1  }
0x13: {  	[smem:$0x3FB1] =	sst s0;
	s0 =	simm.s32 @!p1 $0x0  }
0x14: {  	s2 =	sld [smem:$0x3F95];
	s0 =	simm.s32 @p1 $0x1  }
0x15: {  	[smem:$0x3FB2] =	sst s0;
	s0 =	simm.s32 @!p2 $0x0  }
0x16: {  	s3 =	sld [smem:$0x3FDB];
	s0 =	simm.s32 @p2 $0x1  }
0x17: {  	s4 =	simm.s32 $0x1BF5;
	[smem:$0x3FB4] =	sst s0  }
0x18: {  	s0 =	sld [smem:$0x3F97];
	_ =	swait.ge [sflag:s4], $0x0  }
0x19: {  	s7 =	sld [smem:$0x3F98]  }
0x1a: {  	s8 =	sadd.s32 $0xFFFFE003, lr  }
0x1b: {  	s9 =	sadd.s32 $0xFFFFFEF7, lr;
	s5 =	simm.s32 $0xFFFFFFFF;
	p2 =	slt.u32 s8, $0xFFFFF086  }
0x1c: {  	p1 =	slt.u32 s9, $0xF7A;
	s5 =	simm.s32 @!p2 $0x0  }
0x1d: {  	s5 =	simm.s32 @p1 $0x1;
	p0 =	seq.s32 s7, s2  }
0x1e: {  	s7 =	smul.u32 @!p0 $0xF7A, s2;
	p2 =	seq.s32 @!p0 s5, $0x0  }
0x1f: {  	s9 =	smul.u32 $0xF7A, s1;
	s8 =	simm.s32 @!p0 $0x1BF5;
	p2 =	por !p2, p0  }
0x20: {  	[sflag:s8] =	ssyncset.s32 @!p0 $0xFFFFF086;
	s6 =	sadd.s32 @!p0 s3, s7;
	s7 =	simm.s32 @!p0 $0x108  }
0x21: {  	s3 =	sadd.s32 s3, s9;
	s6 =	sadd.s32 @!p0 $0x88, s6;
	s7 =	simm.s32 @p2 $0x1082  }
0x22: {  	[simem:s7], [sflag:s8] =	dma.local @!p0 [hbm:s6], $0xF7A  }
0x23: {  	s9 =	sor.u32 $0xD0000000, s2;
	s6 =	simm.s32 $0x108;
	_ =	swait.ge @!p0 [sflag:s8], $0x0  }
0x24: {  	s3 =	sadd.s32 $0x88, s3;
	s6 =	simm.s32 @!p1 $0x1082;
	[sflag:s4] =	ssyncset.s32 $0xFFFFF086  }
0x25: {  	[simem:s6], [sflag:s4] =	dma.local [hbm:s3], $0xF7A  }
0x26: {  	[smem:$0x3F98] =	sst s1;
	(tag) =	ssettag s2;
	_ =	strace s9  }
0x27: {  	s1 =	sld [smem:$0x3FA8]  }
0x28: {  	s2 =	sld [smem:$0x3FA9]  }
0x29: {  	s4 =	sld [smem:$0x3FAB]  }
0x2a: {  	p0 =	seq.s32 s5, $0x0;
	s5 =	sld [smem:$0x3FAC]  }
0x2b: {  	s6 =	sld [smem:$0x3FAD]  }
0x2c: {  	s7 =	sld [smem:$0x3FAE]  }
0x2d: {  	s3 =	simm.s32 $0x108;
	s8 =	sld [smem:$0x3FAF]  }
0x2e: {  	s3 =	simm.s32 @!p0 $0x1082;
	s9 =	sld [smem:$0x3FB0]  }
0x2f: {  	lr =	sadd.s32 s0, s3;
	s0 =	sld [smem:$0x3FA7]  }
0x30: {  	s3 =	sld [smem:$0x3FAA]  }
0x31: {  	[smem:$0x3FB3] =	sst s10  }
0x32: {  	s10 =	sld [smem:$0x3FB1];
	_ =	sdelay $0x3  }
0x33: {  	p0 =	seq.s32 s10, $0x1;
	s10 =	sld [smem:$0x3FB3];
	_ =	sdelay $0x3  }
0x34: {  	[smem:$0x3FB3] =	sst s10  }
0x35: {  	s10 =	sld [smem:$0x3FB2];
	_ =	sdelay $0x3  }
0x36: {  	p1 =	seq.s32 s10, $0x1;
	s10 =	sld [smem:$0x3FB3];
	_ =	sdelay $0x3  }
0x37: {  	[smem:$0x3FB3] =	sst s10  }
0x38: {  	s10 =	sld [smem:$0x3FB4]  }
0x39: {  	_ = 	snop;
	(pc) =	sbr.ind lr, $3  }
0x3a: {  	_ = 	snop  }
0x3b: {  	_ = 	snop  }
0x3c: {  	p2 =	seq.s32 s10, $0x1;
	s10 =	sld [smem:$0x3FB3]  }
0x3d: {  	_ =	shalt  }
0x3e: {  	_ =	shalt  }
0x3f: {  	_ =	shalt  }
0x40: {  	_ =	shalt  }
0x41: {  	_ =	shalt  }
0x42: {  	_ =	shalt  }
0x43: {  	_ =	shalt  }
0x44: {  	_ =	shalt  }
0x45: {  	_ =	shalt  }
0x46: {  	_ =	shalt  }
0x47: {  	_ =	shalt  }
0x48: {  	_ =	shalt  }
0x49: {  	_ =	shalt  }
0x4a: {  	_ =	shalt  }
0x4b: {  	_ =	shalt  }
0x4c: {  	_ =	shalt  }
0x4d: {  	_ =	shalt  }
0x4e: {  	_ =	shalt  }
0x4f: {  	_ =	shalt  }
0x50: {  	_ =	shalt  }
0x51: {  	_ =	shalt  }
0x52: {  	_ =	shalt  }
0x53: {  	_ =	shalt  }
0x54: {  	_ =	shalt  }
0x55: {  	_ =	shalt  }
0x56: {  	_ =	shalt  }
0x57: {  	_ =	shalt  }
0x58: {  	_ =	shalt  }
0x59: {  	_ =	shalt  }
0x5a: {  	_ =	shalt  }
0x5b: {  	_ =	shalt  }
0x5c: {  	_ =	shalt  }
0x5d: {  	_ =	shalt  }
0x5e: {  	_ =	shalt  }
0x5f: {  	_ =	shalt  }
0x60: {  	_ =	shalt  }
0x61: {  	_ =	shalt  }
0x62: {  	_ =	shalt  }
0x63: {  	_ =	shalt  }
0x64: {  	_ =	shalt  }
0x65: {  	_ =	shalt  }
0x66: {  	_ =	shalt  }
0x67: {  	_ =	shalt  }
0x68: {  	_ =	shalt  }
0x69: {  	_ =	shalt  }
0x6a: {  	_ =	shalt  }
0x6b: {  	_ =	shalt  }
0x6c: {  	_ =	shalt  }
0x6d: {  	_ =	shalt  }
0x6e: {  	_ =	shalt  }
0x6f: {  	_ =	shalt  }
0x70: {  	_ =	shalt  }
0x71: {  	_ =	shalt  }
0x72: {  	_ =	shalt  }
0x73: {  	_ =	shalt  }
0x74: {  	_ =	shalt  }
0x75: {  	_ =	shalt  }
0x76: {  	_ =	shalt  }
0x77: {  	_ =	shalt  }
0x78: {  	_ =	shalt  }
0x79: {  	_ =	shalt  }
0x7a: {  	_ =	shalt  }
0x7b: {  	_ =	shalt  }
0x7c: {  	_ =	shalt  }
0x7d: {  	_ =	shalt  }
0x7e: {  	_ =	shalt  }
0x7f: {  	_ =	shalt  }
0x80: {  	_ =	shalt  }
0x81: {  	_ =	shalt  }
0x82: {  	_ =	shalt  }
0x83: {  	_ =	shalt  }
0x84: {  	_ =	shalt  }
0x85: {  	_ =	shalt  }
0x86: {  	_ =	shalt  }
0x87: {  	_ =	shalt  }
.Lfunc_end0:
.L_simem_size_0:
called_computation.2_lowered:
.L_overlay_start_0:
0x88: {  	s2 =	sld [smem:$0x3FD9]  }
0x89: {  	s3 =	sld [smem:$0x3FFE];
	_ =	sdelay $0x1  }
0x8a: {  	s1 =	srdreg.scid  }
0x8b: {  	s0 =	sand.u32 $0x1, s1  }
0x8c: {  	s16 =	sshll.u32 s0, $0xA;
	s2 =	sadd.s32 s3, s2  }
0x8d: {  	s2 =	sadd.s32 s2, s16  }
0x8e: {  	[smem:$0x3FBF] =	sst s2  }
0x8f: {  	_ = 	snop  }
0x90: {  	(tm) =	ssettm $0x1  }
0x91: {  	s17 =	sld [smem:$0x3FFB];
	_ =	sdelay $0x3  }
0x92: {  	_ =	strace s17  }
0x93: {  	s2 =	sld [smem:$0x3FFC];
	_ =	sdelay $0x3  }
0x94: {  	_ =	strace s2  }
0x95: {  	s2 =	sld [smem:$0x3FFD];
	_ =	sdelay $0x3  }
0x96: {  	_ =	strace s2  }
0x97: {  	_ =	strace $0x8FFFFFFF  }
0x98: {  	s18 =	sld [smem:$0x3FDB];
	_ =	sdelay $0x1  }
0x99: {  	s19 =	simm.s32 $_scs_section_size  }
0x9a: {  	s4 =	simm.s32 $_size__tile_overlayer_lowered;
	s5 =	simm.s32 $_tile_overlayer_lowered  }
0x9b: {  	s22 =	simm.s32 $0x1BFF;
	s21 =	sshll.u32 s5, $0x1;
	s2 =	sadd.s32 s19, s18  }
0x9c: {  	s6 =	simm.s32 $0x0;
	s20 =	sshll.u32 s4, $0x1;
	s4 =	sadd.s32 s21, s2  }
0x9d: {  	[timem:s6], [sflag:s22] =	dma.local [hbm:s4], s20  }
0x9e: {  	_ =	swait.ge [sflag:s22], s20  }
0x9f: {  	s3 =	ssub.s32 $0x0, s20;
	[sflag:s22] =	ssyncset.done $0x0  }
0xa0: {  	[sflag:s22] =	ssyncadd.s32 s3;
	_ =	sdelay $0x1  }
0xa1: {  	s23 =	simm.s32 $0x1B8B  }
0xa2: {  	_ =	swait.ge [sflag:s23], $0x1  }
0xa3: {  	[sflag:s23] =	ssyncset.done $0x0  }
0xa4: {  	s25 =	simm.s32 $0x1B8E;
	s24 =	sld [smem:$0x3FFE];
	[sflag:s23] =	ssyncadd.s32 $0xFFFFFFFF  }
0xa5: {  	s26 =	simm.s32 $execute0_lowered;
	[smem:$0x3FD2] =	sst s25  }
0xa6: {  	s4 =	sshll.u32 s26, $0x1;
	_ =	strace $0x8000004C;
	[dreg:$0x1] =	wrdreg $0xFFFFFFFF  }
0xa7: {  	s28 =	simm.s32 $_size_execute0_lowered;
	s2 =	sadd.s32 s2, s4;
	[dreg:$0x0] =	wrdreg $0x0  }
0xa8: {  	s4 =	sshll.u32 s28, $0x1;
	[dreg:$0x2] =	wrdreg s2  }
0xa9: {  	[dreg:$0x3] =	wrdreg s4  }
0xaa: {  	[dreg:$0x4] =	wrdreg $0xC0  }
0xab: {  	_ =	task [dreg:s6], $0x5FFFF  }
0xac: {  	[dreg:$0x1] =	wrdreg $0xFFFFFFFF  }
0xad: {  	[dreg:$0x0] =	wrdreg $0x60  }
0xae: {  	[dreg:$0x2] =	wrdreg s24  }
0xaf: {  	[dreg:$0x3] =	wrdreg $0x90000  }
0xb0: {  	[dreg:$0x4] =	wrdreg $0x9  }
0xb1: {  	_ =	task.clear_ibuf [dreg:s6], $0x5FFFF;
	_ =	strace $0x9000004C  }
0xb2: {  	s29 =	simm.s32 $0x9;
	_ =	strace $0x8000004E  }
0xb3: {  	_ =	swait.ge [sflag:s29], $0x1  }
0xb4: {  	[sflag:s29] =	ssyncadd.s32 $0xFFFFFFFF  }
0xb5: {  	_ =	strace $0x9000004E  }
0xb6: {  	_ =	sfence  }
0xb7: {  	s30 =	sld [smem:$0x0];
	_ =	sdelay $0x2  }
0xb8: {  	s31 =	sshll.u32 s1, $0xD;
	s1 =	sshrl.u32 s1, $0x2  }
0xb9: {  	s3 =	sand.u32 $0x4000, s31;
	s1 =	sadd.s32 s1, s30  }
0xba: {  	s0 =	sor.u32 s3, s0;
	s1 =	sshll.u32 s1, $0x11  }
0xbb: {  	s0 =	sor.u32 s1, s0  }
0xbc: {  	s0 =	sadd.s32 $0x8F2B, s0  }
0xbd: {  	[sflag:s0] =	ssyncadd.remote.s32 $0x1  }
0xbe: {  	_ =	sfence.sel $0xFFFF  }
0xbf: {  	[dreg:$0x0] =	wrdreg $0xFFFFFFFF;
	(pc) =	sbr.abs _section_cstart, $3  }
0xc0: {  	[dreg:$0x1] =	wrdreg $0xFFFFFFFF  }
0xc1: {  	_ =	task.clear_ibuf [dreg:s6], $0x2FFFF;
	_ =	strace $0x9FFFFFFF  }
0xc2: {  	(tm) =	ssettm $0x7FFFFFFF  }
0xc3: {  	_ =	shalt  }
tec
execute0_lowered:
.L_overlay_start_1:
0x0: {  	(tag) =	ssettag $0x1  }
0x1: {  	s0 =	rddreg [dreg:$0x0]  }
0x2: {  	s1 =	rddreg [dreg:$0x1];
	s2 =	simm.s32 $0x0;
	s3 =	srdreg.scid  }
0x3: {  	s14 =	stileid.u32;
	s15 =	simm.s32 $0x5;
	s17 =	simm.s32 $0x800  }
0x4: {  	s18 =	simm.s32 $0x7D;
	s28 =	simm.s32 $0xD80;
	s29 =	simm.s32 $0xA80  }
0x5: {  	s30 =	simm.s32 $0xE00;
	s31 =	simm.s32 $0xB00;
	[smem:$0x7FF] =	sst s2  }
0x6: {  	s3 =	sand.u32 $0x1, s3;
	s4 =	sadd.s32 $0x13600, s0;
	s7 =	smul.u32 $0x4E000, s14  }
0x7: {  	s5 =	sadd.s32 $0x62000, s0;
	s8 =	sadd.s32 $0x10E00, s0;
	s20 =	smul.u32 $0x13800, s14  }
0x8: {  	s0 =	sadd.s32 $0x76000, s0;
	s11 =	sshll.u32 s14, $0x6;
	s21 =	smul.u32 $0x5000, s14  }
0x9: {  	s12 =	sadd.s32 $0x138000, s1;
	p0 =	sne.s32 s14, $0xF;
	_ =	strace $0x8000004D  }
0xa: {  	s6 =	sshll.u32 s3, $0x4;
	[dreg:$0x3] =	wrdreg s8;
	s19 =	ssub.s32 $0x2, s3  }
0xb: {  	s10 =	smul.u32 $0x138800, s3;
	s16 =	sor.u32 $0x1C05, s11;
	s11 =	simm.s32 $0x0  }
0xc: {  	s3 =	smul.u32 $0x50000, s3;
	s12 =	sshrl.u32 @!p0 s12, $0x3;
	[dreg:$0xc] =	wrdreg s11  }
0xd: {  	s6 =	sor.u32 s14, s6;
	s9 =	sshrl.u32 s19, $0x1;
	[dreg:$0x4] =	wrdreg s16  }
0xe: {  	s7 =	sshrl.u32 s7, $0x2;
	[dreg:$0xb] =	wrdreg s12;
	s6 =	smul.u32 $0x5000, s6  }
0xf: {  	s8 =	ssub.s32 s19, s9;
	s7 =	sadd.s32 s7, s1;
	s22 =	sadd.s32 s20, s10  }
0x10: {  	s23 =	sshrl.u32 s10, $0x3;
	s3 =	sadd.s32 s21, s3;
	s19 =	simm.s32 $0x1000  }
0x11: {  	s21 =	simm.s32 $0x5000;
	s20 =	simm.s32 $0xC80;
	s9 =	simm.s32 $0xF80  }
0x12: {  	s10 =	simm.s32 $0x3;
	s24 =	sor.u32 $0x800, s3;
	s25 =	smax.u32 s8, $0x1  }
0x13: {  	s3 =	sadd.s32 $0x1000, s3;
	s14 =	sshrl.u32 s7, $0x3;
	s7 =	simm.s32 $0x80  }
0x14: {  	s8 =	simm.s32 $0xF00;
	s6 =	sshrl.u32 s6, $0x3;
	[dreg:$0x8] =	wrdreg s25  }
0x15: {  	s26 =	sshrl.u32 s24, $0x3;
	[dreg:$0x9] =	wrdreg s3;
	s25 =	simm.s32 $0x2  }
0x16: {  	s24 =	simm.s32 $0xD00;
	s3 =	simm.s32 $0xB80;
	[dreg:$0xa] =	wrdreg s14  }
.Ltmp0:
0x17: {  	s6 =	sadd.s32 s5, s6;
	s13 =	sadd.s32 s26, s5;
	(pc) =	sbr.rel .LBB2_1-.Ltmp0, $4  }
0x18: {  	s26 =	simm.s32 $0xA00;
	[dreg:$0x5] =	wrdreg s6;
	s6 =	sshrl.u32 s22, $0x3  }
0x19: {  	s22 =	simm.s32 $0x1;
	s6 =	sadd.s32 s0, s6;
	s0 =	sadd.s32 s0, s23  }
0x1a: {  	s23 =	simm.s32 $0x980;
	[dreg:$0x6] =	wrdreg s6;
	s0 =	sadd.s32 $0x27000, s0  }
0x1b: {  	s6 =	simm.s32 $0x4;
	[dreg:$0x7] =	wrdreg s0;
	s0 =	simm.s32 $0xE80  }
.LBB2_4:
0x1c: {  	[bflag:$0x0] =	sbarrier.arrive $0xFFFF  }
0x1d: {  	s16 =	rddreg [dreg:$0x4]  }
0x1e: {  	s11 =	rddreg [dreg:$0x6]  }
0x1f: {  	s14 =	rddreg [dreg:$0xa]  }
0x20: {  	[hbm:s11], [sflag:s16] =	dma.local [spmem:s14], $0x2700  }
0x21: {  	_ =	swait.ge [sflag:s15], $0x2700  }
0x22: {  	[sflag:s15] =	ssyncset.done $0x0;
	s11 =	rddreg [dreg:$0x7]  }
0x23: {  	s7 =	rddreg [dreg:$0xb];
	[sflag:s15] =	ssyncadd.s32 $0xFFFFD900  }
0x24: {  	[hbm:s11], [sflag:s16] =	dma.local @!p0 [spmem:s7], $0x100  }
0x25: {  	s11 =	simm.s32 @!p0 $0x5  }
0x26: {  	_ =	swait.ge @!p0 [sflag:s11], $0x100  }
0x27: {  	s20 =	rddreg [dreg:$0xc]  }
0x28: {  	s12 =	rddreg [dreg:$0x8];
	s20 =	sadd.s32 $0x1, s20  }
0x29: {  	p1 =	sne.s32 s20, s12  }
.Ltmp1:
0x2a: {  	_ = 	snop;
	(pc) =	sbr.rel @!p1 .LBB2_5-.Ltmp1, $4  }
0x2b: {  	_ = 	snop  }
0x2c: {  	[sflag:s11] =	ssyncset.done @!p0 $0x0  }
0x2d: {  	[sflag:s11] =	ssyncadd.s32 @!p0 $0xFFFFFF00;
	[dreg:$0xc] =	wrdreg s20  }
0x2e: {  	s20 =	simm.s32 $0xC80;
	s12 =	smov.u32 s7;
	s7 =	simm.s32 $0x80  }
.LBB2_1:
0x2f: {  	s11 =	rddreg [dreg:$0x3]  }
0x30: {  	[spmem:s14], [sflag:s16] =	dma.local [hbm:s11], $0x2700  }
0x31: {  	_ =	swait.ge [sflag:s15], $0x2700  }
0x32: {  	[sflag:s15] =	ssyncset.done $0x0  }
0x33: {  	[sflag:s15] =	ssyncadd.s32 $0xFFFFD900  }
0x34: {  	[spmem:s12], [sflag:s16] =	dma.local @!p0 [hbm:s11], $0x100  }
0x35: {  	s11 =	simm.s32 @!p0 $0x5  }
0x36: {  	_ =	swait.ge @!p0 [sflag:s11], $0x100  }
0x37: {  	[sflag:s11] =	ssyncset.done @!p0 $0x0  }
0x38: {  	[sflag:s11] =	ssyncadd.s32 @!p0 $0xFFFFFF00  }
0x39: {  	[bflag:$0x0] =	sbarrier.arrive $0xFFFF  }
0x3a: {  	s16 =	rddreg [dreg:$0x5]  }
0x3b: {  	[tilespmem:s2], [sflag:$0x5] =	stream.linear.gather [hbm4b:s16+s2], $0x800, $0x38;
	[tilespmem:$0x1C880] =	vst v63  }
0x3c: {  	_ =	swait.ge [sflag:s15], $0x800  }
0x3d: {  	[sflag:s15] =	ssyncset.done $0x0  }
0x3e: {  	s11 =	simm.s32 $0x0;
	s12 =	rddreg [dreg:$0x9];
	[sflag:s15] =	ssyncadd.s32 $0xFFFFF800  }
.LBB2_2:
0x3f: {  	s14 =	sadd.s32 s11, s13  }
0x40: {  	[tilespmem:s17], [sflag:$0x4] =	stream.linear.gather [hbm4b:s14+s2], $0x800, $0x38;
	[tilespmem:$0x1C880] =	vst v63  }
0x41: {  	_ = 	snop  }
0x42: {  	[tilespmem:s19], [sflag:$0x1] =	stream.indirect.gather [hbm4b:s4+s18], $0x80, s2, s18, $0xb8;
	[tilespmem:$0x1C880] =	vst v63  }
0x43: {  	_ = 	snop  }
0x44: {  	[tilespmem:s21], [sflag:$0x2] =	stream.indirect.gather [hbm4b:s4+s18], $0x80, s7, s18, $0xb8;
	[tilespmem:$0x1C880] =	vst v63  }
0x45: {  	_ =	swait.ge [sflag:s22], $0x3E80  }
0x46: {  	[sflag:s22] =	ssyncset.done $0x0  }
0x47: {  	s16 =	simm.s32 $0x400;
	[sflag:s22] =	ssyncadd.s32 $0xFFFFC180  }
0x48: {  	[spmem:s1] =	stream.indirect.scatter.add.f32 [tilespmem:s19], [sflag:$0x5], $0x80, s16, s18, $0xb8;
	[tilespmem:$0x1C880] =	vst v63  }
0x49: {  	_ =	swait.ge [sflag:s15], $0x3E80  }
0x4a: {  	[sflag:s15] =	ssyncset.done $0x0  }
0x4b: {  	s16 =	simm.s32 $0x100;
	[sflag:s15] =	ssyncadd.s32 $0xFFFFC180  }
0x4c: {  	[tilespmem:s19], [sflag:$0x1] =	stream.indirect.gather [hbm4b:s4+s18], $0x80, s16, s18, $0xb8;
	[tilespmem:$0x1C880] =	vst v63  }
0x4d: {  	_ =	swait.ge [sflag:s25], $0x3E80  }
0x4e: {  	[sflag:s25] =	ssyncset.done $0x0  }
0x4f: {  	s16 =	simm.s32 $0x480;
	[sflag:s25] =	ssyncadd.s32 $0xFFFFC180  }
0x50: {  	[spmem:s1] =	stream.indirect.scatter.add.f32 [tilespmem:s21], [sflag:$0x5], $0x80, s16, s18, $0xb8;
	[tilespmem:$0x1C880] =	vst v63  }
0x51: {  	_ =	swait.ge [sflag:s15], $0x3E80  }
0x52: {  	[sflag:s15] =	ssyncset.done $0x0  }
0x53: {  	s16 =	simm.s32 $0x180;
	[sflag:s15] =	ssyncadd.s32 $0xFFFFC180  }
0x54: {  	[tilespmem:s21], [sflag:$0x2] =	stream.indirect.gather [hbm4b:s4+s18], $0x80, s16, s18, $0xb8;
	[tilespmem:$0x1C880] =	vst v63  }
0x55: {  	_ =	swait.ge [sflag:s22], $0x3E80  }
0x56: {  	[sflag:s22] =	ssyncset.done $0x0  }
0x57: {  	s16 =	simm.s32 $0x500;
	[sflag:s22] =	ssyncadd.s32 $0xFFFFC180  }
0x58: {  	[spmem:s1] =	stream.indirect.scatter.add.f32 [tilespmem:s19], [sflag:$0x5], $0x80, s16, s18, $0xb8;
	[tilespmem:$0x1C880] =	vst v63  }
0x59: {  	_ =	swait.ge [sflag:s15], $0x3E80  }
0x5a: {  	[sflag:s15] =	ssyncset.done $0x0  }
0x5b: {  	s16 =	simm.s32 $0x200;
	[sflag:s15] =	ssyncadd.s32 $0xFFFFC180  }
0x5c: {  	[tilespmem:s19], [sflag:$0x1] =	stream.indirect.gather [hbm4b:s4+s18], $0x80, s16, s18, $0xb8;
	[tilespmem:$0x1C880] =	vst v63  }
0x5d: {  	_ =	swait.ge [sflag:s25], $0x3E80  }
0x5e: {  	[sflag:s25] =	ssyncset.done $0x0  }
0x5f: {  	s16 =	simm.s32 $0x580;
	[sflag:s25] =	ssyncadd.s32 $0xFFFFC180  }
0x60: {  	[spmem:s1] =	stream.indirect.scatter.add.f32 [tilespmem:s21], [sflag:$0x5], $0x80, s16, s18, $0xb8;
	[tilespmem:$0x1C880] =	vst v63  }
0x61: {  	_ =	swait.ge [sflag:s15], $0x3E80  }
0x62: {  	[sflag:s15] =	ssyncset.done $0x0  }
0x63: {  	s16 =	simm.s32 $0x280;
	[sflag:s15] =	ssyncadd.s32 $0xFFFFC180  }
0x64: {  	[tilespmem:s21], [sflag:$0x2] =	stream.indirect.gather [hbm4b:s4+s18], $0x80, s16, s18, $0xb8;
	[tilespmem:$0x1C880] =	vst v63  }
0x65: {  	_ =	swait.ge [sflag:s22], $0x3E80  }
0x66: {  	[sflag:s22] =	ssyncset.done $0x0  }
0x67: {  	s16 =	simm.s32 $0x600;
	[sflag:s22] =	ssyncadd.s32 $0xFFFFC180  }
0x68: {  	[spmem:s1] =	stream.indirect.scatter.add.f32 [tilespmem:s19], [sflag:$0x5], $0x80, s16, s18, $0xb8;
	[tilespmem:$0x1C880] =	vst v63  }
0x69: {  	_ =	swait.ge [sflag:s15], $0x3E80  }
0x6a: {  	[sflag:s15] =	ssyncset.done $0x0  }
0x6b: {  	s16 =	simm.s32 $0x300;
	[sflag:s15] =	ssyncadd.s32 $0xFFFFC180  }
0x6c: {  	[tilespmem:s19], [sflag:$0x1] =	stream.indirect.gather [hbm4b:s4+s18], $0x80, s16, s18, $0xb8;
	[tilespmem:$0x1C880] =	vst v63  }
0x6d: {  	_ =	swait.ge [sflag:s25], $0x3E80  }
0x6e: {  	[sflag:s25] =	ssyncset.done $0x0  }
0x6f: {  	s16 =	simm.s32 $0x680;
	[sflag:s25] =	ssyncadd.s32 $0xFFFFC180  }
0x70: {  	[spmem:s1] =	stream.indirect.scatter.add.f32 [tilespmem:s21], [sflag:$0x5], $0x80, s16, s18, $0xb8;
	[tilespmem:$0x1C880] =	vst v63  }
0x71: {  	_ =	swait.ge [sflag:s15], $0x3E80  }
0x72: {  	[sflag:s15] =	ssyncset.done $0x0  }
0x73: {  	s16 =	simm.s32 $0x380;
	[sflag:s15] =	ssyncadd.s32 $0xFFFFC180  }
0x74: {  	[tilespmem:s21], [sflag:$0x2] =	stream.indirect.gather [hbm4b:s4+s18], $0x80, s16, s18, $0xb8;
	[tilespmem:$0x1C880] =	vst v63  }
0x75: {  	_ =	swait.ge [sflag:s22], $0x3E80  }
0x76: {  	[sflag:s22] =	ssyncset.done $0x0  }
0x77: {  	s16 =	simm.s32 $0x700;
	[sflag:s22] =	ssyncadd.s32 $0xFFFFC180  }
0x78: {  	[spmem:s1] =	stream.indirect.scatter.add.f32 [tilespmem:s19], [sflag:$0x5], $0x80, s16, s18, $0xb8;
	[tilespmem:$0x1C880] =	vst v63  }
0x79: {  	_ =	swait.ge [sflag:s15], $0x3E80  }
0x7a: {  	[sflag:s15] =	ssyncset.done $0x0  }
0x7b: {  	[sflag:s15] =	ssyncadd.s32 $0xFFFFC180  }
0x7c: {  	_ =	swait.ge [sflag:s25], $0x3E80  }
0x7d: {  	[sflag:s25] =	ssyncset.done $0x0  }
0x7e: {  	s16 =	simm.s32 $0x780;
	[sflag:s25] =	ssyncadd.s32 $0xFFFFC180  }
0x7f: {  	[spmem:s1] =	stream.indirect.scatter.add.f32 [tilespmem:s21], [sflag:$0x5], $0x80, s16, s18, $0xb8;
	[tilespmem:$0x1C880] =	vst v63  }
0x80: {  	p1 =	seq.s32 s11, $0x800;
	_ =	swait.ge [sflag:s15], $0x3E80  }
0x81: {  	s14 =	sshrl.u32 @!p1 s12, $0x3;
	[sflag:s15] =	ssyncset.done $0x0  }
0x82: {  	s14 =	sadd.s32 @!p1 s5, s14;
	s16 =	simm.s32 @!p1 $0x0;
	[sflag:s15] =	ssyncadd.s32 $0xFFFFC180  }
0x83: {  	[tilespmem:s16], [sflag:$0x3] =	stream.linear.gather @!p1 [hbm4b:s14+s16], $0x800, $0x38;
	[tilespmem:$0x1C880] =	vst v63  }
0x84: {  	_ =	swait.ge [sflag:s6], $0x800  }
0x85: {  	[sflag:s6] =	ssyncset.done $0x0  }
0x86: {  	[sflag:s6] =	ssyncadd.s32 $0xFFFFF800  }
0x87: {  	[tilespmem:s19], [sflag:$0x1] =	stream.indirect.gather [hbm4b:s4+s18], $0x80, s17, s18, $0xb8;
	[tilespmem:$0x1C880] =	vst v63  }
0x88: {  	s16 =	simm.s32 $0x880  }
0x89: {  	[tilespmem:s21], [sflag:$0x2] =	stream.indirect.gather [hbm4b:s4+s18], $0x80, s16, s18, $0xb8;
	[tilespmem:$0x1C880] =	vst v63  }
0x8a: {  	_ =	swait.ge [sflag:s22], $0x3E80  }
0x8b: {  	[sflag:s22] =	ssyncset.done $0x0  }
0x8c: {  	s16 =	simm.s32 $0xC00;
	[sflag:s22] =	ssyncadd.s32 $0xFFFFC180  }
0x8d: {  	[spmem:s1] =	stream.indirect.scatter.add.f32 [tilespmem:s19], [sflag:$0x5], $0x80, s16, s18, $0xb8;
	[tilespmem:$0x1C880] =	vst v63  }
0x8e: {  	_ =	swait.ge [sflag:s15], $0x3E80  }
0x8f: {  	[sflag:s15] =	ssyncset.done $0x0  }
0x90: {  	s16 =	simm.s32 $0x900;
	[sflag:s15] =	ssyncadd.s32 $0xFFFFC180  }
0x91: {  	[tilespmem:s19], [sflag:$0x1] =	stream.indirect.gather [hbm4b:s4+s18], $0x80, s16, s18, $0xb8;
	[tilespmem:$0x1C880] =	vst v63  }
0x92: {  	_ =	swait.ge [sflag:s25], $0x3E80  }
0x93: {  	[sflag:s25] =	ssyncset.done $0x0  }
0x94: {  	[sflag:s25] =	ssyncadd.s32 $0xFFFFC180  }
0x95: {  	[spmem:s1] =	stream.indirect.scatter.add.f32 [tilespmem:s21], [sflag:$0x5], $0x80, s20, s18, $0xb8;
	[tilespmem:$0x1C880] =	vst v63  }
0x96: {  	_ =	swait.ge [sflag:s15], $0x3E80  }
0x97: {  	[sflag:s15] =	ssyncset.done $0x0  }
0x98: {  	[sflag:s15] =	ssyncadd.s32 $0xFFFFC180  }
0x99: {  	[tilespmem:s21], [sflag:$0x2] =	stream.indirect.gather [hbm4b:s4+s18], $0x80, s23, s18, $0xb8;
	[tilespmem:$0x1C880] =	vst v63  }
0x9a: {  	_ =	swait.ge [sflag:s22], $0x3E80  }
0x9b: {  	[sflag:s22] =	ssyncset.done $0x0  }
0x9c: {  	[sflag:s22] =	ssyncadd.s32 $0xFFFFC180  }
0x9d: {  	[spmem:s1] =	stream.indirect.scatter.add.f32 [tilespmem:s19], [sflag:$0x5], $0x80, s24, s18, $0xb8;
	[tilespmem:$0x1C880] =	vst v63  }
0x9e: {  	_ =	swait.ge [sflag:s15], $0x3E80  }
0x9f: {  	[sflag:s15] =	ssyncset.done $0x0  }
0xa0: {  	[sflag:s15] =	ssyncadd.s32 $0xFFFFC180  }
0xa1: {  	[tilespmem:s19], [sflag:$0x1] =	stream.indirect.gather [hbm4b:s4+s18], $0x80, s26, s18, $0xb8;
	[tilespmem:$0x1C880] =	vst v63  }
0xa2: {  	_ =	swait.ge [sflag:s25], $0x3E80  }
0xa3: {  	[sflag:s25] =	ssyncset.done $0x0  }
0xa4: {  	[sflag:s25] =	ssyncadd.s32 $0xFFFFC180  }
0xa5: {  	[spmem:s1] =	stream.indirect.scatter.add.f32 [tilespmem:s21], [sflag:$0x5], $0x80, s28, s18, $0xb8;
	[tilespmem:$0x1C880] =	vst v63  }
0xa6: {  	_ =	swait.ge [sflag:s15], $0x3E80  }
0xa7: {  	[sflag:s15] =	ssyncset.done $0x0  }
0xa8: {  	[sflag:s15] =	ssyncadd.s32 $0xFFFFC180  }
0xa9: {  	[tilespmem:s21], [sflag:$0x2] =	stream.indirect.gather [hbm4b:s4+s18], $0x80, s29, s18, $0xb8;
	[tilespmem:$0x1C880] =	vst v63  }
0xaa: {  	_ =	swait.ge [sflag:s22], $0x3E80  }
0xab: {  	[sflag:s22] =	ssyncset.done $0x0  }
0xac: {  	[sflag:s22] =	ssyncadd.s32 $0xFFFFC180  }
0xad: {  	[spmem:s1] =	stream.indirect.scatter.add.f32 [tilespmem:s19], [sflag:$0x5], $0x80, s30, s18, $0xb8;
	[tilespmem:$0x1C880] =	vst v63  }
0xae: {  	_ =	swait.ge [sflag:s15], $0x3E80  }
0xaf: {  	[sflag:s15] =	ssyncset.done $0x0  }
0xb0: {  	[sflag:s15] =	ssyncadd.s32 $0xFFFFC180  }
0xb1: {  	[tilespmem:s19], [sflag:$0x1] =	stream.indirect.gather [hbm4b:s4+s18], $0x80, s31, s18, $0xb8;
	[tilespmem:$0x1C880] =	vst v63  }
0xb2: {  	_ =	swait.ge [sflag:s25], $0x3E80  }
0xb3: {  	[sflag:s25] =	ssyncset.done $0x0  }
0xb4: {  	[sflag:s25] =	ssyncadd.s32 $0xFFFFC180  }
0xb5: {  	[spmem:s1] =	stream.indirect.scatter.add.f32 [tilespmem:s21], [sflag:$0x5], $0x80, s0, s18, $0xb8;
	[tilespmem:$0x1C880] =	vst v63  }
0xb6: {  	_ =	swait.ge [sflag:s15], $0x3E80  }
0xb7: {  	[sflag:s15] =	ssyncset.done $0x0  }
0xb8: {  	[sflag:s15] =	ssyncadd.s32 $0xFFFFC180  }
0xb9: {  	[tilespmem:s21], [sflag:$0x2] =	stream.indirect.gather [hbm4b:s4+s18], $0x80, s3, s18, $0xb8;
	[tilespmem:$0x1C880] =	vst v63  }
0xba: {  	_ =	swait.ge [sflag:s22], $0x3E80  }
0xbb: {  	[sflag:s22] =	ssyncset.done $0x0  }
0xbc: {  	[sflag:s22] =	ssyncadd.s32 $0xFFFFC180  }
0xbd: {  	[spmem:s1] =	stream.indirect.scatter.add.f32 [tilespmem:s19], [sflag:$0x5], $0x80, s8, s18, $0xb8;
	[tilespmem:$0x1C880] =	vst v63  }
0xbe: {  	_ =	swait.ge [sflag:s15], $0x3E80  }
0xbf: {  	[sflag:s15] =	ssyncset.done $0x0  }
0xc0: {  	[sflag:s15] =	ssyncadd.s32 $0xFFFFC180  }
0xc1: {  	_ =	swait.ge [sflag:s25], $0x3E80  }
0xc2: {  	[sflag:s25] =	ssyncset.done $0x0  }
.Ltmp2:
0xc3: {  	[sflag:s25] =	ssyncadd.s32 $0xFFFFC180;
	(pc) =	sbr.rel @p1 .LBB2_4-.Ltmp2, $4  }
0xc4: {  	[spmem:s1] =	stream.indirect.scatter.add.f32 [tilespmem:s21], [sflag:$0x5], $0x80, s9, s18, $0xb8;
	[tilespmem:$0x1C880] =	vst v63  }
0xc5: {  	_ =	swait.ge [sflag:s15], $0x3E80  }
0xc6: {  	[sflag:s15] =	ssyncset.done $0x0  }
0xc7: {  	[sflag:s15] =	ssyncadd.s32 $0xFFFFC180  }
.Ltmp3:
0xc8: {  	(pc) =	sbr.rel .LBB2_2-.Ltmp3, $4  }
0xc9: {  	_ = 	snop  }
0xca: {  	_ =	swait.ge [sflag:s10], $0x800  }
0xcb: {  	[sflag:s10] =	ssyncset.done $0x0  }
0xcc: {  	s12 =	sadd.s32 $0x1000, s12;
	s11 =	sadd.s32 $0x200, s11;
	[sflag:s10] =	ssyncadd.s32 $0xFFFFF800  }
.LBB2_5:
0xcd: {  	_ =	sfence.sel $0x180000  }
0xce: {  	[bflag:$0x0] =	sbarrier.arrive $0xFFFF  }
0xcf: {  	_ =	strace $0x9000004D  }
0xd0: {  	s0 =	stileid.u32;
	[bflag:$0x2] =	sbarrier.arrive $0xFFFF  }
0xd1: {  	p0 =	sne.s32 s0, $0x0;
	s0 =	rddreg [dreg:$0x2]  }
0xd2: {  	s0 =	sadd.s32 @!p0 $0x100000, s0  }
0xd3: {  	[sflag:s0] =	ssyncadd.tile.s32 @!p0 $0x1;
	_ =	shalt  }
.Lfunc_end2:
_tile_overlayer_lowered:
.L_overlay_start_2:
0xd4: {  	(tag) =	ssettag $0x2  }
0xd5: {  	s0 =	rddreg [dreg:$0x0];
	s2 =	stileid.u32  }
0xd6: {  	s1 =	rddreg [dreg:$0x1];
	p0 =	sne.s32 s2, $0x0  }
0xd7: {  	s3 =	rddreg [dreg:$0x2];
	[bflag:$0x3] =	sbarrier.arrive $0xFFFF;
	s2 =	simm.s32 @!p0 $0x1C05  }
0xd8: {  	[timem:s3], [sflag:s2] =	dma.local @!p0 [hbm:s0], s1  }
0xd9: {  	s0 =	simm.s32 @!p0 $0x5  }
0xda: {  	_ =	swait.ge @!p0 [sflag:s0], s1  }
0xdb: {  	s1 =	ssub.s32 @!p0 $0x0, s1;
	[sflag:s0] =	ssyncset.done @!p0 $0x0  }
0xdc: {  	[sflag:s0] =	ssyncadd.s32 @!p0 s1  }
0xdd: {  	[bflag:$0x3] =	sbarrier.arrive $0xFFFF  }
0xde: {  	_ =	shalt  }

// kernel: kernel.8.cloned.1.call-start
scs
__scs_entry_jumppad:
0x0: {  	(pc) =	sbr.rel $0x88, $3  }
0x1: {  	(tag) =	ssettag $0x0;
	lr =	simm.s32 $0x1  }
0x2: {  	[smem:$0x3F98] =	sst lr;
	_ =	strace $0xD0000000  }
0x3: {  	_ = 	snop  }
0x4: {  	_ = 	snop  }
0x5: {  	_ = 	snop  }
0x6: {  	_ = 	snop  }
0x7: {  	_ = 	snop  }
__scs_overlays_trampoline_lowered:
0x8: {  	[smem:$0x3FA7] =	sst s0  }
0x9: {  	[smem:$0x3FA8] =	sst s1  }
0xa: {  	[smem:$0x3FA9] =	sst s2  }
0xb: {  	[smem:$0x3FAA] =	sst s3  }
0xc: {  	[smem:$0x3FAB] =	sst s4  }
0xd: {  	[smem:$0x3FAC] =	sst s5  }
0xe: {  	[smem:$0x3FAD] =	sst s6  }
0xf: {  	[smem:$0x3FAE] =	sst s7  }
0x10: {  	[smem:$0x3FAF] =	sst s8  }
0x11: {  	[smem:$0x3FB0] =	sst s9;
	s0 =	simm.s32 @!p0 $0x0  }
0x12: {  	s1 =	sld [smem:$0x3F96];
	s0 =	simm.s32 @p0 $0x1  }
0x13: {  	[smem:$0x3FB1] =	sst s0;
	s0 =	simm.s32 @!p1 $0x0  }
0x14: {  	s2 =	sld [smem:$0x3F95];
	s0 =	simm.s32 @p1 $0x1  }
0x15: {  	[smem:$0x3FB2] =	sst s0;
	s0 =	simm.s32 @!p2 $0x0  }
0x16: {  	s3 =	sld [smem:$0x3FDB];
	s0 =	simm.s32 @p2 $0x1  }
0x17: {  	s4 =	simm.s32 $0x1BF5;
	[smem:$0x3FB4] =	sst s0  }
0x18: {  	s0 =	sld [smem:$0x3F97];
	_ =	swait.ge [sflag:s4], $0x0  }
0x19: {  	s7 =	sld [smem:$0x3F98]  }
0x1a: {  	s8 =	sadd.s32 $0xFFFFE003, lr  }
0x1b: {  	s9 =	sadd.s32 $0xFFFFFEF7, lr;
	s5 =	simm.s32 $0xFFFFFFFF;
	p2 =	slt.u32 s8, $0xFFFFF086  }
0x1c: {  	p1 =	slt.u32 s9, $0xF7A;
	s5 =	simm.s32 @!p2 $0x0  }
0x1d: {  	s5 =	simm.s32 @p1 $0x1;
	p0 =	seq.s32 s7, s2  }
0x1e: {  	s7 =	smul.u32 @!p0 $0xF7A, s2;
	p2 =	seq.s32 @!p0 s5, $0x0  }
0x1f: {  	s9 =	smul.u32 $0xF7A, s1;
	s8 =	simm.s32 @!p0 $0x1BF5;
	p2 =	por !p2, p0  }
0x20: {  	[sflag:s8] =	ssyncset.s32 @!p0 $0xFFFFF086;
	s6 =	sadd.s32 @!p0 s3, s7;
	s7 =	simm.s32 @!p0 $0x108  }
0x21: {  	s3 =	sadd.s32 s3, s9;
	s6 =	sadd.s32 @!p0 $0x88, s6;
	s7 =	simm.s32 @p2 $0x1082  }
0x22: {  	[simem:s7], [sflag:s8] =	dma.local @!p0 [hbm:s6], $0xF7A  }
0x23: {  	s9 =	sor.u32 $0xD0000000, s2;
	s6 =	simm.s32 $0x108;
	_ =	swait.ge @!p0 [sflag:s8], $0x0  }
0x24: {  	s3 =	sadd.s32 $0x88, s3;
	s6 =	simm.s32 @!p1 $0x1082;
	[sflag:s4] =	ssyncset.s32 $0xFFFFF086  }
0x25: {  	[simem:s6], [sflag:s4] =	dma.local [hbm:s3], $0xF7A  }
0x26: {  	[smem:$0x3F98] =	sst s1;
	(tag) =	ssettag s2;
	_ =	strace s9  }
0x27: {  	s1 =	sld [smem:$0x3FA8]  }
0x28: {  	s2 =	sld [smem:$0x3FA9]  }
0x29: {  	s4 =	sld [smem:$0x3FAB]  }
0x2a: {  	p0 =	seq.s32 s5, $0x0;
	s5 =	sld [smem:$0x3FAC]  }
0x2b: {  	s6 =	sld [smem:$0x3FAD]  }
0x2c: {  	s7 =	sld [smem:$0x3FAE]  }
0x2d: {  	s3 =	simm.s32 $0x108;
	s8 =	sld [smem:$0x3FAF]  }
0x2e: {  	s3 =	simm.s32 @!p0 $0x1082;
	s9 =	sld [smem:$0x3FB0]  }
0x2f: {  	lr =	sadd.s32 s0, s3;
	s0 =	sld [smem:$0x3FA7]  }
0x30: {  	s3 =	sld [smem:$0x3FAA]  }
0x31: {  	[smem:$0x3FB3] =	sst s10  }
0x32: {  	s10 =	sld [smem:$0x3FB1];
	_ =	sdelay $0x3  }
0x33: {  	p0 =	seq.s32 s10, $0x1;
	s10 =	sld [smem:$0x3FB3];
	_ =	sdelay $0x3  }
0x34: {  	[smem:$0x3FB3] =	sst s10  }
0x35: {  	s10 =	sld [smem:$0x3FB2];
	_ =	sdelay $0x3  }
0x36: {  	p1 =	seq.s32 s10, $0x1;
	s10 =	sld [smem:$0x3FB3];
	_ =	sdelay $0x3  }
0x37: {  	[smem:$0x3FB3] =	sst s10  }
0x38: {  	s10 =	sld [smem:$0x3FB4]  }
0x39: {  	_ = 	snop;
	(pc) =	sbr.ind lr, $3  }
0x3a: {  	_ = 	snop  }
0x3b: {  	_ = 	snop  }
0x3c: {  	p2 =	seq.s32 s10, $0x1;
	s10 =	sld [smem:$0x3FB3]  }
0x3d: {  	_ =	shalt  }
0x3e: {  	_ =	shalt  }
0x3f: {  	_ =	shalt  }
0x40: {  	_ =	shalt  }
0x41: {  	_ =	shalt  }
0x42: {  	_ =	shalt  }
0x43: {  	_ =	shalt  }
0x44: {  	_ =	shalt  }
0x45: {  	_ =	shalt  }
0x46: {  	_ =	shalt  }
0x47: {  	_ =	shalt  }
0x48: {  	_ =	shalt  }
0x49: {  	_ =	shalt  }
0x4a: {  	_ =	shalt  }
0x4b: {  	_ =	shalt  }
0x4c: {  	_ =	shalt  }
0x4d: {  	_ =	shalt  }
0x4e: {  	_ =	shalt  }
0x4f: {  	_ =	shalt  }
0x50: {  	_ =	shalt  }
0x51: {  	_ =	shalt  }
0x52: {  	_ =	shalt  }
0x53: {  	_ =	shalt  }
0x54: {  	_ =	shalt  }
0x55: {  	_ =	shalt  }
0x56: {  	_ =	shalt  }
0x57: {  	_ =	shalt  }
0x58: {  	_ =	shalt  }
0x59: {  	_ =	shalt  }
0x5a: {  	_ =	shalt  }
0x5b: {  	_ =	shalt  }
0x5c: {  	_ =	shalt  }
0x5d: {  	_ =	shalt  }
0x5e: {  	_ =	shalt  }
0x5f: {  	_ =	shalt  }
0x60: {  	_ =	shalt  }
0x61: {  	_ =	shalt  }
0x62: {  	_ =	shalt  }
0x63: {  	_ =	shalt  }
0x64: {  	_ =	shalt  }
0x65: {  	_ =	shalt  }
0x66: {  	_ =	shalt  }
0x67: {  	_ =	shalt  }
0x68: {  	_ =	shalt  }
0x69: {  	_ =	shalt  }
0x6a: {  	_ =	shalt  }
0x6b: {  	_ =	shalt  }
0x6c: {  	_ =	shalt  }
0x6d: {  	_ =	shalt  }
0x6e: {  	_ =	shalt  }
0x6f: {  	_ =	shalt  }
0x70: {  	_ =	shalt  }
0x71: {  	_ =	shalt  }
0x72: {  	_ =	shalt  }
0x73: {  	_ =	shalt  }
0x74: {  	_ =	shalt  }
0x75: {  	_ =	shalt  }
0x76: {  	_ =	shalt  }
0x77: {  	_ =	shalt  }
0x78: {  	_ =	shalt  }
0x79: {  	_ =	shalt  }
0x7a: {  	_ =	shalt  }
0x7b: {  	_ =	shalt  }
0x7c: {  	_ =	shalt  }
0x7d: {  	_ =	shalt  }
0x7e: {  	_ =	shalt  }
0x7f: {  	_ =	shalt  }
0x80: {  	_ =	shalt  }
0x81: {  	_ =	shalt  }
0x82: {  	_ =	shalt  }
0x83: {  	_ =	shalt  }
0x84: {  	_ =	shalt  }
0x85: {  	_ =	shalt  }
0x86: {  	_ =	shalt  }
0x87: {  	_ =	shalt  }
.Lfunc_end0:
.L_simem_size_0:
called_computation_lowered:
.L_overlay_start_0:
0x88: {  	s2 =	sld [smem:$0x3FD9]  }
0x89: {  	s3 =	sld [smem:$0x3FFE];
	_ =	sdelay $0x1  }
0x8a: {  	s1 =	srdreg.scid  }
0x8b: {  	s0 =	sand.u32 $0x1, s1  }
0x8c: {  	s16 =	sshll.u32 s0, $0xA;
	s2 =	sadd.s32 s3, s2  }
0x8d: {  	s2 =	sadd.s32 s2, s16  }
0x8e: {  	[smem:$0x3FBF] =	sst s2  }
0x8f: {  	_ = 	snop  }
0x90: {  	(tm) =	ssettm $0x1  }
0x91: {  	s17 =	sld [smem:$0x3FFB];
	_ =	sdelay $0x3  }
0x92: {  	_ =	strace s17  }
0x93: {  	s2 =	sld [smem:$0x3FFC];
	_ =	sdelay $0x3  }
0x94: {  	_ =	strace s2  }
0x95: {  	s2 =	sld [smem:$0x3FFD];
	_ =	sdelay $0x3  }
0x96: {  	_ =	strace s2  }
0x97: {  	_ =	strace $0x8FFFFFFF  }
0x98: {  	s18 =	sld [smem:$0x3FDB];
	_ =	sdelay $0x1  }
0x99: {  	s19 =	simm.s32 $_scs_section_size  }
0x9a: {  	s4 =	simm.s32 $_size__tile_overlayer_lowered;
	s5 =	simm.s32 $_tile_overlayer_lowered  }
0x9b: {  	s22 =	simm.s32 $0x1BFF;
	s21 =	sshll.u32 s5, $0x1;
	s2 =	sadd.s32 s19, s18  }
0x9c: {  	s6 =	simm.s32 $0x0;
	s20 =	sshll.u32 s4, $0x1;
	s4 =	sadd.s32 s21, s2  }
0x9d: {  	[timem:s6], [sflag:s22] =	dma.local [hbm:s4], s20  }
0x9e: {  	_ =	swait.ge [sflag:s22], s20  }
0x9f: {  	s3 =	ssub.s32 $0x0, s20;
	[sflag:s22] =	ssyncset.done $0x0  }
0xa0: {  	[sflag:s22] =	ssyncadd.s32 s3;
	_ =	sdelay $0x1  }
0xa1: {  	s23 =	simm.s32 $0x1B8B  }
0xa2: {  	_ =	swait.ge [sflag:s23], $0x1  }
0xa3: {  	[sflag:s23] =	ssyncset.done $0x0  }
0xa4: {  	s25 =	simm.s32 $0x1B8E;
	s24 =	sld [smem:$0x3FFE];
	[sflag:s23] =	ssyncadd.s32 $0xFFFFFFFF  }
0xa5: {  	s26 =	simm.s32 $execute0_lowered;
	[smem:$0x3FD2] =	sst s25  }
0xa6: {  	s4 =	sshll.u32 s26, $0x1;
	_ =	strace $0x80000046;
	[dreg:$0x1] =	wrdreg $0xFFFFFFFF  }
0xa7: {  	s28 =	simm.s32 $_size_execute0_lowered;
	s2 =	sadd.s32 s2, s4;
	[dreg:$0x0] =	wrdreg $0x0  }
0xa8: {  	s4 =	sshll.u32 s28, $0x1;
	[dreg:$0x2] =	wrdreg s2  }
0xa9: {  	[dreg:$0x3] =	wrdreg s4  }
0xaa: {  	[dreg:$0x4] =	wrdreg $0xC0  }
0xab: {  	_ =	task [dreg:s6], $0x5FFFF  }
0xac: {  	[dreg:$0x1] =	wrdreg $0xFFFFFFFF  }
0xad: {  	[dreg:$0x0] =	wrdreg $0x60  }
0xae: {  	[dreg:$0x2] =	wrdreg s24  }
0xaf: {  	[dreg:$0x3] =	wrdreg $0x68000  }
0xb0: {  	[dreg:$0x4] =	wrdreg $0x9  }
0xb1: {  	_ =	task.clear_ibuf [dreg:s6], $0x5FFFF;
	_ =	strace $0x90000046  }
0xb2: {  	s29 =	simm.s32 $0x9;
	_ =	strace $0x80000048  }
0xb3: {  	_ =	swait.ge [sflag:s29], $0x1  }
0xb4: {  	[sflag:s29] =	ssyncadd.s32 $0xFFFFFFFF  }
0xb5: {  	_ =	strace $0x90000048  }
0xb6: {  	_ =	sfence  }
0xb7: {  	s30 =	sld [smem:$0x0];
	_ =	sdelay $0x2  }
0xb8: {  	s31 =	sshll.u32 s1, $0xD;
	s1 =	sshrl.u32 s1, $0x2  }
0xb9: {  	s3 =	sand.u32 $0x4000, s31;
	s1 =	sadd.s32 s1, s30  }
0xba: {  	s0 =	sor.u32 s3, s0;
	s1 =	sshll.u32 s1, $0x11  }
0xbb: {  	s0 =	sor.u32 s1, s0  }
0xbc: {  	s0 =	sadd.s32 $0x8F2B, s0  }
0xbd: {  	[sflag:s0] =	ssyncadd.remote.s32 $0x1  }
0xbe: {  	_ =	sfence.sel $0xFFFF  }
0xbf: {  	[dreg:$0x0] =	wrdreg $0xFFFFFFFF;
	(pc) =	sbr.abs _section_cstart, $3  }
0xc0: {  	[dreg:$0x1] =	wrdreg $0xFFFFFFFF  }
0xc1: {  	_ =	task.clear_ibuf [dreg:s6], $0x2FFFF;
	_ =	strace $0x9FFFFFFF  }
0xc2: {  	(tm) =	ssettm $0x7FFFFFFF  }
0xc3: {  	_ =	shalt  }
tec
execute0_lowered:
.L_overlay_start_1:
0x0: {  	(tag) =	ssettag $0x1  }
0x1: {  	s7 =	rddreg [dreg:$0x0]  }
0x2: {  	s0 =	srdreg.scid;
	s2 =	rddreg [dreg:$0x1];
	s3 =	simm.s32 $0x0  }
0x3: {  	s16 =	simm.s32 $0x1;
	s17 =	simm.s32 $0x0;
	s6 =	sand.u32 $0x1, s0  }
0x4: {  	s0 =	stileid.u32;
	[smem:$0x7FF] =	sst s3;
	s5 =	sadd.s32 $0x10E00, s7  }
0x5: {  	s10 =	sadd.s32 $0x13E00, s7;
	s15 =	sadd.s32 $0x138000, s2;
	s9 =	smul.u32 $0x4E000, s0  }
0x6: {  	s1 =	sshll.u32 s6, $0x4;
	s25 =	ssub.s32 $0x2, s6;
	s11 =	smul.u32 $0x138800, s6  }
0x7: {  	s12 =	smul.u32 $0x13800, s0;
	s28 =	sshll.u32 s0, $0x6;
	p0 =	sne.s32 s0, $0xF  }
0x8: {  	s4 =	sor.u32 s0, s1;
	s1 =	rddreg [dreg:$0x2];
	_ =	strace $0x80000047  }
0x9: {  	s26 =	sshrl.u32 s25, $0x1;
	s6 =	sor.u32 $0x1C02, s28;
	s4 =	smul.u32 $0x680, s4  }
0xa: {  	s9 =	sshrl.u32 s9, $0x2;
	s13 =	ssub.s32 s25, s26;
	s29 =	sadd.s32 s12, s11  }
0xb: {  	s30 =	sshrl.u32 s11, $0x3;
	s12 =	simm.s32 $0x2;
	s14 =	sadd.s32 s9, s2  }
0xc: {  	s31 =	sshrl.u32 s29, $0x3;
	s9 =	sadd.s32 s10, s30;
	s8 =	sadd.s32 s4, s7  }
0xd: {  	s4 =	sadd.s32 $0x13600, s7;
	s9 =	sadd.s32 $0x27000, s9;
	s11 =	sshrl.u32 s14, $0x3  }
0xe: {  	s14 =	simm.s32 $0x3400;
	s7 =	sadd.s32 $0x3E00, s8;
	s8 =	sadd.s32 s10, s31  }
0xf: {  	s10 =	smax.u32 s13, $0x1;
	s13 =	sshrl.u32 @!p0 s15, $0x3;
	s15 =	simm.s32 $0x64  }
.LBB2_1:
0x10: {  	[spmem:s11], [sflag:s6] =	dma.local [hbm:s5], $0x2700  }
0x11: {  	_ =	swait.ge [sflag:s12], $0x2700  }
0x12: {  	[sflag:s12] =	ssyncset.done $0x0  }
0x13: {  	s18 =	simm.s32 @!p0 $0x2;
	[sflag:s12] =	ssyncadd.s32 $0xFFFFD900  }
0x14: {  	[spmem:s13], [sflag:s6] =	dma.local @!p0 [hbm:s5], $0x100  }
0x15: {  	_ =	swait.ge @!p0 [sflag:s18], $0x100  }
0x16: {  	[sflag:s18] =	ssyncset.done @!p0 $0x0  }
0x17: {  	[sflag:s18] =	ssyncadd.s32 @!p0 $0xFFFFFF00  }
0x18: {  	[tilespmem:s3], [sflag:$0x2] =	stream.linear.gather [hbm4b:s7+s3], $0x3200, $0x38;
	[tilespmem:$0x1A080] =	vst v63  }
0x19: {  	_ =	swait.ge [sflag:s12], $0x3200  }
0x1a: {  	[sflag:s12] =	ssyncset.done $0x0  }
0x1b: {  	[sflag:s12] =	ssyncadd.s32 $0xFFFFCE00  }
0x1c: {  	[tilespmem:s14], [sflag:$0x2] =	stream.linear.gather [hbm4b:s4+s3], $0x3200, $0x38;
	[tilespmem:$0x1A080] =	vst v63  }
0x1d: {  	_ =	swait.ge [sflag:s12], $0x3200  }
0x1e: {  	[sflag:s12] =	ssyncset.done $0x0  }
0x1f: {  	[sflag:s12] =	ssyncadd.s32 $0xFFFFCE00  }
0x20: {  	s28 =	simm.s32 $0x0;
	[bflag:$0x0] =	sbarrier.arrive $0xFFFF  }
0x21: {  	[spmem:s2] =	stream.indirect.scatter.add.f32 [tilespmem:s14], [sflag:$0x1], $0x80, s28, s15, $0xb8;
	[tilespmem:$0x1A080] =	vst v63  }
0x22: {  	s29 =	simm.s32 $0x80  }
0x23: {  	[spmem:s2] =	stream.indirect.scatter.add.f32 [tilespmem:s14], [sflag:$0x1], $0x80, s29, s15, $0xb8;
	[tilespmem:$0x1A080] =	vst v63  }
0x24: {  	s30 =	simm.s32 $0x100  }
0x25: {  	[spmem:s2] =	stream.indirect.scatter.add.f32 [tilespmem:s14], [sflag:$0x1], $0x80, s30, s15, $0xb8;
	[tilespmem:$0x1A080] =	vst v63  }
0x26: {  	s31 =	simm.s32 $0x180  }
0x27: {  	[spmem:s2] =	stream.indirect.scatter.add.f32 [tilespmem:s14], [sflag:$0x1], $0x80, s31, s15, $0xb8;
	[tilespmem:$0x1A080] =	vst v63  }
0x28: {  	_ =	swait.ge [sflag:s16], $0x3200  }
0x29: {  	[sflag:s16] =	ssyncset.done $0x0  }
0x2a: {  	[sflag:s16] =	ssyncadd.s32 $0xFFFFCE00  }
0x2b: {  	_ =	swait.ge [sflag:s16], $0x3200  }
0x2c: {  	[sflag:s16] =	ssyncset.done $0x0  }
0x2d: {  	[sflag:s16] =	ssyncadd.s32 $0xFFFFCE00  }
0x2e: {  	_ =	swait.ge [sflag:s16], $0x3200  }
0x2f: {  	[sflag:s16] =	ssyncset.done $0x0  }
0x30: {  	[sflag:s16] =	ssyncadd.s32 $0xFFFFCE00  }
0x31: {  	_ =	swait.ge [sflag:s16], $0x3200  }
0x32: {  	s19 =	simm.s32 $0x1000;
	s18 =	simm.s32 $0x800;
	[sflag:s16] =	ssyncset.done $0x0  }
.LBB2_2:
0x33: {  	s20 =	sshra.s32 s18, $0x2  }
0x34: {  	[sflag:s16] =	ssyncadd.s32 $0xFFFFCE00;
	s18 =	smov.u32 s19;
	s21 =	sadd.s32 $0x800, s19  }
0x35: {  	[spmem:s2] =	stream.indirect.scatter.add.f32 [tilespmem:s14], [sflag:$0x1], $0x80, s20, s15, $0xb8;
	[tilespmem:$0x1A080] =	vst v63  }
0x36: {  	p1 =	sne.s32 s19, $0xC000;
	s19 =	sadd.s32 $0x80, s20  }
0x37: {  	[spmem:s2] =	stream.indirect.scatter.add.f32 [tilespmem:s14], [sflag:$0x1], $0x80, s19, s15, $0xb8;
	[tilespmem:$0x1A080] =	vst v63  }
0x38: {  	s19 =	sadd.s32 $0x100, s20  }
0x39: {  	[spmem:s2] =	stream.indirect.scatter.add.f32 [tilespmem:s14], [sflag:$0x1], $0x80, s19, s15, $0xb8;
	[tilespmem:$0x1A080] =	vst v63  }
0x3a: {  	s19 =	sadd.s32 $0x180, s20  }
0x3b: {  	[spmem:s2] =	stream.indirect.scatter.add.f32 [tilespmem:s14], [sflag:$0x1], $0x80, s19, s15, $0xb8;
	[tilespmem:$0x1A080] =	vst v63  }
0x3c: {  	_ =	swait.ge [sflag:s16], $0x3200  }
0x3d: {  	[sflag:s16] =	ssyncset.done $0x0  }
0x3e: {  	[sflag:s16] =	ssyncadd.s32 $0xFFFFCE00  }
0x3f: {  	_ =	swait.ge [sflag:s16], $0x3200  }
0x40: {  	[sflag:s16] =	ssyncset.done $0x0  }
0x41: {  	[sflag:s16] =	ssyncadd.s32 $0xFFFFCE00  }
.Ltmp0:
0x42: {  	_ =	swait.ge [sflag:s16], $0x3200;
	(pc) =	sbr.rel @p1 .LBB2_2-.Ltmp0, $4  }
0x43: {  	[sflag:s16] =	ssyncset.done $0x0  }
0x44: {  	[sflag:s16] =	ssyncadd.s32 $0xFFFFCE00  }
0x45: {  	_ =	swait.ge [sflag:s16], $0x3200  }
0x46: {  	s19 =	smov.u32 s21;
	[sflag:s16] =	ssyncset.done $0x0  }
0x47: {  	s18 =	sshra.s32 s18, $0x2;
	[sflag:s16] =	ssyncadd.s32 $0xFFFFCE00  }
0x48: {  	[spmem:s2] =	stream.indirect.scatter.add.f32 [tilespmem:s14], [sflag:$0x1], $0x80, s18, s15, $0xb8;
	[tilespmem:$0x1A080] =	vst v63  }
0x49: {  	s19 =	sadd.s32 $0x80, s18  }
0x4a: {  	[spmem:s2] =	stream.indirect.scatter.add.f32 [tilespmem:s14], [sflag:$0x1], $0x80, s19, s15, $0xb8;
	[tilespmem:$0x1A080] =	vst v63  }
0x4b: {  	s31 =	sadd.s32 $0x100, s18  }
0x4c: {  	[spmem:s2] =	stream.indirect.scatter.add.f32 [tilespmem:s14], [sflag:$0x1], $0x80, s31, s15, $0xb8;
	[tilespmem:$0x1A080] =	vst v63  }
0x4d: {  	s18 =	sadd.s32 $0x180, s18  }
0x4e: {  	[spmem:s2] =	stream.indirect.scatter.add.f32 [tilespmem:s14], [sflag:$0x1], $0x80, s18, s15, $0xb8;
	[tilespmem:$0x1A080] =	vst v63  }
0x4f: {  	_ =	swait.ge [sflag:s16], $0x3200  }
0x50: {  	[sflag:s16] =	ssyncset.done $0x0  }
0x51: {  	[sflag:s16] =	ssyncadd.s32 $0xFFFFCE00  }
0x52: {  	_ =	swait.ge [sflag:s16], $0x3200  }
0x53: {  	[sflag:s16] =	ssyncset.done $0x0  }
0x54: {  	[sflag:s16] =	ssyncadd.s32 $0xFFFFCE00  }
0x55: {  	_ =	swait.ge [sflag:s16], $0x3200  }
0x56: {  	[sflag:s16] =	ssyncset.done $0x0  }
0x57: {  	[sflag:s16] =	ssyncadd.s32 $0xFFFFCE00  }
0x58: {  	_ =	swait.ge [sflag:s16], $0x3200  }
0x59: {  	[sflag:s16] =	ssyncset.done $0x0  }
0x5a: {  	[sflag:s16] =	ssyncadd.s32 $0xFFFFCE00  }
0x5b: {  	[bflag:$0x0] =	sbarrier.arrive $0xFFFF  }
0x5c: {  	[hbm:s8], [sflag:s6] =	dma.local [spmem:s11], $0x2700  }
0x5d: {  	s17 =	sadd.s32 $0x1, s17;
	_ =	swait.ge [sflag:s12], $0x2700  }
0x5e: {  	p1 =	sne.s32 s17, s10;
	[sflag:s12] =	ssyncset.done $0x0  }
.Ltmp1:
0x5f: {  	s18 =	simm.s32 @!p0 $0x2;
	[sflag:s12] =	ssyncadd.s32 $0xFFFFD900;
	(pc) =	sbr.rel @p1 .LBB2_1-.Ltmp1, $4  }
0x60: {  	[hbm:s9], [sflag:s6] =	dma.local @!p0 [spmem:s13], $0x100  }
0x61: {  	_ =	swait.ge @!p0 [sflag:s18], $0x100  }
0x62: {  	[sflag:s18] =	ssyncset.done @!p0 $0x0  }
0x63: {  	[sflag:s18] =	ssyncadd.s32 @!p0 $0xFFFFFF00  }
0x64: {  	_ =	sfence.sel $0x180000  }
0x65: {  	[bflag:$0x0] =	sbarrier.arrive $0xFFFF  }
0x66: {  	p0 =	sne.s32 s0, $0x0;
	_ =	strace $0x90000047  }
0x67: {  	s0 =	sadd.s32 @!p0 $0x100000, s1;
	[bflag:$0x2] =	sbarrier.arrive $0xFFFF  }
0x68: {  	[sflag:s0] =	ssyncadd.tile.s32 @!p0 $0x1;
	_ =	shalt  }
.Lfunc_end2:
_tile_overlayer_lowered:
.L_overlay_start_2:
0x69: {  	(tag) =	ssettag $0x2  }
0x6a: {  	s0 =	rddreg [dreg:$0x0];
	s2 =	stileid.u32  }
0x6b: {  	s1 =	rddreg [dreg:$0x1];
	p0 =	sne.s32 s2, $0x0  }
0x6c: {  	s3 =	rddreg [dreg:$0x2];
	[bflag:$0x3] =	sbarrier.arrive $0xFFFF;
	s2 =	simm.s32 @!p0 $0x1C02  }
0x6d: {  	[timem:s3], [sflag:s2] =	dma.local @!p0 [hbm:s0], s1  }
0x6e: {  	s0 =	simm.s32 @!p0 $0x2  }
0x6f: {  	_ =	swait.ge @!p0 [sflag:s0], s1  }
0x70: {  	s1 =	ssub.s32 @!p0 $0x0, s1;
	[sflag:s0] =	ssyncset.done @!p0 $0x0  }
0x71: {  	[sflag:s0] =	ssyncadd.s32 @!p0 s1  }
0x72: {  	[bflag:$0x3] =	sbarrier.arrive $0xFFFF  }
0x73: {  	_ =	shalt  }

</sc_bundles>
